<compile_context>
chip_gen: v7x
topology: tpu7x:2x2x1
jax: 0.10.2.dev20260603
libtpu: 0.0.44.dev20260713+nightly
codegen_flags: <defaults>
</compile_context>

<pallas_src>
import functools

import jax
import jax.numpy as jnp
from jax import lax
from jax.experimental import pallas as pl
from jax.experimental.pallas import tpu as pltpu
from jax.experimental.pallas import tpu_sc as plsc

B = 256
T = 256
N = 256
L = 16
NG = N // L


K_SC = 128
SC_BPW = K_SC // 32


def _dominance_body(x_hbm, out_hbm, buf, mvec, vvec, rowbuf, found_ref, sem0, sem1):
    nc = 2
    wid = lax.axis_index("s") * nc + lax.axis_index("c")
    base = wid * SC_BPW
    nb = jnp.int32(SC_BPW)

    half = T // 2
    buf0, buf1 = buf

    def start_h0(b):
        return pltpu.async_copy(x_hbm.at[b, pl.ds(0, half)], buf0, sem0)

    def start_h1(b):
        return pltpu.async_copy(x_hbm.at[b, pl.ds(half, half)], buf1, sem1)

    rowbuf[...] = jnp.zeros((L,), jnp.float32)
    start_h0(base)

    def per_batch_work(bi):
        b = base + bi
        start_h1(b)

        def make_acc(hbuf):
            def acc_body(ti, carry):
                new = list(carry)
                for u in range(2):
                    t = ti * 2 + u
                    for g in range(NG):
                        v = hbuf[t, pl.ds(g * L, L)]
                        new[2 * g] = new[2 * g] + v
                        new[2 * g + 1] = new[2 * g + 1] + v * v
                return tuple(new)

            return acc_body

        zeros = tuple(jnp.zeros((L,), jnp.float32) for _ in range(2 * NG))
        pltpu.make_async_copy(x_hbm.at[b, pl.ds(0, half)], buf0, sem0).wait()
        accs = lax.fori_loop(0, half // 2, make_acc(buf0), zeros)

        @pl.when(bi + 1 < nb)
        def _():
            start_h0(b + 1)

        pltpu.make_async_copy(x_hbm.at[b, pl.ds(half, half)], buf1, sem1).wait()
        accs = lax.fori_loop(0, half // 2, make_acc(buf1), accs)
        inv_t = jnp.float32(1.0 / T)
        for g in range(NG):
            mean = accs[2 * g] * inv_t
            var = accs[2 * g + 1] * inv_t - mean * mean
            mvec[pl.ds(g * L, L)] = mean
            vvec[pl.ds(g * L, L)] = var

        found_ref[0] = jnp.int32(0)

        def chunk_body(c, carry):
            @pl.when(found_ref[0] == 0)
            def _():
                mi_vec = mvec[pl.ds(c * L, L)]
                vi_vec = vvec[pl.ds(c * L, L)]
                mjs = [mvec[pl.ds(g * L, L)] for g in range(NG)]
                vjs = [vvec[pl.ds(g * L, L)] for g in range(NG)]
                hit = jnp.zeros((L,), jnp.bool_)
                for k in range(L):
                    mb = jnp.full((L,), mi_vec[k])
                    vb = jnp.full((L,), vi_vec[k])
                    for g in range(NG):
                        c_kg = jnp.logical_and(mjs[g] > mb, vjs[g] < vb)
                        hit = jnp.logical_or(hit, c_kg)
                hitf = jnp.where(hit, jnp.float32(1.0), jnp.float32(0.0))
                any_hit = hitf[0]
                for k in range(1, L):
                    any_hit = any_hit + hitf[k]
                found_ref[0] = jnp.where(any_hit > 0, jnp.int32(1), jnp.int32(0))

            return carry

        lax.fori_loop(0, NG, chunk_body, jnp.int32(0))

        keep = jnp.where(found_ref[0] > 0, jnp.float32(0.0), jnp.float32(1.0))
        lane = lax.iota(jnp.int32, L)
        rowbuf[...] = jnp.where(lane == bi, keep, rowbuf[...])

    def per_batch(bi, carry):
        @pl.when(bi < nb)
        def _():
            per_batch_work(bi)

        return carry

    lax.fori_loop(0, SC_BPW, per_batch, jnp.int32(0))
    pltpu.sync_copy(rowbuf, out_hbm.at[wid])


@jax.jit
def _dominance_flags(x):
    mesh = plsc.VectorSubcoreMesh(core_axis_name="c", subcore_axis_name="s")
    fn = functools.partial(
        pl.kernel,
        out_type=jax.ShapeDtypeStruct((32, L), jnp.float32),
        mesh=mesh,
        scratch_types=[
            (pltpu.VMEM((T // 2, N), jnp.float32), pltpu.VMEM((T // 2, N), jnp.float32)),
            pltpu.VMEM((N + L,), jnp.float32),
            pltpu.VMEM((N + L,), jnp.float32),
            pltpu.VMEM((L,), jnp.float32),
            pltpu.SMEM((1,), jnp.int32),
            pltpu.SemaphoreType.DMA,
            pltpu.SemaphoreType.DMA,
        ],
    )(_dominance_body)
    return fn(x)


TC_BB = 64


def _tc_body(x_ref, out_ref):
    pid = pl.program_id(0)
    ones = jnp.ones((1, T), jnp.float32)
    inv_t = jnp.float32(1.0 / T)
    keeps = []
    for b in range(TC_BB):
        x = x_ref[b]
        s = jnp.dot(ones, x, preferred_element_type=jnp.float32)
        sq = jnp.dot(ones, x * x, preferred_element_type=jnp.float32)
        mean = s[0] * inv_t
        var = sq[0] * inv_t - mean * mean
        pair = jnp.logical_and(
            mean[None, :] > mean[:, None], var[None, :] < var[:, None]
        )
        found = jnp.any(pair)
        keeps.append(jnp.where(found, jnp.float32(0.0), jnp.float32(1.0)))
    cols = lax.broadcasted_iota(jnp.int32, (8, N), 1)
    prev = out_ref[...]
    v = jnp.where(pid == 0, jnp.zeros_like(prev), prev)
    for b in range(TC_BB):
        v = jnp.where(cols == pid * TC_BB + b, keeps[b], v)
    out_ref[...] = v


@jax.jit
def _tc_flags(x):
    nb = B - K_SC
    return pl.pallas_call(
        _tc_body,
        grid=(nb // TC_BB,),
        in_specs=[pl.BlockSpec((TC_BB, T, N), lambda b: (K_SC // TC_BB + b, 0, 0))],
        out_specs=pl.BlockSpec((8, N), lambda b: (0, 0)),
        out_shape=jax.ShapeDtypeStruct((8, N), jnp.float32),
    )(x)


def kernel(inputs):
    flags_sc = _dominance_flags(inputs)
    flags_tc = _tc_flags(inputs)
    keep_sc = flags_sc[:, :SC_BPW].reshape(K_SC)
    keep_tc = flags_tc[0, : B - K_SC]
    keep = jnp.concatenate([keep_sc, keep_tc])
    return jnp.broadcast_to(keep[None, :], (B, N))

# --- scband reference (transcript-rebuilt; emitter-appended) ---
"""Pipeline reference for scband-non-dominated-selection-layer-70927089926370 (READ-ONLY COPY).

The authoritative reference and input builder live on the scoring server;
editing this copy changes nothing except your own understanding.
"""

import jax, jax.numpy as jnp
import numpy as np


def setup_inputs(seed: int = 0) -> dict:
    key = jax.random.key(seed)
    inputs = jax.random.normal(key, (256, 256, 256), dtype=jnp.float32)
    return {"inputs": inputs}


def reference(inputs):
    # mean_returns = tf.reduce_mean(inputs, axis=1)
    mean_returns = jnp.mean(inputs, axis=1)  # [B, N]
    # risk_measure = std over the time axis (axis=1)
    risks = jnp.std(inputs, axis=1)          # [B, N]
    B, N = mean_returns.shape
    # Original double python loop (i over N, j over N, i != j):
    #   term_ij = (mean[:, j] > mean[:, i]) & (risks[:, j] < risks[:, i])  -> shape [B]
    #   dominated = dominated | term_ij  (broadcast [B] across the [B, N] accumulator;
    #   valid only because B == N, and the [B] vector aligns with the LAST axis)
    # Net effect: dominated[r, c] = OR over all i != j of term_ij[c], independent of r.
    M_i = mean_returns[:, :, None]  # mean[c, i]
    M_j = mean_returns[:, None, :]  # mean[c, j]
    R_i = risks[:, :, None]         # risks[c, i]
    R_j = risks[:, None, :]         # risks[c, j]
    pair = jnp.logical_and(M_j > M_i, R_j < R_i)  # [B, N, N], pair[c, i, j]
    off_diag = jnp.logical_not(jnp.eye(N, dtype=bool))
    any_dom = jnp.any(jnp.logical_and(pair, off_diag[None, :, :]), axis=(1, 2))  # [B]
    dominated = jnp.broadcast_to(any_dom[None, :], (B, N))  # B == N broadcast semantics
    return jnp.logical_not(dominated).astype(jnp.float32)

if __name__ == "__main__":
    import jax
    _d = setup_inputs()
    print(jax.jit(kernel)(*tuple(_d.values())))

</pallas_src>

<mosaic_0001>
#map = affine_map<(d0, d1) -> (0, 0, 0)>
#map1 = affine_map<(d0, d1) -> (0, 0)>
module attributes {stable_mosaic.version = 14 : i64} {
  func.func @_dominance_body(%arg0: i32, %arg1: i32, %arg2: memref<256x256x256xf32, #tpu.memory_space<hbm>>, %arg3: memref<32x16xf32, #tpu.memory_space<hbm>>, %arg4: memref<128x256xf32, #tpu.memory_space<vmem>>, %arg5: memref<128x256xf32, #tpu.memory_space<vmem>>, %arg6: memref<272xf32, #tpu.memory_space<vmem>>, %arg7: memref<272xf32, #tpu.memory_space<vmem>>, %arg8: memref<16xf32, #tpu.memory_space<vmem>>, %arg9: memref<1xi32, #tpu.memory_space<smem>>, %arg10: memref<!tpu.dma_semaphore, #tpu.memory_space<semaphore_mem>>, %arg11: memref<!tpu.dma_semaphore, #tpu.memory_space<semaphore_mem>>) attributes {dimension_semantics = [#tpu.dimension_semantics<core_parallel>, #tpu.dimension_semantics<subcore_parallel>], iteration_bounds = array<i64: 2, 16>, scalar_prefetch = 0 : i64, scratch_operands = 8 : i64, tpu.core_type = #tpu.core_type<sc_vector_subcore>, window_params = [{transform_indices = #map}, {transform_indices = #map1}]} {
    %mul3A = arith.constant 2 : i32
    %mul3A_0 = arith.muli %arg1, %mul3A : i32
    %add3A = arith.addi %mul3A_0, %arg0 : i32
    %mul3A_1 = arith.constant 4 : i32
    %mul3A_2 = arith.muli %add3A, %mul3A_1 : i32
    %broadcast_in_dim3A = arith.constant 0.000000e+00 : f32
    %broadcast_in_dim3A_3 = vector.broadcast %broadcast_in_dim3A : f32 to vector<16xf32>
    %swap3A = arith.constant 0 : index
    %swap3A_4 = tpu.vector_load %arg8[%swap3A] {strides = array<i32>} : memref<16xf32, #tpu.memory_space<vmem>>, vector<16xf32>,
    %swap3A_5 = vector.shape_cast %swap3A_4 : vector<16xf32> to vector<16xf32>
    %swap3A_6 = vector.shape_cast %broadcast_in_dim3A_3 : vector<16xf32> to vector<16xf32>
    tpu.vector_store %arg8[%swap3A], %swap3A_6 {strides = array<i32>} : memref<16xf32, #tpu.memory_space<vmem>>, vector<16xf32>,
    %dma_start3A = arith.constant 0 : i32
    %dma_start3A_7 = arith.constant 0 : i32
    %dma_start3A_8 = tpu.memref_slice %arg2[%mul3A_2, %dma_start3A, %dma_start3A_7] : memref<256x256x256xf32, #tpu.memory_space<hbm>> -> memref<1x128x256xf32, #tpu.memory_space<hbm>>
    %dma_start3A_9 = tpu.memref_squeeze %dma_start3A_8 : memref<1x128x256xf32, #tpu.memory_space<hbm>> -> memref<128x256xf32, #tpu.memory_space<hbm>>
    %dma_start3A_10 = arith.constant 0 : i32
    %dma_start3A_11 = arith.constant 0 : i32
    %dma_start3A_12 = tpu.memref_slice %arg2[%mul3A_2, %dma_start3A_10, %dma_start3A_11] : memref<256x256x256xf32, #tpu.memory_space<hbm>> -> memref<1x128x256xf32, #tpu.memory_space<hbm>>
    %dma_start3A_13 = tpu.memref_squeeze %dma_start3A_12 : memref<1x128x256xf32, #tpu.memory_space<hbm>> -> memref<128x256xf32, #tpu.memory_space<hbm>>
    tpu.enqueue_dma source(%dma_start3A_13 : memref<128x256xf32, #tpu.memory_space<hbm>>) target(%arg4 : memref<128x256xf32, #tpu.memory_space<vmem>>) target_semaphore(%arg10 : memref<!tpu.dma_semaphore, #tpu.memory_space<semaphore_mem>>)
    %scan3A = arith.constant 0 : i32
    %scan3A_14 = arith.constant 4 : i32
    %scan3A_15 = arith.constant 0 : i32
    %scan3A_16 = arith.constant 4 : i32
    %scan3A_17 = arith.addi %scan3A_15, %scan3A_16 : i32
    %scan3A_18 = arith.constant 1 : i32
    scf.for %scan3A_20 = %scan3A_15 to %scan3A_17 step %scan3A_18  : i32 {
      %lt3A = arith.cmpi slt, %scan3A_20, %scan3A_14 : i32
      %convert_element_type3A = arith.extui %lt3A : i1 to i32
      %cond3A = arith.constant 0 : i32
      %cond3A_21 = arith.cmpi ne, %convert_element_type3A, %cond3A : i32
      scf.if %cond3A_21 {
        %add3A_22 = arith.addi %mul3A_2, %scan3A_20 : i32
        %dma_start3A_23 = arith.constant 128 : i32
        %dma_start3A_24 = arith.constant 0 : i32
        %dma_start3A_25 = tpu.memref_slice %arg2[%add3A_22, %dma_start3A_23, %dma_start3A_24] : memref<256x256x256xf32, #tpu.memory_space<hbm>> -> memref<1x128x256xf32, #tpu.memory_space<hbm>>
        %dma_start3A_26 = tpu.memref_squeeze %dma_start3A_25 : memref<1x128x256xf32, #tpu.memory_space<hbm>> -> memref<128x256xf32, #tpu.memory_space<hbm>>
        %dma_start3A_27 = arith.constant 128 : i32
        %dma_start3A_28 = arith.constant 0 : i32
        %dma_start3A_29 = tpu.memref_slice %arg2[%add3A_22, %dma_start3A_27, %dma_start3A_28] : memref<256x256x256xf32, #tpu.memory_space<hbm>> -> memref<1x128x256xf32, #tpu.memory_space<hbm>>
        %dma_start3A_30 = tpu.memref_squeeze %dma_start3A_29 : memref<1x128x256xf32, #tpu.memory_space<hbm>> -> memref<128x256xf32, #tpu.memory_space<hbm>>
        tpu.enqueue_dma source(%dma_start3A_30 : memref<128x256xf32, #tpu.memory_space<hbm>>) target(%arg5 : memref<128x256xf32, #tpu.memory_space<vmem>>) target_semaphore(%arg11 : memref<!tpu.dma_semaphore, #tpu.memory_space<semaphore_mem>>)
        %broadcast_in_dim3A_31 = arith.constant 0.000000e+00 : f32
        %broadcast_in_dim3A_32 = vector.broadcast %broadcast_in_dim3A_31 : f32 to vector<16xf32>
        %broadcast_in_dim3A_33 = arith.constant 0.000000e+00 : f32
        %broadcast_in_dim3A_34 = vector.broadcast %broadcast_in_dim3A_33 : f32 to vector<16xf32>
        %broadcast_in_dim3A_35 = arith.constant 0.000000e+00 : f32
        %broadcast_in_dim3A_36 = vector.broadcast %broadcast_in_dim3A_35 : f32 to vector<16xf32>
        %broadcast_in_dim3A_37 = arith.constant 0.000000e+00 : f32
        %broadcast_in_dim3A_38 = vector.broadcast %broadcast_in_dim3A_37 : f32 to vector<16xf32>
        %broadcast_in_dim3A_39 = arith.constant 0.000000e+00 : f32
        %broadcast_in_dim3A_40 = vector.broadcast %broadcast_in_dim3A_39 : f32 to vector<16xf32>
        %broadcast_in_dim3A_41 = arith.constant 0.000000e+00 : f32
        %broadcast_in_dim3A_42 = vector.broadcast %broadcast_in_dim3A_41 : f32 to vector<16xf32>
        %broadcast_in_dim3A_43 = arith.constant 0.000000e+00 : f32
        %broadcast_in_dim3A_44 = vector.broadcast %broadcast_in_dim3A_43 : f32 to vector<16xf32>
        %broadcast_in_dim3A_45 = arith.constant 0.000000e+00 : f32
        %broadcast_in_dim3A_46 = vector.broadcast %broadcast_in_dim3A_45 : f32 to vector<16xf32>
        %broadcast_in_dim3A_47 = arith.constant 0.000000e+00 : f32
        %broadcast_in_dim3A_48 = vector.broadcast %broadcast_in_dim3A_47 : f32 to vector<16xf32>
        %broadcast_in_dim3A_49 = arith.constant 0.000000e+00 : f32
        %broadcast_in_dim3A_50 = vector.broadcast %broadcast_in_dim3A_49 : f32 to vector<16xf32>
        %broadcast_in_dim3A_51 = arith.constant 0.000000e+00 : f32
        %broadcast_in_dim3A_52 = vector.broadcast %broadcast_in_dim3A_51 : f32 to vector<16xf32>
        %broadcast_in_dim3A_53 = arith.constant 0.000000e+00 : f32
        %broadcast_in_dim3A_54 = vector.broadcast %broadcast_in_dim3A_53 : f32 to vector<16xf32>
        %broadcast_in_dim3A_55 = arith.constant 0.000000e+00 : f32
        %broadcast_in_dim3A_56 = vector.broadcast %broadcast_in_dim3A_55 : f32 to vector<16xf32>
        %broadcast_in_dim3A_57 = arith.constant 0.000000e+00 : f32
        %broadcast_in_dim3A_58 = vector.broadcast %broadcast_in_dim3A_57 : f32 to vector<16xf32>
        %broadcast_in_dim3A_59 = arith.constant 0.000000e+00 : f32
        %broadcast_in_dim3A_60 = vector.broadcast %broadcast_in_dim3A_59 : f32 to vector<16xf32>
        %broadcast_in_dim3A_61 = arith.constant 0.000000e+00 : f32
        %broadcast_in_dim3A_62 = vector.broadcast %broadcast_in_dim3A_61 : f32 to vector<16xf32>
        %broadcast_in_dim3A_63 = arith.constant 0.000000e+00 : f32
        %broadcast_in_dim3A_64 = vector.broadcast %broadcast_in_dim3A_63 : f32 to vector<16xf32>
        %broadcast_in_dim3A_65 = arith.constant 0.000000e+00 : f32
        %broadcast_in_dim3A_66 = vector.broadcast %broadcast_in_dim3A_65 : f32 to vector<16xf32>
        %broadcast_in_dim3A_67 = arith.constant 0.000000e+00 : f32
        %broadcast_in_dim3A_68 = vector.broadcast %broadcast_in_dim3A_67 : f32 to vector<16xf32>
        %broadcast_in_dim3A_69 = arith.constant 0.000000e+00 : f32
        %broadcast_in_dim3A_70 = vector.broadcast %broadcast_in_dim3A_69 : f32 to vector<16xf32>
        %broadcast_in_dim3A_71 = arith.constant 0.000000e+00 : f32
        %broadcast_in_dim3A_72 = vector.broadcast %broadcast_in_dim3A_71 : f32 to vector<16xf32>
        %broadcast_in_dim3A_73 = arith.constant 0.000000e+00 : f32
        %broadcast_in_dim3A_74 = vector.broadcast %broadcast_in_dim3A_73 : f32 to vector<16xf32>
        %broadcast_in_dim3A_75 = arith.constant 0.000000e+00 : f32
        %broadcast_in_dim3A_76 = vector.broadcast %broadcast_in_dim3A_75 : f32 to vector<16xf32>
        %broadcast_in_dim3A_77 = arith.constant 0.000000e+00 : f32
        %broadcast_in_dim3A_78 = vector.broadcast %broadcast_in_dim3A_77 : f32 to vector<16xf32>
        %broadcast_in_dim3A_79 = arith.constant 0.000000e+00 : f32
        %broadcast_in_dim3A_80 = vector.broadcast %broadcast_in_dim3A_79 : f32 to vector<16xf32>
        %broadcast_in_dim3A_81 = arith.constant 0.000000e+00 : f32
        %broadcast_in_dim3A_82 = vector.broadcast %broadcast_in_dim3A_81 : f32 to vector<16xf32>
        %broadcast_in_dim3A_83 = arith.constant 0.000000e+00 : f32
        %broadcast_in_dim3A_84 = vector.broadcast %broadcast_in_dim3A_83 : f32 to vector<16xf32>
        %broadcast_in_dim3A_85 = arith.constant 0.000000e+00 : f32
        %broadcast_in_dim3A_86 = vector.broadcast %broadcast_in_dim3A_85 : f32 to vector<16xf32>
        %broadcast_in_dim3A_87 = arith.constant 0.000000e+00 : f32
        %broadcast_in_dim3A_88 = vector.broadcast %broadcast_in_dim3A_87 : f32 to vector<16xf32>
        %broadcast_in_dim3A_89 = arith.constant 0.000000e+00 : f32
        %broadcast_in_dim3A_90 = vector.broadcast %broadcast_in_dim3A_89 : f32 to vector<16xf32>
        %broadcast_in_dim3A_91 = arith.constant 0.000000e+00 : f32
        %broadcast_in_dim3A_92 = vector.broadcast %broadcast_in_dim3A_91 : f32 to vector<16xf32>
        %broadcast_in_dim3A_93 = arith.constant 0.000000e+00 : f32
        %broadcast_in_dim3A_94 = vector.broadcast %broadcast_in_dim3A_93 : f32 to vector<16xf32>
        %dma_wait3A = arith.constant 0 : i32
        %dma_wait3A_95 = arith.constant 0 : i32
        %dma_wait3A_96 = tpu.memref_slice %arg2[%add3A_22, %dma_wait3A, %dma_wait3A_95] : memref<256x256x256xf32, #tpu.memory_space<hbm>> -> memref<1x128x256xf32, #tpu.memory_space<hbm>>
        %dma_wait3A_97 = tpu.memref_squeeze %dma_wait3A_96 : memref<1x128x256xf32, #tpu.memory_space<hbm>> -> memref<128x256xf32, #tpu.memory_space<hbm>>
        %dma_wait3A_98 = arith.constant 0 : i32
        %dma_wait3A_99 = arith.constant 0 : i32
        %dma_wait3A_100 = tpu.memref_slice %arg2[%add3A_22, %dma_wait3A_98, %dma_wait3A_99] : memref<256x256x256xf32, #tpu.memory_space<hbm>> -> memref<1x128x256xf32, #tpu.memory_space<hbm>>
        %dma_wait3A_101 = tpu.memref_squeeze %dma_wait3A_100 : memref<1x128x256xf32, #tpu.memory_space<hbm>> -> memref<128x256xf32, #tpu.memory_space<hbm>>
        tpu.wait_dma2 semaphore(%arg10 : memref<!tpu.dma_semaphore, #tpu.memory_space<semaphore_mem>>) src(%dma_wait3A_101 : memref<128x256xf32, #tpu.memory_space<hbm>>) dst(%arg4 : memref<128x256xf32, #tpu.memory_space<vmem>>)
        %scan3A_102 = arith.constant 0 : i32
        %scan3A_103 = arith.constant 64 : i32
        %scan3A_104 = arith.addi %scan3A_102, %scan3A_103 : i32
        %scan3A_105 = arith.constant 1 : i32
        %scan3A_106:32 = scf.for %scan3A_407 = %scan3A_102 to %scan3A_104 step %scan3A_105 iter_args(%scan3A_408 = %broadcast_in_dim3A_32, %scan3A_409 = %broadcast_in_dim3A_34, %scan3A_410 = %broadcast_in_dim3A_36, %scan3A_411 = %broadcast_in_dim3A_38, %scan3A_412 = %broadcast_in_dim3A_40, %scan3A_413 = %broadcast_in_dim3A_42, %scan3A_414 = %broadcast_in_dim3A_44, %scan3A_415 = %broadcast_in_dim3A_46, %scan3A_416 = %broadcast_in_dim3A_48, %scan3A_417 = %broadcast_in_dim3A_50, %scan3A_418 = %broadcast_in_dim3A_52, %scan3A_419 = %broadcast_in_dim3A_54, %scan3A_420 = %broadcast_in_dim3A_56, %scan3A_421 = %broadcast_in_dim3A_58, %scan3A_422 = %broadcast_in_dim3A_60, %scan3A_423 = %broadcast_in_dim3A_62, %scan3A_424 = %broadcast_in_dim3A_64, %scan3A_425 = %broadcast_in_dim3A_66, %scan3A_426 = %broadcast_in_dim3A_68, %scan3A_427 = %broadcast_in_dim3A_70, %scan3A_428 = %broadcast_in_dim3A_72, %scan3A_429 = %broadcast_in_dim3A_74, %scan3A_430 = %broadcast_in_dim3A_76, %scan3A_431 = %broadcast_in_dim3A_78, %scan3A_432 = %broadcast_in_dim3A_80, %scan3A_433 = %broadcast_in_dim3A_82, %scan3A_434 = %broadcast_in_dim3A_84, %scan3A_435 = %broadcast_in_dim3A_86, %scan3A_436 = %broadcast_in_dim3A_88, %scan3A_437 = %broadcast_in_dim3A_90, %scan3A_438 = %broadcast_in_dim3A_92, %scan3A_439 = %broadcast_in_dim3A_94) -> (vector<16xf32>, vector<16xf32>, vector<16xf32>, vector<16xf32>, vector<16xf32>, vector<16xf32>, vector<16xf32>, vector<16xf32>, vector<16xf32>, vector<16xf32>, vector<16xf32>, vector<16xf32>, vector<16xf32>, vector<16xf32>, vector<16xf32>, vector<16xf32>, vector<16xf32>, vector<16xf32>, vector<16xf32>, vector<16xf32>, vector<16xf32>, vector<16xf32>, vector<16xf32>, vector<16xf32>, vector<16xf32>, vector<16xf32>, vector<16xf32>, vector<16xf32>, vector<16xf32>, vector<16xf32>, vector<16xf32>, vector<16xf32>)  : i32 {
          %mul3A_440 = arith.constant 2 : i32
          %mul3A_441 = arith.muli %scan3A_407, %mul3A_440 : i32
          %add3A_442 = arith.constant 0 : i32
          %add3A_443 = arith.addi %mul3A_441, %add3A_442 : i32
          %get3A_444 = arith.index_cast %add3A_443 : i32 to index
          %get3A_445 = arith.constant 0 : index
          %get3A_446 = tpu.vector_load %arg4[%get3A_444, %get3A_445] {strides = array<i32>} : memref<128x256xf32, #tpu.memory_space<vmem>>, vector<1x16xf32>,
          %get3A_447 = vector.shape_cast %get3A_446 : vector<1x16xf32> to vector<16xf32>
          %add3A_448 = arith.addf %scan3A_408, %get3A_447 : vector<16xf32>
          %mul3A_449 = arith.mulf %get3A_447, %get3A_447 : vector<16xf32>
          %add3A_450 = arith.addf %scan3A_409, %mul3A_449 : vector<16xf32>
          %get3A_451 = arith.index_cast %add3A_443 : i32 to index
          %get3A_452 = arith.constant 16 : index
          %get3A_453 = tpu.vector_load %arg4[%get3A_451, %get3A_452] {strides = array<i32>} : memref<128x256xf32, #tpu.memory_space<vmem>>, vector<1x16xf32>,
          %get3A_454 = vector.shape_cast %get3A_453 : vector<1x16xf32> to vector<16xf32>
          %add3A_455 = arith.addf %scan3A_410, %get3A_454 : vector<16xf32>
          %mul3A_456 = arith.mulf %get3A_454, %get3A_454 : vector<16xf32>
          %add3A_457 = arith.addf %scan3A_411, %mul3A_456 : vector<16xf32>
          %get3A_458 = arith.index_cast %add3A_443 : i32 to index
          %get3A_459 = arith.constant 32 : index
          %get3A_460 = tpu.vector_load %arg4[%get3A_458, %get3A_459] {strides = array<i32>} : memref<128x256xf32, #tpu.memory_space<vmem>>, vector<1x16xf32>,
          %get3A_461 = vector.shape_cast %get3A_460 : vector<1x16xf32> to vector<16xf32>
          %add3A_462 = arith.addf %scan3A_412, %get3A_461 : vector<16xf32>
          %mul3A_463 = arith.mulf %get3A_461, %get3A_461 : vector<16xf32>
          %add3A_464 = arith.addf %scan3A_413, %mul3A_463 : vector<16xf32>
          %get3A_465 = arith.index_cast %add3A_443 : i32 to index
          %get3A_466 = arith.constant 48 : index
          %get3A_467 = tpu.vector_load %arg4[%get3A_465, %get3A_466] {strides = array<i32>} : memref<128x256xf32, #tpu.memory_space<vmem>>, vector<1x16xf32>,
          %get3A_468 = vector.shape_cast %get3A_467 : vector<1x16xf32> to vector<16xf32>
          %add3A_469 = arith.addf %scan3A_414, %get3A_468 : vector<16xf32>
          %mul3A_470 = arith.mulf %get3A_468, %get3A_468 : vector<16xf32>
          %add3A_471 = arith.addf %scan3A_415, %mul3A_470 : vector<16xf32>
          %get3A_472 = arith.index_cast %add3A_443 : i32 to index
          %get3A_473 = arith.constant 64 : index
          %get3A_474 = tpu.vector_load %arg4[%get3A_472, %get3A_473] {strides = array<i32>} : memref<128x256xf32, #tpu.memory_space<vmem>>, vector<1x16xf32>,
          %get3A_475 = vector.shape_cast %get3A_474 : vector<1x16xf32> to vector<16xf32>
          %add3A_476 = arith.addf %scan3A_416, %get3A_475 : vector<16xf32>
          %mul3A_477 = arith.mulf %get3A_475, %get3A_475 : vector<16xf32>
          %add3A_478 = arith.addf %scan3A_417, %mul3A_477 : vector<16xf32>
          %get3A_479 = arith.index_cast %add3A_443 : i32 to index
          %get3A_480 = arith.constant 80 : index
          %get3A_481 = tpu.vector_load %arg4[%get3A_479, %get3A_480] {strides = array<i32>} : memref<128x256xf32, #tpu.memory_space<vmem>>, vector<1x16xf32>,
          %get3A_482 = vector.shape_cast %get3A_481 : vector<1x16xf32> to vector<16xf32>
          %add3A_483 = arith.addf %scan3A_418, %get3A_482 : vector<16xf32>
          %mul3A_484 = arith.mulf %get3A_482, %get3A_482 : vector<16xf32>
          %add3A_485 = arith.addf %scan3A_419, %mul3A_484 : vector<16xf32>
          %get3A_486 = arith.index_cast %add3A_443 : i32 to index
          %get3A_487 = arith.constant 96 : index
          %get3A_488 = tpu.vector_load %arg4[%get3A_486, %get3A_487] {strides = array<i32>} : memref<128x256xf32, #tpu.memory_space<vmem>>, vector<1x16xf32>,
          %get3A_489 = vector.shape_cast %get3A_488 : vector<1x16xf32> to vector<16xf32>
          %add3A_490 = arith.addf %scan3A_420, %get3A_489 : vector<16xf32>
          %mul3A_491 = arith.mulf %get3A_489, %get3A_489 : vector<16xf32>
          %add3A_492 = arith.addf %scan3A_421, %mul3A_491 : vector<16xf32>
          %get3A_493 = arith.index_cast %add3A_443 : i32 to index
          %get3A_494 = arith.constant 112 : index
          %get3A_495 = tpu.vector_load %arg4[%get3A_493, %get3A_494] {strides = array<i32>} : memref<128x256xf32, #tpu.memory_space<vmem>>, vector<1x16xf32>,
          %get3A_496 = vector.shape_cast %get3A_495 : vector<1x16xf32> to vector<16xf32>
          %add3A_497 = arith.addf %scan3A_422, %get3A_496 : vector<16xf32>
          %mul3A_498 = arith.mulf %get3A_496, %get3A_496 : vector<16xf32>
          %add3A_499 = arith.addf %scan3A_423, %mul3A_498 : vector<16xf32>
          %get3A_500 = arith.index_cast %add3A_443 : i32 to index
          %get3A_501 = arith.constant 128 : index
          %get3A_502 = tpu.vector_load %arg4[%get3A_500, %get3A_501] {strides = array<i32>} : memref<128x256xf32, #tpu.memory_space<vmem>>, vector<1x16xf32>,
          %get3A_503 = vector.shape_cast %get3A_502 : vector<1x16xf32> to vector<16xf32>
          %add3A_504 = arith.addf %scan3A_424, %get3A_503 : vector<16xf32>
          %mul3A_505 = arith.mulf %get3A_503, %get3A_503 : vector<16xf32>
          %add3A_506 = arith.addf %scan3A_425, %mul3A_505 : vector<16xf32>
          %get3A_507 = arith.index_cast %add3A_443 : i32 to index
          %get3A_508 = arith.constant 144 : index
          %get3A_509 = tpu.vector_load %arg4[%get3A_507, %get3A_508] {strides = array<i32>} : memref<128x256xf32, #tpu.memory_space<vmem>>, vector<1x16xf32>,
          %get3A_510 = vector.shape_cast %get3A_509 : vector<1x16xf32> to vector<16xf32>
          %add3A_511 = arith.addf %scan3A_426, %get3A_510 : vector<16xf32>
          %mul3A_512 = arith.mulf %get3A_510, %get3A_510 : vector<16xf32>
          %add3A_513 = arith.addf %scan3A_427, %mul3A_512 : vector<16xf32>
          %get3A_514 = arith.index_cast %add3A_443 : i32 to index
          %get3A_515 = arith.constant 160 : index
          %get3A_516 = tpu.vector_load %arg4[%get3A_514, %get3A_515] {strides = array<i32>} : memref<128x256xf32, #tpu.memory_space<vmem>>, vector<1x16xf32>,
          %get3A_517 = vector.shape_cast %get3A_516 : vector<1x16xf32> to vector<16xf32>
          %add3A_518 = arith.addf %scan3A_428, %get3A_517 : vector<16xf32>
          %mul3A_519 = arith.mulf %get3A_517, %get3A_517 : vector<16xf32>
          %add3A_520 = arith.addf %scan3A_429, %mul3A_519 : vector<16xf32>
          %get3A_521 = arith.index_cast %add3A_443 : i32 to index
          %get3A_522 = arith.constant 176 : index
          %get3A_523 = tpu.vector_load %arg4[%get3A_521, %get3A_522] {strides = array<i32>} : memref<128x256xf32, #tpu.memory_space<vmem>>, vector<1x16xf32>,
          %get3A_524 = vector.shape_cast %get3A_523 : vector<1x16xf32> to vector<16xf32>
          %add3A_525 = arith.addf %scan3A_430, %get3A_524 : vector<16xf32>
          %mul3A_526 = arith.mulf %get3A_524, %get3A_524 : vector<16xf32>
          %add3A_527 = arith.addf %scan3A_431, %mul3A_526 : vector<16xf32>
          %get3A_528 = arith.index_cast %add3A_443 : i32 to index
          %get3A_529 = arith.constant 192 : index
          %get3A_530 = tpu.vector_load %arg4[%get3A_528, %get3A_529] {strides = array<i32>} : memref<128x256xf32, #tpu.memory_space<vmem>>, vector<1x16xf32>,
          %get3A_531 = vector.shape_cast %get3A_530 : vector<1x16xf32> to vector<16xf32>
          %add3A_532 = arith.addf %scan3A_432, %get3A_531 : vector<16xf32>
          %mul3A_533 = arith.mulf %get3A_531, %get3A_531 : vector<16xf32>
          %add3A_534 = arith.addf %scan3A_433, %mul3A_533 : vector<16xf32>
          %get3A_535 = arith.index_cast %add3A_443 : i32 to index
          %get3A_536 = arith.constant 208 : index
          %get3A_537 = tpu.vector_load %arg4[%get3A_535, %get3A_536] {strides = array<i32>} : memref<128x256xf32, #tpu.memory_space<vmem>>, vector<1x16xf32>,
          %get3A_538 = vector.shape_cast %get3A_537 : vector<1x16xf32> to vector<16xf32>
          %add3A_539 = arith.addf %scan3A_434, %get3A_538 : vector<16xf32>
          %mul3A_540 = arith.mulf %get3A_538, %get3A_538 : vector<16xf32>
          %add3A_541 = arith.addf %scan3A_435, %mul3A_540 : vector<16xf32>
          %get3A_542 = arith.index_cast %add3A_443 : i32 to index
          %get3A_543 = arith.constant 224 : index
          %get3A_544 = tpu.vector_load %arg4[%get3A_542, %get3A_543] {strides = array<i32>} : memref<128x256xf32, #tpu.memory_space<vmem>>, vector<1x16xf32>,
          %get3A_545 = vector.shape_cast %get3A_544 : vector<1x16xf32> to vector<16xf32>
          %add3A_546 = arith.addf %scan3A_436, %get3A_545 : vector<16xf32>
          %mul3A_547 = arith.mulf %get3A_545, %get3A_545 : vector<16xf32>
          %add3A_548 = arith.addf %scan3A_437, %mul3A_547 : vector<16xf32>
          %get3A_549 = arith.index_cast %add3A_443 : i32 to index
          %get3A_550 = arith.constant 240 : index
          %get3A_551 = tpu.vector_load %arg4[%get3A_549, %get3A_550] {strides = array<i32>} : memref<128x256xf32, #tpu.memory_space<vmem>>, vector<1x16xf32>,
          %get3A_552 = vector.shape_cast %get3A_551 : vector<1x16xf32> to vector<16xf32>
          %add3A_553 = arith.addf %scan3A_438, %get3A_552 : vector<16xf32>
          %mul3A_554 = arith.mulf %get3A_552, %get3A_552 : vector<16xf32>
          %add3A_555 = arith.addf %scan3A_439, %mul3A_554 : vector<16xf32>
          %mul3A_556 = arith.constant 2 : i32
          %mul3A_557 = arith.muli %scan3A_407, %mul3A_556 : i32
          %add3A_558 = arith.constant 1 : i32
          %add3A_559 = arith.addi %mul3A_557, %add3A_558 : i32
          %get3A_560 = arith.index_cast %add3A_559 : i32 to index
          %get3A_561 = arith.constant 0 : index
          %get3A_562 = tpu.vector_load %arg4[%get3A_560, %get3A_561] {strides = array<i32>} : memref<128x256xf32, #tpu.memory_space<vmem>>, vector<1x16xf32>,
          %get3A_563 = vector.shape_cast %get3A_562 : vector<1x16xf32> to vector<16xf32>
          %add3A_564 = arith.addf %add3A_448, %get3A_563 : vector<16xf32>
          %mul3A_565 = arith.mulf %get3A_563, %get3A_563 : vector<16xf32>
          %add3A_566 = arith.addf %add3A_450, %mul3A_565 : vector<16xf32>
          %get3A_567 = arith.index_cast %add3A_559 : i32 to index
          %get3A_568 = arith.constant 16 : index
          %get3A_569 = tpu.vector_load %arg4[%get3A_567, %get3A_568] {strides = array<i32>} : memref<128x256xf32, #tpu.memory_space<vmem>>, vector<1x16xf32>,
          %get3A_570 = vector.shape_cast %get3A_569 : vector<1x16xf32> to vector<16xf32>
          %add3A_571 = arith.addf %add3A_455, %get3A_570 : vector<16xf32>
          %mul3A_572 = arith.mulf %get3A_570, %get3A_570 : vector<16xf32>
          %add3A_573 = arith.addf %add3A_457, %mul3A_572 : vector<16xf32>
          %get3A_574 = arith.index_cast %add3A_559 : i32 to index
          %get3A_575 = arith.constant 32 : index
          %get3A_576 = tpu.vector_load %arg4[%get3A_574, %get3A_575] {strides = array<i32>} : memref<128x256xf32, #tpu.memory_space<vmem>>, vector<1x16xf32>,
          %get3A_577 = vector.shape_cast %get3A_576 : vector<1x16xf32> to vector<16xf32>
          %add3A_578 = arith.addf %add3A_462, %get3A_577 : vector<16xf32>
          %mul3A_579 = arith.mulf %get3A_577, %get3A_577 : vector<16xf32>
          %add3A_580 = arith.addf %add3A_464, %mul3A_579 : vector<16xf32>
          %get3A_581 = arith.index_cast %add3A_559 : i32 to index
          %get3A_582 = arith.constant 48 : index
          %get3A_583 = tpu.vector_load %arg4[%get3A_581, %get3A_582] {strides = array<i32>} : memref<128x256xf32, #tpu.memory_space<vmem>>, vector<1x16xf32>,
          %get3A_584 = vector.shape_cast %get3A_583 : vector<1x16xf32> to vector<16xf32>
          %add3A_585 = arith.addf %add3A_469, %get3A_584 : vector<16xf32>
          %mul3A_586 = arith.mulf %get3A_584, %get3A_584 : vector<16xf32>
          %add3A_587 = arith.addf %add3A_471, %mul3A_586 : vector<16xf32>
          %get3A_588 = arith.index_cast %add3A_559 : i32 to index
          %get3A_589 = arith.constant 64 : index
          %get3A_590 = tpu.vector_load %arg4[%get3A_588, %get3A_589] {strides = array<i32>} : memref<128x256xf32, #tpu.memory_space<vmem>>, vector<1x16xf32>,
          %get3A_591 = vector.shape_cast %get3A_590 : vector<1x16xf32> to vector<16xf32>
          %add3A_592 = arith.addf %add3A_476, %get3A_591 : vector<16xf32>
          %mul3A_593 = arith.mulf %get3A_591, %get3A_591 : vector<16xf32>
          %add3A_594 = arith.addf %add3A_478, %mul3A_593 : vector<16xf32>
          %get3A_595 = arith.index_cast %add3A_559 : i32 to index
          %get3A_596 = arith.constant 80 : index
          %get3A_597 = tpu.vector_load %arg4[%get3A_595, %get3A_596] {strides = array<i32>} : memref<128x256xf32, #tpu.memory_space<vmem>>, vector<1x16xf32>,
          %get3A_598 = vector.shape_cast %get3A_597 : vector<1x16xf32> to vector<16xf32>
          %add3A_599 = arith.addf %add3A_483, %get3A_598 : vector<16xf32>
          %mul3A_600 = arith.mulf %get3A_598, %get3A_598 : vector<16xf32>
          %add3A_601 = arith.addf %add3A_485, %mul3A_600 : vector<16xf32>
          %get3A_602 = arith.index_cast %add3A_559 : i32 to index
          %get3A_603 = arith.constant 96 : index
          %get3A_604 = tpu.vector_load %arg4[%get3A_602, %get3A_603] {strides = array<i32>} : memref<128x256xf32, #tpu.memory_space<vmem>>, vector<1x16xf32>,
          %get3A_605 = vector.shape_cast %get3A_604 : vector<1x16xf32> to vector<16xf32>
          %add3A_606 = arith.addf %add3A_490, %get3A_605 : vector<16xf32>
          %mul3A_607 = arith.mulf %get3A_605, %get3A_605 : vector<16xf32>
          %add3A_608 = arith.addf %add3A_492, %mul3A_607 : vector<16xf32>
          %get3A_609 = arith.index_cast %add3A_559 : i32 to index
          %get3A_610 = arith.constant 112 : index
          %get3A_611 = tpu.vector_load %arg4[%get3A_609, %get3A_610] {strides = array<i32>} : memref<128x256xf32, #tpu.memory_space<vmem>>, vector<1x16xf32>,
          %get3A_612 = vector.shape_cast %get3A_611 : vector<1x16xf32> to vector<16xf32>
          %add3A_613 = arith.addf %add3A_497, %get3A_612 : vector<16xf32>
          %mul3A_614 = arith.mulf %get3A_612, %get3A_612 : vector<16xf32>
          %add3A_615 = arith.addf %add3A_499, %mul3A_614 : vector<16xf32>
          %get3A_616 = arith.index_cast %add3A_559 : i32 to index
          %get3A_617 = arith.constant 128 : index
          %get3A_618 = tpu.vector_load %arg4[%get3A_616, %get3A_617] {strides = array<i32>} : memref<128x256xf32, #tpu.memory_space<vmem>>, vector<1x16xf32>,
          %get3A_619 = vector.shape_cast %get3A_618 : vector<1x16xf32> to vector<16xf32>
          %add3A_620 = arith.addf %add3A_504, %get3A_619 : vector<16xf32>
          %mul3A_621 = arith.mulf %get3A_619, %get3A_619 : vector<16xf32>
          %add3A_622 = arith.addf %add3A_506, %mul3A_621 : vector<16xf32>
          %get3A_623 = arith.index_cast %add3A_559 : i32 to index
          %get3A_624 = arith.constant 144 : index
          %get3A_625 = tpu.vector_load %arg4[%get3A_623, %get3A_624] {strides = array<i32>} : memref<128x256xf32, #tpu.memory_space<vmem>>, vector<1x16xf32>,
          %get3A_626 = vector.shape_cast %get3A_625 : vector<1x16xf32> to vector<16xf32>
          %add3A_627 = arith.addf %add3A_511, %get3A_626 : vector<16xf32>
          %mul3A_628 = arith.mulf %get3A_626, %get3A_626 : vector<16xf32>
          %add3A_629 = arith.addf %add3A_513, %mul3A_628 : vector<16xf32>
          %get3A_630 = arith.index_cast %add3A_559 : i32 to index
          %get3A_631 = arith.constant 160 : index
          %get3A_632 = tpu.vector_load %arg4[%get3A_630, %get3A_631] {strides = array<i32>} : memref<128x256xf32, #tpu.memory_space<vmem>>, vector<1x16xf32>,
          %get3A_633 = vector.shape_cast %get3A_632 : vector<1x16xf32> to vector<16xf32>
          %add3A_634 = arith.addf %add3A_518, %get3A_633 : vector<16xf32>
          %mul3A_635 = arith.mulf %get3A_633, %get3A_633 : vector<16xf32>
          %add3A_636 = arith.addf %add3A_520, %mul3A_635 : vector<16xf32>
          %get3A_637 = arith.index_cast %add3A_559 : i32 to index
          %get3A_638 = arith.constant 176 : index
          %get3A_639 = tpu.vector_load %arg4[%get3A_637, %get3A_638] {strides = array<i32>} : memref<128x256xf32, #tpu.memory_space<vmem>>, vector<1x16xf32>,
          %get3A_640 = vector.shape_cast %get3A_639 : vector<1x16xf32> to vector<16xf32>
          %add3A_641 = arith.addf %add3A_525, %get3A_640 : vector<16xf32>
          %mul3A_642 = arith.mulf %get3A_640, %get3A_640 : vector<16xf32>
          %add3A_643 = arith.addf %add3A_527, %mul3A_642 : vector<16xf32>
          %get3A_644 = arith.index_cast %add3A_559 : i32 to index
          %get3A_645 = arith.constant 192 : index
          %get3A_646 = tpu.vector_load %arg4[%get3A_644, %get3A_645] {strides = array<i32>} : memref<128x256xf32, #tpu.memory_space<vmem>>, vector<1x16xf32>,
          %get3A_647 = vector.shape_cast %get3A_646 : vector<1x16xf32> to vector<16xf32>
          %add3A_648 = arith.addf %add3A_532, %get3A_647 : vector<16xf32>
          %mul3A_649 = arith.mulf %get3A_647, %get3A_647 : vector<16xf32>
          %add3A_650 = arith.addf %add3A_534, %mul3A_649 : vector<16xf32>
          %get3A_651 = arith.index_cast %add3A_559 : i32 to index
          %get3A_652 = arith.constant 208 : index
          %get3A_653 = tpu.vector_load %arg4[%get3A_651, %get3A_652] {strides = array<i32>} : memref<128x256xf32, #tpu.memory_space<vmem>>, vector<1x16xf32>,
          %get3A_654 = vector.shape_cast %get3A_653 : vector<1x16xf32> to vector<16xf32>
          %add3A_655 = arith.addf %add3A_539, %get3A_654 : vector<16xf32>
          %mul3A_656 = arith.mulf %get3A_654, %get3A_654 : vector<16xf32>
          %add3A_657 = arith.addf %add3A_541, %mul3A_656 : vector<16xf32>
          %get3A_658 = arith.index_cast %add3A_559 : i32 to index
          %get3A_659 = arith.constant 224 : index
          %get3A_660 = tpu.vector_load %arg4[%get3A_658, %get3A_659] {strides = array<i32>} : memref<128x256xf32, #tpu.memory_space<vmem>>, vector<1x16xf32>,
          %get3A_661 = vector.shape_cast %get3A_660 : vector<1x16xf32> to vector<16xf32>
          %add3A_662 = arith.addf %add3A_546, %get3A_661 : vector<16xf32>
          %mul3A_663 = arith.mulf %get3A_661, %get3A_661 : vector<16xf32>
          %add3A_664 = arith.addf %add3A_548, %mul3A_663 : vector<16xf32>
          %get3A_665 = arith.index_cast %add3A_559 : i32 to index
          %get3A_666 = arith.constant 240 : index
          %get3A_667 = tpu.vector_load %arg4[%get3A_665, %get3A_666] {strides = array<i32>} : memref<128x256xf32, #tpu.memory_space<vmem>>, vector<1x16xf32>,
          %get3A_668 = vector.shape_cast %get3A_667 : vector<1x16xf32> to vector<16xf32>
          %add3A_669 = arith.addf %add3A_553, %get3A_668 : vector<16xf32>
          %mul3A_670 = arith.mulf %get3A_668, %get3A_668 : vector<16xf32>
          %add3A_671 = arith.addf %add3A_555, %mul3A_670 : vector<16xf32>
          scf.yield %add3A_564, %add3A_566, %add3A_571, %add3A_573, %add3A_578, %add3A_580, %add3A_585, %add3A_587, %add3A_592, %add3A_594, %add3A_599, %add3A_601, %add3A_606, %add3A_608, %add3A_613, %add3A_615, %add3A_620, %add3A_622, %add3A_627, %add3A_629, %add3A_634, %add3A_636, %add3A_641, %add3A_643, %add3A_648, %add3A_650, %add3A_655, %add3A_657, %add3A_662, %add3A_664, %add3A_669, %add3A_671 : vector<16xf32>, vector<16xf32>, vector<16xf32>, vector<16xf32>, vector<16xf32>, vector<16xf32>, vector<16xf32>, vector<16xf32>, vector<16xf32>, vector<16xf32>, vector<16xf32>, vector<16xf32>, vector<16xf32>, vector<16xf32>, vector<16xf32>, vector<16xf32>, vector<16xf32>, vector<16xf32>, vector<16xf32>, vector<16xf32>, vector<16xf32>, vector<16xf32>, vector<16xf32>, vector<16xf32>, vector<16xf32>, vector<16xf32>, vector<16xf32>, vector<16xf32>, vector<16xf32>, vector<16xf32>, vector<16xf32>, vector<16xf32>
        }
        %scan3A_107 = arith.constant 64 : i32
        %add3A_108 = arith.constant 1 : i32
        %add3A_109 = arith.addi %scan3A_20, %add3A_108 : i32
        %lt3A_110 = arith.cmpi slt, %add3A_109, %scan3A_14 : i32
        %convert_element_type3A_111 = arith.extui %lt3A_110 : i1 to i32
        %cond3A_112 = arith.constant 0 : i32
        %cond3A_113 = arith.cmpi ne, %convert_element_type3A_111, %cond3A_112 : i32
        scf.if %cond3A_113 {
          %add3A_407 = arith.constant 1 : i32
          %add3A_408 = arith.addi %add3A_22, %add3A_407 : i32
          %dma_start3A_409 = arith.constant 0 : i32
          %dma_start3A_410 = arith.constant 0 : i32
          %dma_start3A_411 = tpu.memref_slice %arg2[%add3A_408, %dma_start3A_409, %dma_start3A_410] : memref<256x256x256xf32, #tpu.memory_space<hbm>> -> memref<1x128x256xf32, #tpu.memory_space<hbm>>
          %dma_start3A_412 = tpu.memref_squeeze %dma_start3A_411 : memref<1x128x256xf32, #tpu.memory_space<hbm>> -> memref<128x256xf32, #tpu.memory_space<hbm>>
          %dma_start3A_413 = arith.constant 0 : i32
          %dma_start3A_414 = arith.constant 0 : i32
          %dma_start3A_415 = tpu.memref_slice %arg2[%add3A_408, %dma_start3A_413, %dma_start3A_414] : memref<256x256x256xf32, #tpu.memory_space<hbm>> -> memref<1x128x256xf32, #tpu.memory_space<hbm>>
          %dma_start3A_416 = tpu.memref_squeeze %dma_start3A_415 : memref<1x128x256xf32, #tpu.memory_space<hbm>> -> memref<128x256xf32, #tpu.memory_space<hbm>>
          tpu.enqueue_dma source(%dma_start3A_416 : memref<128x256xf32, #tpu.memory_space<hbm>>) target(%arg4 : memref<128x256xf32, #tpu.memory_space<vmem>>) target_semaphore(%arg10 : memref<!tpu.dma_semaphore, #tpu.memory_space<semaphore_mem>>)
        } else {
        }
        %dma_wait3A_114 = arith.constant 128 : i32
        %dma_wait3A_115 = arith.constant 0 : i32
        %dma_wait3A_116 = tpu.memref_slice %arg2[%add3A_22, %dma_wait3A_114, %dma_wait3A_115] : memref<256x256x256xf32, #tpu.memory_space<hbm>> -> memref<1x128x256xf32, #tpu.memory_space<hbm>>
        %dma_wait3A_117 = tpu.memref_squeeze %dma_wait3A_116 : memref<1x128x256xf32, #tpu.memory_space<hbm>> -> memref<128x256xf32, #tpu.memory_space<hbm>>
        %dma_wait3A_118 = arith.constant 128 : i32
        %dma_wait3A_119 = arith.constant 0 : i32
        %dma_wait3A_120 = tpu.memref_slice %arg2[%add3A_22, %dma_wait3A_118, %dma_wait3A_119] : memref<256x256x256xf32, #tpu.memory_space<hbm>> -> memref<1x128x256xf32, #tpu.memory_space<hbm>>
        %dma_wait3A_121 = tpu.memref_squeeze %dma_wait3A_120 : memref<1x128x256xf32, #tpu.memory_space<hbm>> -> memref<128x256xf32, #tpu.memory_space<hbm>>
        tpu.wait_dma2 semaphore(%arg11 : memref<!tpu.dma_semaphore, #tpu.memory_space<semaphore_mem>>) src(%dma_wait3A_121 : memref<128x256xf32, #tpu.memory_space<hbm>>) dst(%arg5 : memref<128x256xf32, #tpu.memory_space<vmem>>)
        %scan3A_122 = arith.constant 0 : i32
        %scan3A_123 = arith.constant 64 : i32
        %scan3A_124 = arith.addi %scan3A_122, %scan3A_123 : i32
        %scan3A_125 = arith.constant 1 : i32
        %scan3A_126:32 = scf.for %scan3A_407 = %scan3A_122 to %scan3A_124 step %scan3A_125 iter_args(%scan3A_408 = %scan3A_106#0, %scan3A_409 = %scan3A_106#1, %scan3A_410 = %scan3A_106#2, %scan3A_411 = %scan3A_106#3, %scan3A_412 = %scan3A_106#4, %scan3A_413 = %scan3A_106#5, %scan3A_414 = %scan3A_106#6, %scan3A_415 = %scan3A_106#7, %scan3A_416 = %scan3A_106#8, %scan3A_417 = %scan3A_106#9, %scan3A_418 = %scan3A_106#10, %scan3A_419 = %scan3A_106#11, %scan3A_420 = %scan3A_106#12, %scan3A_421 = %scan3A_106#13, %scan3A_422 = %scan3A_106#14, %scan3A_423 = %scan3A_106#15, %scan3A_424 = %scan3A_106#16, %scan3A_425 = %scan3A_106#17, %scan3A_426 = %scan3A_106#18, %scan3A_427 = %scan3A_106#19, %scan3A_428 = %scan3A_106#20, %scan3A_429 = %scan3A_106#21, %scan3A_430 = %scan3A_106#22, %scan3A_431 = %scan3A_106#23, %scan3A_432 = %scan3A_106#24, %scan3A_433 = %scan3A_106#25, %scan3A_434 = %scan3A_106#26, %scan3A_435 = %scan3A_106#27, %scan3A_436 = %scan3A_106#28, %scan3A_437 = %scan3A_106#29, %scan3A_438 = %scan3A_106#30, %scan3A_439 = %scan3A_106#31) -> (vector<16xf32>, vector<16xf32>, vector<16xf32>, vector<16xf32>, vector<16xf32>, vector<16xf32>, vector<16xf32>, vector<16xf32>, vector<16xf32>, vector<16xf32>, vector<16xf32>, vector<16xf32>, vector<16xf32>, vector<16xf32>, vector<16xf32>, vector<16xf32>, vector<16xf32>, vector<16xf32>, vector<16xf32>, vector<16xf32>, vector<16xf32>, vector<16xf32>, vector<16xf32>, vector<16xf32>, vector<16xf32>, vector<16xf32>, vector<16xf32>, vector<16xf32>, vector<16xf32>, vector<16xf32>, vector<16xf32>, vector<16xf32>)  : i32 {
          %mul3A_440 = arith.constant 2 : i32
          %mul3A_441 = arith.muli %scan3A_407, %mul3A_440 : i32
          %add3A_442 = arith.constant 0 : i32
          %add3A_443 = arith.addi %mul3A_441, %add3A_442 : i32
          %get3A_444 = arith.index_cast %add3A_443 : i32 to index
          %get3A_445 = arith.constant 0 : index
          %get3A_446 = tpu.vector_load %arg5[%get3A_444, %get3A_445] {strides = array<i32>} : memref<128x256xf32, #tpu.memory_space<vmem>>, vector<1x16xf32>,
          %get3A_447 = vector.shape_cast %get3A_446 : vector<1x16xf32> to vector<16xf32>
          %add3A_448 = arith.addf %scan3A_408, %get3A_447 : vector<16xf32>
          %mul3A_449 = arith.mulf %get3A_447, %get3A_447 : vector<16xf32>
          %add3A_450 = arith.addf %scan3A_409, %mul3A_449 : vector<16xf32>
          %get3A_451 = arith.index_cast %add3A_443 : i32 to index
          %get3A_452 = arith.constant 16 : index
          %get3A_453 = tpu.vector_load %arg5[%get3A_451, %get3A_452] {strides = array<i32>} : memref<128x256xf32, #tpu.memory_space<vmem>>, vector<1x16xf32>,
          %get3A_454 = vector.shape_cast %get3A_453 : vector<1x16xf32> to vector<16xf32>
          %add3A_455 = arith.addf %scan3A_410, %get3A_454 : vector<16xf32>
          %mul3A_456 = arith.mulf %get3A_454, %get3A_454 : vector<16xf32>
          %add3A_457 = arith.addf %scan3A_411, %mul3A_456 : vector<16xf32>
          %get3A_458 = arith.index_cast %add3A_443 : i32 to index
          %get3A_459 = arith.constant 32 : index
          %get3A_460 = tpu.vector_load %arg5[%get3A_458, %get3A_459] {strides = array<i32>} : memref<128x256xf32, #tpu.memory_space<vmem>>, vector<1x16xf32>,
          %get3A_461 = vector.shape_cast %get3A_460 : vector<1x16xf32> to vector<16xf32>
          %add3A_462 = arith.addf %scan3A_412, %get3A_461 : vector<16xf32>
          %mul3A_463 = arith.mulf %get3A_461, %get3A_461 : vector<16xf32>
          %add3A_464 = arith.addf %scan3A_413, %mul3A_463 : vector<16xf32>
          %get3A_465 = arith.index_cast %add3A_443 : i32 to index
          %get3A_466 = arith.constant 48 : index
          %get3A_467 = tpu.vector_load %arg5[%get3A_465, %get3A_466] {strides = array<i32>} : memref<128x256xf32, #tpu.memory_space<vmem>>, vector<1x16xf32>,
          %get3A_468 = vector.shape_cast %get3A_467 : vector<1x16xf32> to vector<16xf32>
          %add3A_469 = arith.addf %scan3A_414, %get3A_468 : vector<16xf32>
          %mul3A_470 = arith.mulf %get3A_468, %get3A_468 : vector<16xf32>
          %add3A_471 = arith.addf %scan3A_415, %mul3A_470 : vector<16xf32>
          %get3A_472 = arith.index_cast %add3A_443 : i32 to index
          %get3A_473 = arith.constant 64 : index
          %get3A_474 = tpu.vector_load %arg5[%get3A_472, %get3A_473] {strides = array<i32>} : memref<128x256xf32, #tpu.memory_space<vmem>>, vector<1x16xf32>,
          %get3A_475 = vector.shape_cast %get3A_474 : vector<1x16xf32> to vector<16xf32>
          %add3A_476 = arith.addf %scan3A_416, %get3A_475 : vector<16xf32>
          %mul3A_477 = arith.mulf %get3A_475, %get3A_475 : vector<16xf32>
          %add3A_478 = arith.addf %scan3A_417, %mul3A_477 : vector<16xf32>
          %get3A_479 = arith.index_cast %add3A_443 : i32 to index
          %get3A_480 = arith.constant 80 : index
          %get3A_481 = tpu.vector_load %arg5[%get3A_479, %get3A_480] {strides = array<i32>} : memref<128x256xf32, #tpu.memory_space<vmem>>, vector<1x16xf32>,
          %get3A_482 = vector.shape_cast %get3A_481 : vector<1x16xf32> to vector<16xf32>
          %add3A_483 = arith.addf %scan3A_418, %get3A_482 : vector<16xf32>
          %mul3A_484 = arith.mulf %get3A_482, %get3A_482 : vector<16xf32>
          %add3A_485 = arith.addf %scan3A_419, %mul3A_484 : vector<16xf32>
          %get3A_486 = arith.index_cast %add3A_443 : i32 to index
          %get3A_487 = arith.constant 96 : index
          %get3A_488 = tpu.vector_load %arg5[%get3A_486, %get3A_487] {strides = array<i32>} : memref<128x256xf32, #tpu.memory_space<vmem>>, vector<1x16xf32>,
          %get3A_489 = vector.shape_cast %get3A_488 : vector<1x16xf32> to vector<16xf32>
          %add3A_490 = arith.addf %scan3A_420, %get3A_489 : vector<16xf32>
          %mul3A_491 = arith.mulf %get3A_489, %get3A_489 : vector<16xf32>
          %add3A_492 = arith.addf %scan3A_421, %mul3A_491 : vector<16xf32>
          %get3A_493 = arith.index_cast %add3A_443 : i32 to index
          %get3A_494 = arith.constant 112 : index
          %get3A_495 = tpu.vector_load %arg5[%get3A_493, %get3A_494] {strides = array<i32>} : memref<128x256xf32, #tpu.memory_space<vmem>>, vector<1x16xf32>,
          %get3A_496 = vector.shape_cast %get3A_495 : vector<1x16xf32> to vector<16xf32>
          %add3A_497 = arith.addf %scan3A_422, %get3A_496 : vector<16xf32>
          %mul3A_498 = arith.mulf %get3A_496, %get3A_496 : vector<16xf32>
          %add3A_499 = arith.addf %scan3A_423, %mul3A_498 : vector<16xf32>
          %get3A_500 = arith.index_cast %add3A_443 : i32 to index
          %get3A_501 = arith.constant 128 : index
          %get3A_502 = tpu.vector_load %arg5[%get3A_500, %get3A_501] {strides = array<i32>} : memref<128x256xf32, #tpu.memory_space<vmem>>, vector<1x16xf32>,
          %get3A_503 = vector.shape_cast %get3A_502 : vector<1x16xf32> to vector<16xf32>
          %add3A_504 = arith.addf %scan3A_424, %get3A_503 : vector<16xf32>
          %mul3A_505 = arith.mulf %get3A_503, %get3A_503 : vector<16xf32>
          %add3A_506 = arith.addf %scan3A_425, %mul3A_505 : vector<16xf32>
          %get3A_507 = arith.index_cast %add3A_443 : i32 to index
          %get3A_508 = arith.constant 144 : index
          %get3A_509 = tpu.vector_load %arg5[%get3A_507, %get3A_508] {strides = array<i32>} : memref<128x256xf32, #tpu.memory_space<vmem>>, vector<1x16xf32>,
          %get3A_510 = vector.shape_cast %get3A_509 : vector<1x16xf32> to vector<16xf32>
          %add3A_511 = arith.addf %scan3A_426, %get3A_510 : vector<16xf32>
          %mul3A_512 = arith.mulf %get3A_510, %get3A_510 : vector<16xf32>
          %add3A_513 = arith.addf %scan3A_427, %mul3A_512 : vector<16xf32>
          %get3A_514 = arith.index_cast %add3A_443 : i32 to index
          %get3A_515 = arith.constant 160 : index
          %get3A_516 = tpu.vector_load %arg5[%get3A_514, %get3A_515] {strides = array<i32>} : memref<128x256xf32, #tpu.memory_space<vmem>>, vector<1x16xf32>,
          %get3A_517 = vector.shape_cast %get3A_516 : vector<1x16xf32> to vector<16xf32>
          %add3A_518 = arith.addf %scan3A_428, %get3A_517 : vector<16xf32>
          %mul3A_519 = arith.mulf %get3A_517, %get3A_517 : vector<16xf32>
          %add3A_520 = arith.addf %scan3A_429, %mul3A_519 : vector<16xf32>
          %get3A_521 = arith.index_cast %add3A_443 : i32 to index
          %get3A_522 = arith.constant 176 : index
          %get3A_523 = tpu.vector_load %arg5[%get3A_521, %get3A_522] {strides = array<i32>} : memref<128x256xf32, #tpu.memory_space<vmem>>, vector<1x16xf32>,
          %get3A_524 = vector.shape_cast %get3A_523 : vector<1x16xf32> to vector<16xf32>
          %add3A_525 = arith.addf %scan3A_430, %get3A_524 : vector<16xf32>
          %mul3A_526 = arith.mulf %get3A_524, %get3A_524 : vector<16xf32>
          %add3A_527 = arith.addf %scan3A_431, %mul3A_526 : vector<16xf32>
          %get3A_528 = arith.index_cast %add3A_443 : i32 to index
          %get3A_529 = arith.constant 192 : index
          %get3A_530 = tpu.vector_load %arg5[%get3A_528, %get3A_529] {strides = array<i32>} : memref<128x256xf32, #tpu.memory_space<vmem>>, vector<1x16xf32>,
          %get3A_531 = vector.shape_cast %get3A_530 : vector<1x16xf32> to vector<16xf32>
          %add3A_532 = arith.addf %scan3A_432, %get3A_531 : vector<16xf32>
          %mul3A_533 = arith.mulf %get3A_531, %get3A_531 : vector<16xf32>
          %add3A_534 = arith.addf %scan3A_433, %mul3A_533 : vector<16xf32>
          %get3A_535 = arith.index_cast %add3A_443 : i32 to index
          %get3A_536 = arith.constant 208 : index
          %get3A_537 = tpu.vector_load %arg5[%get3A_535, %get3A_536] {strides = array<i32>} : memref<128x256xf32, #tpu.memory_space<vmem>>, vector<1x16xf32>,
          %get3A_538 = vector.shape_cast %get3A_537 : vector<1x16xf32> to vector<16xf32>
          %add3A_539 = arith.addf %scan3A_434, %get3A_538 : vector<16xf32>
          %mul3A_540 = arith.mulf %get3A_538, %get3A_538 : vector<16xf32>
          %add3A_541 = arith.addf %scan3A_435, %mul3A_540 : vector<16xf32>
          %get3A_542 = arith.index_cast %add3A_443 : i32 to index
          %get3A_543 = arith.constant 224 : index
          %get3A_544 = tpu.vector_load %arg5[%get3A_542, %get3A_543] {strides = array<i32>} : memref<128x256xf32, #tpu.memory_space<vmem>>, vector<1x16xf32>,
          %get3A_545 = vector.shape_cast %get3A_544 : vector<1x16xf32> to vector<16xf32>
          %add3A_546 = arith.addf %scan3A_436, %get3A_545 : vector<16xf32>
          %mul3A_547 = arith.mulf %get3A_545, %get3A_545 : vector<16xf32>
          %add3A_548 = arith.addf %scan3A_437, %mul3A_547 : vector<16xf32>
          %get3A_549 = arith.index_cast %add3A_443 : i32 to index
          %get3A_550 = arith.constant 240 : index
          %get3A_551 = tpu.vector_load %arg5[%get3A_549, %get3A_550] {strides = array<i32>} : memref<128x256xf32, #tpu.memory_space<vmem>>, vector<1x16xf32>,
          %get3A_552 = vector.shape_cast %get3A_551 : vector<1x16xf32> to vector<16xf32>
          %add3A_553 = arith.addf %scan3A_438, %get3A_552 : vector<16xf32>
          %mul3A_554 = arith.mulf %get3A_552, %get3A_552 : vector<16xf32>
          %add3A_555 = arith.addf %scan3A_439, %mul3A_554 : vector<16xf32>
          %mul3A_556 = arith.constant 2 : i32
          %mul3A_557 = arith.muli %scan3A_407, %mul3A_556 : i32
          %add3A_558 = arith.constant 1 : i32
          %add3A_559 = arith.addi %mul3A_557, %add3A_558 : i32
          %get3A_560 = arith.index_cast %add3A_559 : i32 to index
          %get3A_561 = arith.constant 0 : index
          %get3A_562 = tpu.vector_load %arg5[%get3A_560, %get3A_561] {strides = array<i32>} : memref<128x256xf32, #tpu.memory_space<vmem>>, vector<1x16xf32>,
          %get3A_563 = vector.shape_cast %get3A_562 : vector<1x16xf32> to vector<16xf32>
          %add3A_564 = arith.addf %add3A_448, %get3A_563 : vector<16xf32>
          %mul3A_565 = arith.mulf %get3A_563, %get3A_563 : vector<16xf32>
          %add3A_566 = arith.addf %add3A_450, %mul3A_565 : vector<16xf32>
          %get3A_567 = arith.index_cast %add3A_559 : i32 to index
          %get3A_568 = arith.constant 16 : index
          %get3A_569 = tpu.vector_load %arg5[%get3A_567, %get3A_568] {strides = array<i32>} : memref<128x256xf32, #tpu.memory_space<vmem>>, vector<1x16xf32>,
          %get3A_570 = vector.shape_cast %get3A_569 : vector<1x16xf32> to vector<16xf32>
          %add3A_571 = arith.addf %add3A_455, %get3A_570 : vector<16xf32>
          %mul3A_572 = arith.mulf %get3A_570, %get3A_570 : vector<16xf32>
          %add3A_573 = arith.addf %add3A_457, %mul3A_572 : vector<16xf32>
          %get3A_574 = arith.index_cast %add3A_559 : i32 to index
          %get3A_575 = arith.constant 32 : index
          %get3A_576 = tpu.vector_load %arg5[%get3A_574, %get3A_575] {strides = array<i32>} : memref<128x256xf32, #tpu.memory_space<vmem>>, vector<1x16xf32>,
          %get3A_577 = vector.shape_cast %get3A_576 : vector<1x16xf32> to vector<16xf32>
          %add3A_578 = arith.addf %add3A_462, %get3A_577 : vector<16xf32>
          %mul3A_579 = arith.mulf %get3A_577, %get3A_577 : vector<16xf32>
          %add3A_580 = arith.addf %add3A_464, %mul3A_579 : vector<16xf32>
          %get3A_581 = arith.index_cast %add3A_559 : i32 to index
          %get3A_582 = arith.constant 48 : index
          %get3A_583 = tpu.vector_load %arg5[%get3A_581, %get3A_582] {strides = array<i32>} : memref<128x256xf32, #tpu.memory_space<vmem>>, vector<1x16xf32>,
          %get3A_584 = vector.shape_cast %get3A_583 : vector<1x16xf32> to vector<16xf32>
          %add3A_585 = arith.addf %add3A_469, %get3A_584 : vector<16xf32>
          %mul3A_586 = arith.mulf %get3A_584, %get3A_584 : vector<16xf32>
          %add3A_587 = arith.addf %add3A_471, %mul3A_586 : vector<16xf32>
          %get3A_588 = arith.index_cast %add3A_559 : i32 to index
          %get3A_589 = arith.constant 64 : index
          %get3A_590 = tpu.vector_load %arg5[%get3A_588, %get3A_589] {strides = array<i32>} : memref<128x256xf32, #tpu.memory_space<vmem>>, vector<1x16xf32>,
          %get3A_591 = vector.shape_cast %get3A_590 : vector<1x16xf32> to vector<16xf32>
          %add3A_592 = arith.addf %add3A_476, %get3A_591 : vector<16xf32>
          %mul3A_593 = arith.mulf %get3A_591, %get3A_591 : vector<16xf32>
          %add3A_594 = arith.addf %add3A_478, %mul3A_593 : vector<16xf32>
          %get3A_595 = arith.index_cast %add3A_559 : i32 to index
          %get3A_596 = arith.constant 80 : index
          %get3A_597 = tpu.vector_load %arg5[%get3A_595, %get3A_596] {strides = array<i32>} : memref<128x256xf32, #tpu.memory_space<vmem>>, vector<1x16xf32>,
          %get3A_598 = vector.shape_cast %get3A_597 : vector<1x16xf32> to vector<16xf32>
          %add3A_599 = arith.addf %add3A_483, %get3A_598 : vector<16xf32>
          %mul3A_600 = arith.mulf %get3A_598, %get3A_598 : vector<16xf32>
          %add3A_601 = arith.addf %add3A_485, %mul3A_600 : vector<16xf32>
          %get3A_602 = arith.index_cast %add3A_559 : i32 to index
          %get3A_603 = arith.constant 96 : index
          %get3A_604 = tpu.vector_load %arg5[%get3A_602, %get3A_603] {strides = array<i32>} : memref<128x256xf32, #tpu.memory_space<vmem>>, vector<1x16xf32>,
          %get3A_605 = vector.shape_cast %get3A_604 : vector<1x16xf32> to vector<16xf32>
          %add3A_606 = arith.addf %add3A_490, %get3A_605 : vector<16xf32>
          %mul3A_607 = arith.mulf %get3A_605, %get3A_605 : vector<16xf32>
          %add3A_608 = arith.addf %add3A_492, %mul3A_607 : vector<16xf32>
          %get3A_609 = arith.index_cast %add3A_559 : i32 to index
          %get3A_610 = arith.constant 112 : index
          %get3A_611 = tpu.vector_load %arg5[%get3A_609, %get3A_610] {strides = array<i32>} : memref<128x256xf32, #tpu.memory_space<vmem>>, vector<1x16xf32>,
          %get3A_612 = vector.shape_cast %get3A_611 : vector<1x16xf32> to vector<16xf32>
          %add3A_613 = arith.addf %add3A_497, %get3A_612 : vector<16xf32>
          %mul3A_614 = arith.mulf %get3A_612, %get3A_612 : vector<16xf32>
          %add3A_615 = arith.addf %add3A_499, %mul3A_614 : vector<16xf32>
          %get3A_616 = arith.index_cast %add3A_559 : i32 to index
          %get3A_617 = arith.constant 128 : index
          %get3A_618 = tpu.vector_load %arg5[%get3A_616, %get3A_617] {strides = array<i32>} : memref<128x256xf32, #tpu.memory_space<vmem>>, vector<1x16xf32>,
          %get3A_619 = vector.shape_cast %get3A_618 : vector<1x16xf32> to vector<16xf32>
          %add3A_620 = arith.addf %add3A_504, %get3A_619 : vector<16xf32>
          %mul3A_621 = arith.mulf %get3A_619, %get3A_619 : vector<16xf32>
          %add3A_622 = arith.addf %add3A_506, %mul3A_621 : vector<16xf32>
          %get3A_623 = arith.index_cast %add3A_559 : i32 to index
          %get3A_624 = arith.constant 144 : index
          %get3A_625 = tpu.vector_load %arg5[%get3A_623, %get3A_624] {strides = array<i32>} : memref<128x256xf32, #tpu.memory_space<vmem>>, vector<1x16xf32>,
          %get3A_626 = vector.shape_cast %get3A_625 : vector<1x16xf32> to vector<16xf32>
          %add3A_627 = arith.addf %add3A_511, %get3A_626 : vector<16xf32>
          %mul3A_628 = arith.mulf %get3A_626, %get3A_626 : vector<16xf32>
          %add3A_629 = arith.addf %add3A_513, %mul3A_628 : vector<16xf32>
          %get3A_630 = arith.index_cast %add3A_559 : i32 to index
          %get3A_631 = arith.constant 160 : index
          %get3A_632 = tpu.vector_load %arg5[%get3A_630, %get3A_631] {strides = array<i32>} : memref<128x256xf32, #tpu.memory_space<vmem>>, vector<1x16xf32>,
          %get3A_633 = vector.shape_cast %get3A_632 : vector<1x16xf32> to vector<16xf32>
          %add3A_634 = arith.addf %add3A_518, %get3A_633 : vector<16xf32>
          %mul3A_635 = arith.mulf %get3A_633, %get3A_633 : vector<16xf32>
          %add3A_636 = arith.addf %add3A_520, %mul3A_635 : vector<16xf32>
          %get3A_637 = arith.index_cast %add3A_559 : i32 to index
          %get3A_638 = arith.constant 176 : index
          %get3A_639 = tpu.vector_load %arg5[%get3A_637, %get3A_638] {strides = array<i32>} : memref<128x256xf32, #tpu.memory_space<vmem>>, vector<1x16xf32>,
          %get3A_640 = vector.shape_cast %get3A_639 : vector<1x16xf32> to vector<16xf32>
          %add3A_641 = arith.addf %add3A_525, %get3A_640 : vector<16xf32>
          %mul3A_642 = arith.mulf %get3A_640, %get3A_640 : vector<16xf32>
          %add3A_643 = arith.addf %add3A_527, %mul3A_642 : vector<16xf32>
          %get3A_644 = arith.index_cast %add3A_559 : i32 to index
          %get3A_645 = arith.constant 192 : index
          %get3A_646 = tpu.vector_load %arg5[%get3A_644, %get3A_645] {strides = array<i32>} : memref<128x256xf32, #tpu.memory_space<vmem>>, vector<1x16xf32>,
          %get3A_647 = vector.shape_cast %get3A_646 : vector<1x16xf32> to vector<16xf32>
          %add3A_648 = arith.addf %add3A_532, %get3A_647 : vector<16xf32>
          %mul3A_649 = arith.mulf %get3A_647, %get3A_647 : vector<16xf32>
          %add3A_650 = arith.addf %add3A_534, %mul3A_649 : vector<16xf32>
          %get3A_651 = arith.index_cast %add3A_559 : i32 to index
          %get3A_652 = arith.constant 208 : index
          %get3A_653 = tpu.vector_load %arg5[%get3A_651, %get3A_652] {strides = array<i32>} : memref<128x256xf32, #tpu.memory_space<vmem>>, vector<1x16xf32>,
          %get3A_654 = vector.shape_cast %get3A_653 : vector<1x16xf32> to vector<16xf32>
          %add3A_655 = arith.addf %add3A_539, %get3A_654 : vector<16xf32>
          %mul3A_656 = arith.mulf %get3A_654, %get3A_654 : vector<16xf32>
          %add3A_657 = arith.addf %add3A_541, %mul3A_656 : vector<16xf32>
          %get3A_658 = arith.index_cast %add3A_559 : i32 to index
          %get3A_659 = arith.constant 224 : index
          %get3A_660 = tpu.vector_load %arg5[%get3A_658, %get3A_659] {strides = array<i32>} : memref<128x256xf32, #tpu.memory_space<vmem>>, vector<1x16xf32>,
          %get3A_661 = vector.shape_cast %get3A_660 : vector<1x16xf32> to vector<16xf32>
          %add3A_662 = arith.addf %add3A_546, %get3A_661 : vector<16xf32>
          %mul3A_663 = arith.mulf %get3A_661, %get3A_661 : vector<16xf32>
          %add3A_664 = arith.addf %add3A_548, %mul3A_663 : vector<16xf32>
          %get3A_665 = arith.index_cast %add3A_559 : i32 to index
          %get3A_666 = arith.constant 240 : index
          %get3A_667 = tpu.vector_load %arg5[%get3A_665, %get3A_666] {strides = array<i32>} : memref<128x256xf32, #tpu.memory_space<vmem>>, vector<1x16xf32>,
          %get3A_668 = vector.shape_cast %get3A_667 : vector<1x16xf32> to vector<16xf32>
          %add3A_669 = arith.addf %add3A_553, %get3A_668 : vector<16xf32>
          %mul3A_670 = arith.mulf %get3A_668, %get3A_668 : vector<16xf32>
          %add3A_671 = arith.addf %add3A_555, %mul3A_670 : vector<16xf32>
          scf.yield %add3A_564, %add3A_566, %add3A_571, %add3A_573, %add3A_578, %add3A_580, %add3A_585, %add3A_587, %add3A_592, %add3A_594, %add3A_599, %add3A_601, %add3A_606, %add3A_608, %add3A_613, %add3A_615, %add3A_620, %add3A_622, %add3A_627, %add3A_629, %add3A_634, %add3A_636, %add3A_641, %add3A_643, %add3A_648, %add3A_650, %add3A_655, %add3A_657, %add3A_662, %add3A_664, %add3A_669, %add3A_671 : vector<16xf32>, vector<16xf32>, vector<16xf32>, vector<16xf32>, vector<16xf32>, vector<16xf32>, vector<16xf32>, vector<16xf32>, vector<16xf32>, vector<16xf32>, vector<16xf32>, vector<16xf32>, vector<16xf32>, vector<16xf32>, vector<16xf32>, vector<16xf32>, vector<16xf32>, vector<16xf32>, vector<16xf32>, vector<16xf32>, vector<16xf32>, vector<16xf32>, vector<16xf32>, vector<16xf32>, vector<16xf32>, vector<16xf32>, vector<16xf32>, vector<16xf32>, vector<16xf32>, vector<16xf32>, vector<16xf32>, vector<16xf32>
        }
        %scan3A_127 = arith.constant 64 : i32
        %mul3A_128 = arith.constant 3.906250e-03 : f32
        %mul3A_129 = vector.broadcast %mul3A_128 : f32 to vector<16xf32>
        %mul3A_130 = arith.mulf %scan3A_126#0, %mul3A_129 : vector<16xf32>
        %mul3A_131 = arith.constant 3.906250e-03 : f32
        %mul3A_132 = vector.broadcast %mul3A_131 : f32 to vector<16xf32>
        %mul3A_133 = arith.mulf %scan3A_126#1, %mul3A_132 : vector<16xf32>
        %mul3A_134 = arith.mulf %mul3A_130, %mul3A_130 : vector<16xf32>
        %sub3A = arith.subf %mul3A_133, %mul3A_134 : vector<16xf32>
        %swap3A_135 = arith.constant 0 : index
        %swap3A_136 = tpu.vector_load %arg6[%swap3A_135] {strides = array<i32>} : memref<272xf32, #tpu.memory_space<vmem>>, vector<16xf32>,
        %swap3A_137 = vector.shape_cast %swap3A_136 : vector<16xf32> to vector<16xf32>
        %swap3A_138 = vector.shape_cast %mul3A_130 : vector<16xf32> to vector<16xf32>
        tpu.vector_store %arg6[%swap3A_135], %swap3A_138 {strides = array<i32>} : memref<272xf32, #tpu.memory_space<vmem>>, vector<16xf32>,
        %swap3A_139 = arith.constant 0 : index
        %swap3A_140 = tpu.vector_load %arg7[%swap3A_139] {strides = array<i32>} : memref<272xf32, #tpu.memory_space<vmem>>, vector<16xf32>,
        %swap3A_141 = vector.shape_cast %swap3A_140 : vector<16xf32> to vector<16xf32>
        %swap3A_142 = vector.shape_cast %sub3A : vector<16xf32> to vector<16xf32>
        tpu.vector_store %arg7[%swap3A_139], %swap3A_142 {strides = array<i32>} : memref<272xf32, #tpu.memory_space<vmem>>, vector<16xf32>,
        %mul3A_143 = arith.constant 3.906250e-03 : f32
        %mul3A_144 = vector.broadcast %mul3A_143 : f32 to vector<16xf32>
        %mul3A_145 = arith.mulf %scan3A_126#2, %mul3A_144 : vector<16xf32>
        %mul3A_146 = arith.constant 3.906250e-03 : f32
        %mul3A_147 = vector.broadcast %mul3A_146 : f32 to vector<16xf32>
        %mul3A_148 = arith.mulf %scan3A_126#3, %mul3A_147 : vector<16xf32>
        %mul3A_149 = arith.mulf %mul3A_145, %mul3A_145 : vector<16xf32>
        %sub3A_150 = arith.subf %mul3A_148, %mul3A_149 : vector<16xf32>
        %swap3A_151 = arith.constant 16 : index
        %swap3A_152 = tpu.vector_load %arg6[%swap3A_151] {strides = array<i32>} : memref<272xf32, #tpu.memory_space<vmem>>, vector<16xf32>,
        %swap3A_153 = vector.shape_cast %swap3A_152 : vector<16xf32> to vector<16xf32>
        %swap3A_154 = vector.shape_cast %mul3A_145 : vector<16xf32> to vector<16xf32>
        tpu.vector_store %arg6[%swap3A_151], %swap3A_154 {strides = array<i32>} : memref<272xf32, #tpu.memory_space<vmem>>, vector<16xf32>,
        %swap3A_155 = arith.constant 16 : index
        %swap3A_156 = tpu.vector_load %arg7[%swap3A_155] {strides = array<i32>} : memref<272xf32, #tpu.memory_space<vmem>>, vector<16xf32>,
        %swap3A_157 = vector.shape_cast %swap3A_156 : vector<16xf32> to vector<16xf32>
        %swap3A_158 = vector.shape_cast %sub3A_150 : vector<16xf32> to vector<16xf32>
        tpu.vector_store %arg7[%swap3A_155], %swap3A_158 {strides = array<i32>} : memref<272xf32, #tpu.memory_space<vmem>>, vector<16xf32>,
        %mul3A_159 = arith.constant 3.906250e-03 : f32
        %mul3A_160 = vector.broadcast %mul3A_159 : f32 to vector<16xf32>
        %mul3A_161 = arith.mulf %scan3A_126#4, %mul3A_160 : vector<16xf32>
        %mul3A_162 = arith.constant 3.906250e-03 : f32
        %mul3A_163 = vector.broadcast %mul3A_162 : f32 to vector<16xf32>
        %mul3A_164 = arith.mulf %scan3A_126#5, %mul3A_163 : vector<16xf32>
        %mul3A_165 = arith.mulf %mul3A_161, %mul3A_161 : vector<16xf32>
        %sub3A_166 = arith.subf %mul3A_164, %mul3A_165 : vector<16xf32>
        %swap3A_167 = arith.constant 32 : index
        %swap3A_168 = tpu.vector_load %arg6[%swap3A_167] {strides = array<i32>} : memref<272xf32, #tpu.memory_space<vmem>>, vector<16xf32>,
        %swap3A_169 = vector.shape_cast %swap3A_168 : vector<16xf32> to vector<16xf32>
        %swap3A_170 = vector.shape_cast %mul3A_161 : vector<16xf32> to vector<16xf32>
        tpu.vector_store %arg6[%swap3A_167], %swap3A_170 {strides = array<i32>} : memref<272xf32, #tpu.memory_space<vmem>>, vector<16xf32>,
        %swap3A_171 = arith.constant 32 : index
        %swap3A_172 = tpu.vector_load %arg7[%swap3A_171] {strides = array<i32>} : memref<272xf32, #tpu.memory_space<vmem>>, vector<16xf32>,
        %swap3A_173 = vector.shape_cast %swap3A_172 : vector<16xf32> to vector<16xf32>
        %swap3A_174 = vector.shape_cast %sub3A_166 : vector<16xf32> to vector<16xf32>
        tpu.vector_store %arg7[%swap3A_171], %swap3A_174 {strides = array<i32>} : memref<272xf32, #tpu.memory_space<vmem>>, vector<16xf32>,
        %mul3A_175 = arith.constant 3.906250e-03 : f32
        %mul3A_176 = vector.broadcast %mul3A_175 : f32 to vector<16xf32>
        %mul3A_177 = arith.mulf %scan3A_126#6, %mul3A_176 : vector<16xf32>
        %mul3A_178 = arith.constant 3.906250e-03 : f32
        %mul3A_179 = vector.broadcast %mul3A_178 : f32 to vector<16xf32>
        %mul3A_180 = arith.mulf %scan3A_126#7, %mul3A_179 : vector<16xf32>
        %mul3A_181 = arith.mulf %mul3A_177, %mul3A_177 : vector<16xf32>
        %sub3A_182 = arith.subf %mul3A_180, %mul3A_181 : vector<16xf32>
        %swap3A_183 = arith.constant 48 : index
        %swap3A_184 = tpu.vector_load %arg6[%swap3A_183] {strides = array<i32>} : memref<272xf32, #tpu.memory_space<vmem>>, vector<16xf32>,
        %swap3A_185 = vector.shape_cast %swap3A_184 : vector<16xf32> to vector<16xf32>
        %swap3A_186 = vector.shape_cast %mul3A_177 : vector<16xf32> to vector<16xf32>
        tpu.vector_store %arg6[%swap3A_183], %swap3A_186 {strides = array<i32>} : memref<272xf32, #tpu.memory_space<vmem>>, vector<16xf32>,
        %swap3A_187 = arith.constant 48 : index
        %swap3A_188 = tpu.vector_load %arg7[%swap3A_187] {strides = array<i32>} : memref<272xf32, #tpu.memory_space<vmem>>, vector<16xf32>,
        %swap3A_189 = vector.shape_cast %swap3A_188 : vector<16xf32> to vector<16xf32>
        %swap3A_190 = vector.shape_cast %sub3A_182 : vector<16xf32> to vector<16xf32>
        tpu.vector_store %arg7[%swap3A_187], %swap3A_190 {strides = array<i32>} : memref<272xf32, #tpu.memory_space<vmem>>, vector<16xf32>,
        %mul3A_191 = arith.constant 3.906250e-03 : f32
        %mul3A_192 = vector.broadcast %mul3A_191 : f32 to vector<16xf32>
        %mul3A_193 = arith.mulf %scan3A_126#8, %mul3A_192 : vector<16xf32>
        %mul3A_194 = arith.constant 3.906250e-03 : f32
        %mul3A_195 = vector.broadcast %mul3A_194 : f32 to vector<16xf32>
        %mul3A_196 = arith.mulf %scan3A_126#9, %mul3A_195 : vector<16xf32>
        %mul3A_197 = arith.mulf %mul3A_193, %mul3A_193 : vector<16xf32>
        %sub3A_198 = arith.subf %mul3A_196, %mul3A_197 : vector<16xf32>
        %swap3A_199 = arith.constant 64 : index
        %swap3A_200 = tpu.vector_load %arg6[%swap3A_199] {strides = array<i32>} : memref<272xf32, #tpu.memory_space<vmem>>, vector<16xf32>,
        %swap3A_201 = vector.shape_cast %swap3A_200 : vector<16xf32> to vector<16xf32>
        %swap3A_202 = vector.shape_cast %mul3A_193 : vector<16xf32> to vector<16xf32>
        tpu.vector_store %arg6[%swap3A_199], %swap3A_202 {strides = array<i32>} : memref<272xf32, #tpu.memory_space<vmem>>, vector<16xf32>,
        %swap3A_203 = arith.constant 64 : index
        %swap3A_204 = tpu.vector_load %arg7[%swap3A_203] {strides = array<i32>} : memref<272xf32, #tpu.memory_space<vmem>>, vector<16xf32>,
        %swap3A_205 = vector.shape_cast %swap3A_204 : vector<16xf32> to vector<16xf32>
        %swap3A_206 = vector.shape_cast %sub3A_198 : vector<16xf32> to vector<16xf32>
        tpu.vector_store %arg7[%swap3A_203], %swap3A_206 {strides = array<i32>} : memref<272xf32, #tpu.memory_space<vmem>>, vector<16xf32>,
        %mul3A_207 = arith.constant 3.906250e-03 : f32
        %mul3A_208 = vector.broadcast %mul3A_207 : f32 to vector<16xf32>
        %mul3A_209 = arith.mulf %scan3A_126#10, %mul3A_208 : vector<16xf32>
        %mul3A_210 = arith.constant 3.906250e-03 : f32
        %mul3A_211 = vector.broadcast %mul3A_210 : f32 to vector<16xf32>
        %mul3A_212 = arith.mulf %scan3A_126#11, %mul3A_211 : vector<16xf32>
        %mul3A_213 = arith.mulf %mul3A_209, %mul3A_209 : vector<16xf32>
        %sub3A_214 = arith.subf %mul3A_212, %mul3A_213 : vector<16xf32>
        %swap3A_215 = arith.constant 80 : index
        %swap3A_216 = tpu.vector_load %arg6[%swap3A_215] {strides = array<i32>} : memref<272xf32, #tpu.memory_space<vmem>>, vector<16xf32>,
        %swap3A_217 = vector.shape_cast %swap3A_216 : vector<16xf32> to vector<16xf32>
        %swap3A_218 = vector.shape_cast %mul3A_209 : vector<16xf32> to vector<16xf32>
        tpu.vector_store %arg6[%swap3A_215], %swap3A_218 {strides = array<i32>} : memref<272xf32, #tpu.memory_space<vmem>>, vector<16xf32>,
        %swap3A_219 = arith.constant 80 : index
        %swap3A_220 = tpu.vector_load %arg7[%swap3A_219] {strides = array<i32>} : memref<272xf32, #tpu.memory_space<vmem>>, vector<16xf32>,
        %swap3A_221 = vector.shape_cast %swap3A_220 : vector<16xf32> to vector<16xf32>
        %swap3A_222 = vector.shape_cast %sub3A_214 : vector<16xf32> to vector<16xf32>
        tpu.vector_store %arg7[%swap3A_219], %swap3A_222 {strides = array<i32>} : memref<272xf32, #tpu.memory_space<vmem>>, vector<16xf32>,
        %mul3A_223 = arith.constant 3.906250e-03 : f32
        %mul3A_224 = vector.broadcast %mul3A_223 : f32 to vector<16xf32>
        %mul3A_225 = arith.mulf %scan3A_126#12, %mul3A_224 : vector<16xf32>
        %mul3A_226 = arith.constant 3.906250e-03 : f32
        %mul3A_227 = vector.broadcast %mul3A_226 : f32 to vector<16xf32>
        %mul3A_228 = arith.mulf %scan3A_126#13, %mul3A_227 : vector<16xf32>
        %mul3A_229 = arith.mulf %mul3A_225, %mul3A_225 : vector<16xf32>
        %sub3A_230 = arith.subf %mul3A_228, %mul3A_229 : vector<16xf32>
        %swap3A_231 = arith.constant 96 : index
        %swap3A_232 = tpu.vector_load %arg6[%swap3A_231] {strides = array<i32>} : memref<272xf32, #tpu.memory_space<vmem>>, vector<16xf32>,
        %swap3A_233 = vector.shape_cast %swap3A_232 : vector<16xf32> to vector<16xf32>
        %swap3A_234 = vector.shape_cast %mul3A_225 : vector<16xf32> to vector<16xf32>
        tpu.vector_store %arg6[%swap3A_231], %swap3A_234 {strides = array<i32>} : memref<272xf32, #tpu.memory_space<vmem>>, vector<16xf32>,
        %swap3A_235 = arith.constant 96 : index
        %swap3A_236 = tpu.vector_load %arg7[%swap3A_235] {strides = array<i32>} : memref<272xf32, #tpu.memory_space<vmem>>, vector<16xf32>,
        %swap3A_237 = vector.shape_cast %swap3A_236 : vector<16xf32> to vector<16xf32>
        %swap3A_238 = vector.shape_cast %sub3A_230 : vector<16xf32> to vector<16xf32>
        tpu.vector_store %arg7[%swap3A_235], %swap3A_238 {strides = array<i32>} : memref<272xf32, #tpu.memory_space<vmem>>, vector<16xf32>,
        %mul3A_239 = arith.constant 3.906250e-03 : f32
        %mul3A_240 = vector.broadcast %mul3A_239 : f32 to vector<16xf32>
        %mul3A_241 = arith.mulf %scan3A_126#14, %mul3A_240 : vector<16xf32>
        %mul3A_242 = arith.constant 3.906250e-03 : f32
        %mul3A_243 = vector.broadcast %mul3A_242 : f32 to vector<16xf32>
        %mul3A_244 = arith.mulf %scan3A_126#15, %mul3A_243 : vector<16xf32>
        %mul3A_245 = arith.mulf %mul3A_241, %mul3A_241 : vector<16xf32>
        %sub3A_246 = arith.subf %mul3A_244, %mul3A_245 : vector<16xf32>
        %swap3A_247 = arith.constant 112 : index
        %swap3A_248 = tpu.vector_load %arg6[%swap3A_247] {strides = array<i32>} : memref<272xf32, #tpu.memory_space<vmem>>, vector<16xf32>,
        %swap3A_249 = vector.shape_cast %swap3A_248 : vector<16xf32> to vector<16xf32>
        %swap3A_250 = vector.shape_cast %mul3A_241 : vector<16xf32> to vector<16xf32>
        tpu.vector_store %arg6[%swap3A_247], %swap3A_250 {strides = array<i32>} : memref<272xf32, #tpu.memory_space<vmem>>, vector<16xf32>,
        %swap3A_251 = arith.constant 112 : index
        %swap3A_252 = tpu.vector_load %arg7[%swap3A_251] {strides = array<i32>} : memref<272xf32, #tpu.memory_space<vmem>>, vector<16xf32>,
        %swap3A_253 = vector.shape_cast %swap3A_252 : vector<16xf32> to vector<16xf32>
        %swap3A_254 = vector.shape_cast %sub3A_246 : vector<16xf32> to vector<16xf32>
        tpu.vector_store %arg7[%swap3A_251], %swap3A_254 {strides = array<i32>} : memref<272xf32, #tpu.memory_space<vmem>>, vector<16xf32>,
        %mul3A_255 = arith.constant 3.906250e-03 : f32
        %mul3A_256 = vector.broadcast %mul3A_255 : f32 to vector<16xf32>
        %mul3A_257 = arith.mulf %scan3A_126#16, %mul3A_256 : vector<16xf32>
        %mul3A_258 = arith.constant 3.906250e-03 : f32
        %mul3A_259 = vector.broadcast %mul3A_258 : f32 to vector<16xf32>
        %mul3A_260 = arith.mulf %scan3A_126#17, %mul3A_259 : vector<16xf32>
        %mul3A_261 = arith.mulf %mul3A_257, %mul3A_257 : vector<16xf32>
        %sub3A_262 = arith.subf %mul3A_260, %mul3A_261 : vector<16xf32>
        %swap3A_263 = arith.constant 128 : index
        %swap3A_264 = tpu.vector_load %arg6[%swap3A_263] {strides = array<i32>} : memref<272xf32, #tpu.memory_space<vmem>>, vector<16xf32>,
        %swap3A_265 = vector.shape_cast %swap3A_264 : vector<16xf32> to vector<16xf32>
        %swap3A_266 = vector.shape_cast %mul3A_257 : vector<16xf32> to vector<16xf32>
        tpu.vector_store %arg6[%swap3A_263], %swap3A_266 {strides = array<i32>} : memref<272xf32, #tpu.memory_space<vmem>>, vector<16xf32>,
        %swap3A_267 = arith.constant 128 : index
        %swap3A_268 = tpu.vector_load %arg7[%swap3A_267] {strides = array<i32>} : memref<272xf32, #tpu.memory_space<vmem>>, vector<16xf32>,
        %swap3A_269 = vector.shape_cast %swap3A_268 : vector<16xf32> to vector<16xf32>
        %swap3A_270 = vector.shape_cast %sub3A_262 : vector<16xf32> to vector<16xf32>
        tpu.vector_store %arg7[%swap3A_267], %swap3A_270 {strides = array<i32>} : memref<272xf32, #tpu.memory_space<vmem>>, vector<16xf32>,
        %mul3A_271 = arith.constant 3.906250e-03 : f32
        %mul3A_272 = vector.broadcast %mul3A_271 : f32 to vector<16xf32>
        %mul3A_273 = arith.mulf %scan3A_126#18, %mul3A_272 : vector<16xf32>
        %mul3A_274 = arith.constant 3.906250e-03 : f32
        %mul3A_275 = vector.broadcast %mul3A_274 : f32 to vector<16xf32>
        %mul3A_276 = arith.mulf %scan3A_126#19, %mul3A_275 : vector<16xf32>
        %mul3A_277 = arith.mulf %mul3A_273, %mul3A_273 : vector<16xf32>
        %sub3A_278 = arith.subf %mul3A_276, %mul3A_277 : vector<16xf32>
        %swap3A_279 = arith.constant 144 : index
        %swap3A_280 = tpu.vector_load %arg6[%swap3A_279] {strides = array<i32>} : memref<272xf32, #tpu.memory_space<vmem>>, vector<16xf32>,
        %swap3A_281 = vector.shape_cast %swap3A_280 : vector<16xf32> to vector<16xf32>
        %swap3A_282 = vector.shape_cast %mul3A_273 : vector<16xf32> to vector<16xf32>
        tpu.vector_store %arg6[%swap3A_279], %swap3A_282 {strides = array<i32>} : memref<272xf32, #tpu.memory_space<vmem>>, vector<16xf32>,
        %swap3A_283 = arith.constant 144 : index
        %swap3A_284 = tpu.vector_load %arg7[%swap3A_283] {strides = array<i32>} : memref<272xf32, #tpu.memory_space<vmem>>, vector<16xf32>,
        %swap3A_285 = vector.shape_cast %swap3A_284 : vector<16xf32> to vector<16xf32>
        %swap3A_286 = vector.shape_cast %sub3A_278 : vector<16xf32> to vector<16xf32>
        tpu.vector_store %arg7[%swap3A_283], %swap3A_286 {strides = array<i32>} : memref<272xf32, #tpu.memory_space<vmem>>, vector<16xf32>,
        %mul3A_287 = arith.constant 3.906250e-03 : f32
        %mul3A_288 = vector.broadcast %mul3A_287 : f32 to vector<16xf32>
        %mul3A_289 = arith.mulf %scan3A_126#20, %mul3A_288 : vector<16xf32>
        %mul3A_290 = arith.constant 3.906250e-03 : f32
        %mul3A_291 = vector.broadcast %mul3A_290 : f32 to vector<16xf32>
        %mul3A_292 = arith.mulf %scan3A_126#21, %mul3A_291 : vector<16xf32>
        %mul3A_293 = arith.mulf %mul3A_289, %mul3A_289 : vector<16xf32>
        %sub3A_294 = arith.subf %mul3A_292, %mul3A_293 : vector<16xf32>
        %swap3A_295 = arith.constant 160 : index
        %swap3A_296 = tpu.vector_load %arg6[%swap3A_295] {strides = array<i32>} : memref<272xf32, #tpu.memory_space<vmem>>, vector<16xf32>,
        %swap3A_297 = vector.shape_cast %swap3A_296 : vector<16xf32> to vector<16xf32>
        %swap3A_298 = vector.shape_cast %mul3A_289 : vector<16xf32> to vector<16xf32>
        tpu.vector_store %arg6[%swap3A_295], %swap3A_298 {strides = array<i32>} : memref<272xf32, #tpu.memory_space<vmem>>, vector<16xf32>,
        %swap3A_299 = arith.constant 160 : index
        %swap3A_300 = tpu.vector_load %arg7[%swap3A_299] {strides = array<i32>} : memref<272xf32, #tpu.memory_space<vmem>>, vector<16xf32>,
        %swap3A_301 = vector.shape_cast %swap3A_300 : vector<16xf32> to vector<16xf32>
        %swap3A_302 = vector.shape_cast %sub3A_294 : vector<16xf32> to vector<16xf32>
        tpu.vector_store %arg7[%swap3A_299], %swap3A_302 {strides = array<i32>} : memref<272xf32, #tpu.memory_space<vmem>>, vector<16xf32>,
        %mul3A_303 = arith.constant 3.906250e-03 : f32
        %mul3A_304 = vector.broadcast %mul3A_303 : f32 to vector<16xf32>
        %mul3A_305 = arith.mulf %scan3A_126#22, %mul3A_304 : vector<16xf32>
        %mul3A_306 = arith.constant 3.906250e-03 : f32
        %mul3A_307 = vector.broadcast %mul3A_306 : f32 to vector<16xf32>
        %mul3A_308 = arith.mulf %scan3A_126#23, %mul3A_307 : vector<16xf32>
        %mul3A_309 = arith.mulf %mul3A_305, %mul3A_305 : vector<16xf32>
        %sub3A_310 = arith.subf %mul3A_308, %mul3A_309 : vector<16xf32>
        %swap3A_311 = arith.constant 176 : index
        %swap3A_312 = tpu.vector_load %arg6[%swap3A_311] {strides = array<i32>} : memref<272xf32, #tpu.memory_space<vmem>>, vector<16xf32>,
        %swap3A_313 = vector.shape_cast %swap3A_312 : vector<16xf32> to vector<16xf32>
        %swap3A_314 = vector.shape_cast %mul3A_305 : vector<16xf32> to vector<16xf32>
        tpu.vector_store %arg6[%swap3A_311], %swap3A_314 {strides = array<i32>} : memref<272xf32, #tpu.memory_space<vmem>>, vector<16xf32>,
        %swap3A_315 = arith.constant 176 : index
        %swap3A_316 = tpu.vector_load %arg7[%swap3A_315] {strides = array<i32>} : memref<272xf32, #tpu.memory_space<vmem>>, vector<16xf32>,
        %swap3A_317 = vector.shape_cast %swap3A_316 : vector<16xf32> to vector<16xf32>
        %swap3A_318 = vector.shape_cast %sub3A_310 : vector<16xf32> to vector<16xf32>
        tpu.vector_store %arg7[%swap3A_315], %swap3A_318 {strides = array<i32>} : memref<272xf32, #tpu.memory_space<vmem>>, vector<16xf32>,
        %mul3A_319 = arith.constant 3.906250e-03 : f32
        %mul3A_320 = vector.broadcast %mul3A_319 : f32 to vector<16xf32>
        %mul3A_321 = arith.mulf %scan3A_126#24, %mul3A_320 : vector<16xf32>
        %mul3A_322 = arith.constant 3.906250e-03 : f32
        %mul3A_323 = vector.broadcast %mul3A_322 : f32 to vector<16xf32>
        %mul3A_324 = arith.mulf %scan3A_126#25, %mul3A_323 : vector<16xf32>
        %mul3A_325 = arith.mulf %mul3A_321, %mul3A_321 : vector<16xf32>
        %sub3A_326 = arith.subf %mul3A_324, %mul3A_325 : vector<16xf32>
        %swap3A_327 = arith.constant 192 : index
        %swap3A_328 = tpu.vector_load %arg6[%swap3A_327] {strides = array<i32>} : memref<272xf32, #tpu.memory_space<vmem>>, vector<16xf32>,
        %swap3A_329 = vector.shape_cast %swap3A_328 : vector<16xf32> to vector<16xf32>
        %swap3A_330 = vector.shape_cast %mul3A_321 : vector<16xf32> to vector<16xf32>
        tpu.vector_store %arg6[%swap3A_327], %swap3A_330 {strides = array<i32>} : memref<272xf32, #tpu.memory_space<vmem>>, vector<16xf32>,
        %swap3A_331 = arith.constant 192 : index
        %swap3A_332 = tpu.vector_load %arg7[%swap3A_331] {strides = array<i32>} : memref<272xf32, #tpu.memory_space<vmem>>, vector<16xf32>,
        %swap3A_333 = vector.shape_cast %swap3A_332 : vector<16xf32> to vector<16xf32>
        %swap3A_334 = vector.shape_cast %sub3A_326 : vector<16xf32> to vector<16xf32>
        tpu.vector_store %arg7[%swap3A_331], %swap3A_334 {strides = array<i32>} : memref<272xf32, #tpu.memory_space<vmem>>, vector<16xf32>,
        %mul3A_335 = arith.constant 3.906250e-03 : f32
        %mul3A_336 = vector.broadcast %mul3A_335 : f32 to vector<16xf32>
        %mul3A_337 = arith.mulf %scan3A_126#26, %mul3A_336 : vector<16xf32>
        %mul3A_338 = arith.constant 3.906250e-03 : f32
        %mul3A_339 = vector.broadcast %mul3A_338 : f32 to vector<16xf32>
        %mul3A_340 = arith.mulf %scan3A_126#27, %mul3A_339 : vector<16xf32>
        %mul3A_341 = arith.mulf %mul3A_337, %mul3A_337 : vector<16xf32>
        %sub3A_342 = arith.subf %mul3A_340, %mul3A_341 : vector<16xf32>
        %swap3A_343 = arith.constant 208 : index
        %swap3A_344 = tpu.vector_load %arg6[%swap3A_343] {strides = array<i32>} : memref<272xf32, #tpu.memory_space<vmem>>, vector<16xf32>,
        %swap3A_345 = vector.shape_cast %swap3A_344 : vector<16xf32> to vector<16xf32>
        %swap3A_346 = vector.shape_cast %mul3A_337 : vector<16xf32> to vector<16xf32>
        tpu.vector_store %arg6[%swap3A_343], %swap3A_346 {strides = array<i32>} : memref<272xf32, #tpu.memory_space<vmem>>, vector<16xf32>,
        %swap3A_347 = arith.constant 208 : index
        %swap3A_348 = tpu.vector_load %arg7[%swap3A_347] {strides = array<i32>} : memref<272xf32, #tpu.memory_space<vmem>>, vector<16xf32>,
        %swap3A_349 = vector.shape_cast %swap3A_348 : vector<16xf32> to vector<16xf32>
        %swap3A_350 = vector.shape_cast %sub3A_342 : vector<16xf32> to vector<16xf32>
        tpu.vector_store %arg7[%swap3A_347], %swap3A_350 {strides = array<i32>} : memref<272xf32, #tpu.memory_space<vmem>>, vector<16xf32>,
        %mul3A_351 = arith.constant 3.906250e-03 : f32
        %mul3A_352 = vector.broadcast %mul3A_351 : f32 to vector<16xf32>
        %mul3A_353 = arith.mulf %scan3A_126#28, %mul3A_352 : vector<16xf32>
        %mul3A_354 = arith.constant 3.906250e-03 : f32
        %mul3A_355 = vector.broadcast %mul3A_354 : f32 to vector<16xf32>
        %mul3A_356 = arith.mulf %scan3A_126#29, %mul3A_355 : vector<16xf32>
        %mul3A_357 = arith.mulf %mul3A_353, %mul3A_353 : vector<16xf32>
        %sub3A_358 = arith.subf %mul3A_356, %mul3A_357 : vector<16xf32>
        %swap3A_359 = arith.constant 224 : index
        %swap3A_360 = tpu.vector_load %arg6[%swap3A_359] {strides = array<i32>} : memref<272xf32, #tpu.memory_space<vmem>>, vector<16xf32>,
        %swap3A_361 = vector.shape_cast %swap3A_360 : vector<16xf32> to vector<16xf32>
        %swap3A_362 = vector.shape_cast %mul3A_353 : vector<16xf32> to vector<16xf32>
        tpu.vector_store %arg6[%swap3A_359], %swap3A_362 {strides = array<i32>} : memref<272xf32, #tpu.memory_space<vmem>>, vector<16xf32>,
        %swap3A_363 = arith.constant 224 : index
        %swap3A_364 = tpu.vector_load %arg7[%swap3A_363] {strides = array<i32>} : memref<272xf32, #tpu.memory_space<vmem>>, vector<16xf32>,
        %swap3A_365 = vector.shape_cast %swap3A_364 : vector<16xf32> to vector<16xf32>
        %swap3A_366 = vector.shape_cast %sub3A_358 : vector<16xf32> to vector<16xf32>
        tpu.vector_store %arg7[%swap3A_363], %swap3A_366 {strides = array<i32>} : memref<272xf32, #tpu.memory_space<vmem>>, vector<16xf32>,
        %mul3A_367 = arith.constant 3.906250e-03 : f32
        %mul3A_368 = vector.broadcast %mul3A_367 : f32 to vector<16xf32>
        %mul3A_369 = arith.mulf %scan3A_126#30, %mul3A_368 : vector<16xf32>
        %mul3A_370 = arith.constant 3.906250e-03 : f32
        %mul3A_371 = vector.broadcast %mul3A_370 : f32 to vector<16xf32>
        %mul3A_372 = arith.mulf %scan3A_126#31, %mul3A_371 : vector<16xf32>
        %mul3A_373 = arith.mulf %mul3A_369, %mul3A_369 : vector<16xf32>
        %sub3A_374 = arith.subf %mul3A_372, %mul3A_373 : vector<16xf32>
        %swap3A_375 = arith.constant 240 : index
        %swap3A_376 = tpu.vector_load %arg6[%swap3A_375] {strides = array<i32>} : memref<272xf32, #tpu.memory_space<vmem>>, vector<16xf32>,
        %swap3A_377 = vector.shape_cast %swap3A_376 : vector<16xf32> to vector<16xf32>
        %swap3A_378 = vector.shape_cast %mul3A_369 : vector<16xf32> to vector<16xf32>
        tpu.vector_store %arg6[%swap3A_375], %swap3A_378 {strides = array<i32>} : memref<272xf32, #tpu.memory_space<vmem>>, vector<16xf32>,
        %swap3A_379 = arith.constant 240 : index
        %swap3A_380 = tpu.vector_load %arg7[%swap3A_379] {strides = array<i32>} : memref<272xf32, #tpu.memory_space<vmem>>, vector<16xf32>,
        %swap3A_381 = vector.shape_cast %swap3A_380 : vector<16xf32> to vector<16xf32>
        %swap3A_382 = vector.shape_cast %sub3A_374 : vector<16xf32> to vector<16xf32>
        tpu.vector_store %arg7[%swap3A_379], %swap3A_382 {strides = array<i32>} : memref<272xf32, #tpu.memory_space<vmem>>, vector<16xf32>,
        %swap3A_383 = arith.constant 0 : i32
        %swap3A_384 = arith.constant 0 : i32
        %swap3A_385 = arith.index_cast %swap3A_384 : i32 to index
        %swap3A_386 = memref.load %arg9[%swap3A_385] : memref<1xi32, #tpu.memory_space<smem>>
        memref.store %swap3A_383, %arg9[%swap3A_385] : memref<1xi32, #tpu.memory_space<smem>>
        %scan3A_387 = arith.constant 0 : i32
        %scan3A_388 = arith.constant 0 : i32
        %scan3A_389 = arith.constant 16 : i32
        %scan3A_390 = arith.addi %scan3A_388, %scan3A_389 : i32
        %scan3A_391 = arith.constant 1 : i32
        scf.for %scan3A_407 = %scan3A_388 to %scan3A_390 step %scan3A_391  : i32 {
          %get3A_408 = arith.constant 0 : i32
          %get3A_409 = arith.index_cast %get3A_408 : i32 to index
          %get3A_410 = memref.load %arg9[%get3A_409] : memref<1xi32, #tpu.memory_space<smem>>
          %eq3A_411 = arith.constant 0 : i32
          %eq3A_412 = arith.cmpi eq, %get3A_410, %eq3A_411 : i32
          %convert_element_type3A_413 = arith.extui %eq3A_412 : i1 to i32
          %cond3A_414 = arith.constant 0 : i32
          %cond3A_415 = arith.cmpi ne, %convert_element_type3A_413, %cond3A_414 : i32
          scf.if %cond3A_415 {
            %mul3A_416 = arith.constant 16 : i32
            %mul3A_417 = arith.muli %scan3A_407, %mul3A_416 : i32
            %get3A_418 = arith.index_cast %mul3A_417 : i32 to index
            %get3A_419 = tpu.vector_load %arg6[%get3A_418] {strides = array<i32>} : memref<272xf32, #tpu.memory_space<vmem>>, vector<16xf32>,
            %get3A_420 = vector.shape_cast %get3A_419 : vector<16xf32> to vector<16xf32>
            %mul3A_421 = arith.constant 16 : i32
            %mul3A_422 = arith.muli %scan3A_407, %mul3A_421 : i32
            %get3A_423 = arith.index_cast %mul3A_422 : i32 to index
            %get3A_424 = tpu.vector_load %arg7[%get3A_423] {strides = array<i32>} : memref<272xf32, #tpu.memory_space<vmem>>, vector<16xf32>,
            %get3A_425 = vector.shape_cast %get3A_424 : vector<16xf32> to vector<16xf32>
            %get3A_426 = arith.constant 0 : index
            %get3A_427 = tpu.vector_load %arg6[%get3A_426] {strides = array<i32>} : memref<272xf32, #tpu.memory_space<vmem>>, vector<16xf32>,
            %get3A_428 = vector.shape_cast %get3A_427 : vector<16xf32> to vector<16xf32>
            %get3A_429 = arith.constant 16 : index
            %get3A_430 = tpu.vector_load %arg6[%get3A_429] {strides = array<i32>} : memref<272xf32, #tpu.memory_space<vmem>>, vector<16xf32>,
            %get3A_431 = vector.shape_cast %get3A_430 : vector<16xf32> to vector<16xf32>
            %get3A_432 = arith.constant 32 : index
            %get3A_433 = tpu.vector_load %arg6[%get3A_432] {strides = array<i32>} : memref<272xf32, #tpu.memory_space<vmem>>, vector<16xf32>,
            %get3A_434 = vector.shape_cast %get3A_433 : vector<16xf32> to vector<16xf32>
            %get3A_435 = arith.constant 48 : index
            %get3A_436 = tpu.vector_load %arg6[%get3A_435] {strides = array<i32>} : memref<272xf32, #tpu.memory_space<vmem>>, vector<16xf32>,
            %get3A_437 = vector.shape_cast %get3A_436 : vector<16xf32> to vector<16xf32>
            %get3A_438 = arith.constant 64 : index
            %get3A_439 = tpu.vector_load %arg6[%get3A_438] {strides = array<i32>} : memref<272xf32, #tpu.memory_space<vmem>>, vector<16xf32>,
            %get3A_440 = vector.shape_cast %get3A_439 : vector<16xf32> to vector<16xf32>
            %get3A_441 = arith.constant 80 : index
            %get3A_442 = tpu.vector_load %arg6[%get3A_441] {strides = array<i32>} : memref<272xf32, #tpu.memory_space<vmem>>, vector<16xf32>,
            %get3A_443 = vector.shape_cast %get3A_442 : vector<16xf32> to vector<16xf32>
            %get3A_444 = arith.constant 96 : index
            %get3A_445 = tpu.vector_load %arg6[%get3A_444] {strides = array<i32>} : memref<272xf32, #tpu.memory_space<vmem>>, vector<16xf32>,
            %get3A_446 = vector.shape_cast %get3A_445 : vector<16xf32> to vector<16xf32>
            %get3A_447 = arith.constant 112 : index
            %get3A_448 = tpu.vector_load %arg6[%get3A_447] {strides = array<i32>} : memref<272xf32, #tpu.memory_space<vmem>>, vector<16xf32>,
            %get3A_449 = vector.shape_cast %get3A_448 : vector<16xf32> to vector<16xf32>
            %get3A_450 = arith.constant 128 : index
            %get3A_451 = tpu.vector_load %arg6[%get3A_450] {strides = array<i32>} : memref<272xf32, #tpu.memory_space<vmem>>, vector<16xf32>,
            %get3A_452 = vector.shape_cast %get3A_451 : vector<16xf32> to vector<16xf32>
            %get3A_453 = arith.constant 144 : index
            %get3A_454 = tpu.vector_load %arg6[%get3A_453] {strides = array<i32>} : memref<272xf32, #tpu.memory_space<vmem>>, vector<16xf32>,
            %get3A_455 = vector.shape_cast %get3A_454 : vector<16xf32> to vector<16xf32>
            %get3A_456 = arith.constant 160 : index
            %get3A_457 = tpu.vector_load %arg6[%get3A_456] {strides = array<i32>} : memref<272xf32, #tpu.memory_space<vmem>>, vector<16xf32>,
            %get3A_458 = vector.shape_cast %get3A_457 : vector<16xf32> to vector<16xf32>
            %get3A_459 = arith.constant 176 : index
            %get3A_460 = tpu.vector_load %arg6[%get3A_459] {strides = array<i32>} : memref<272xf32, #tpu.memory_space<vmem>>, vector<16xf32>,
            %get3A_461 = vector.shape_cast %get3A_460 : vector<16xf32> to vector<16xf32>
            %get3A_462 = arith.constant 192 : index
            %get3A_463 = tpu.vector_load %arg6[%get3A_462] {strides = array<i32>} : memref<272xf32, #tpu.memory_space<vmem>>, vector<16xf32>,
            %get3A_464 = vector.shape_cast %get3A_463 : vector<16xf32> to vector<16xf32>
            %get3A_465 = arith.constant 208 : index
            %get3A_466 = tpu.vector_load %arg6[%get3A_465] {strides = array<i32>} : memref<272xf32, #tpu.memory_space<vmem>>, vector<16xf32>,
            %get3A_467 = vector.shape_cast %get3A_466 : vector<16xf32> to vector<16xf32>
            %get3A_468 = arith.constant 224 : index
            %get3A_469 = tpu.vector_load %arg6[%get3A_468] {strides = array<i32>} : memref<272xf32, #tpu.memory_space<vmem>>, vector<16xf32>,
            %get3A_470 = vector.shape_cast %get3A_469 : vector<16xf32> to vector<16xf32>
            %get3A_471 = arith.constant 240 : index
            %get3A_472 = tpu.vector_load %arg6[%get3A_471] {strides = array<i32>} : memref<272xf32, #tpu.memory_space<vmem>>, vector<16xf32>,
            %get3A_473 = vector.shape_cast %get3A_472 : vector<16xf32> to vector<16xf32>
            %get3A_474 = arith.constant 0 : index
            %get3A_475 = tpu.vector_load %arg7[%get3A_474] {strides = array<i32>} : memref<272xf32, #tpu.memory_space<vmem>>, vector<16xf32>,
            %get3A_476 = vector.shape_cast %get3A_475 : vector<16xf32> to vector<16xf32>
            %get3A_477 = arith.constant 16 : index
            %get3A_478 = tpu.vector_load %arg7[%get3A_477] {strides = array<i32>} : memref<272xf32, #tpu.memory_space<vmem>>, vector<16xf32>,
            %get3A_479 = vector.shape_cast %get3A_478 : vector<16xf32> to vector<16xf32>
            %get3A_480 = arith.constant 32 : index
            %get3A_481 = tpu.vector_load %arg7[%get3A_480] {strides = array<i32>} : memref<272xf32, #tpu.memory_space<vmem>>, vector<16xf32>,
            %get3A_482 = vector.shape_cast %get3A_481 : vector<16xf32> to vector<16xf32>
            %get3A_483 = arith.constant 48 : index
            %get3A_484 = tpu.vector_load %arg7[%get3A_483] {strides = array<i32>} : memref<272xf32, #tpu.memory_space<vmem>>, vector<16xf32>,
            %get3A_485 = vector.shape_cast %get3A_484 : vector<16xf32> to vector<16xf32>
            %get3A_486 = arith.constant 64 : index
            %get3A_487 = tpu.vector_load %arg7[%get3A_486] {strides = array<i32>} : memref<272xf32, #tpu.memory_space<vmem>>, vector<16xf32>,
            %get3A_488 = vector.shape_cast %get3A_487 : vector<16xf32> to vector<16xf32>
            %get3A_489 = arith.constant 80 : index
            %get3A_490 = tpu.vector_load %arg7[%get3A_489] {strides = array<i32>} : memref<272xf32, #tpu.memory_space<vmem>>, vector<16xf32>,
            %get3A_491 = vector.shape_cast %get3A_490 : vector<16xf32> to vector<16xf32>
            %get3A_492 = arith.constant 96 : index
            %get3A_493 = tpu.vector_load %arg7[%get3A_492] {strides = array<i32>} : memref<272xf32, #tpu.memory_space<vmem>>, vector<16xf32>,
            %get3A_494 = vector.shape_cast %get3A_493 : vector<16xf32> to vector<16xf32>
            %get3A_495 = arith.constant 112 : index
            %get3A_496 = tpu.vector_load %arg7[%get3A_495] {strides = array<i32>} : memref<272xf32, #tpu.memory_space<vmem>>, vector<16xf32>,
            %get3A_497 = vector.shape_cast %get3A_496 : vector<16xf32> to vector<16xf32>
            %get3A_498 = arith.constant 128 : index
            %get3A_499 = tpu.vector_load %arg7[%get3A_498] {strides = array<i32>} : memref<272xf32, #tpu.memory_space<vmem>>, vector<16xf32>,
            %get3A_500 = vector.shape_cast %get3A_499 : vector<16xf32> to vector<16xf32>
            %get3A_501 = arith.constant 144 : index
            %get3A_502 = tpu.vector_load %arg7[%get3A_501] {strides = array<i32>} : memref<272xf32, #tpu.memory_space<vmem>>, vector<16xf32>,
            %get3A_503 = vector.shape_cast %get3A_502 : vector<16xf32> to vector<16xf32>
            %get3A_504 = arith.constant 160 : index
            %get3A_505 = tpu.vector_load %arg7[%get3A_504] {strides = array<i32>} : memref<272xf32, #tpu.memory_space<vmem>>, vector<16xf32>,
            %get3A_506 = vector.shape_cast %get3A_505 : vector<16xf32> to vector<16xf32>
            %get3A_507 = arith.constant 176 : index
            %get3A_508 = tpu.vector_load %arg7[%get3A_507] {strides = array<i32>} : memref<272xf32, #tpu.memory_space<vmem>>, vector<16xf32>,
            %get3A_509 = vector.shape_cast %get3A_508 : vector<16xf32> to vector<16xf32>
            %get3A_510 = arith.constant 192 : index
            %get3A_511 = tpu.vector_load %arg7[%get3A_510] {strides = array<i32>} : memref<272xf32, #tpu.memory_space<vmem>>, vector<16xf32>,
            %get3A_512 = vector.shape_cast %get3A_511 : vector<16xf32> to vector<16xf32>
            %get3A_513 = arith.constant 208 : index
            %get3A_514 = tpu.vector_load %arg7[%get3A_513] {strides = array<i32>} : memref<272xf32, #tpu.memory_space<vmem>>, vector<16xf32>,
            %get3A_515 = vector.shape_cast %get3A_514 : vector<16xf32> to vector<16xf32>
            %get3A_516 = arith.constant 224 : index
            %get3A_517 = tpu.vector_load %arg7[%get3A_516] {strides = array<i32>} : memref<272xf32, #tpu.memory_space<vmem>>, vector<16xf32>,
            %get3A_518 = vector.shape_cast %get3A_517 : vector<16xf32> to vector<16xf32>
            %get3A_519 = arith.constant 240 : index
            %get3A_520 = tpu.vector_load %arg7[%get3A_519] {strides = array<i32>} : memref<272xf32, #tpu.memory_space<vmem>>, vector<16xf32>,
            %get3A_521 = vector.shape_cast %get3A_520 : vector<16xf32> to vector<16xf32>
            %broadcast_in_dim3A_522 = arith.constant false
            %broadcast_in_dim3A_523 = vector.broadcast %broadcast_in_dim3A_522 : i1 to vector<16xi1>
            %slice3A = vector.extract_strided_slice %get3A_420 {offsets = [0], sizes = [1], strides = [1]} : vector<16xf32> to vector<1xf32>
            %squeeze3A = vector.extract %slice3A[0] : f32 from vector<1xf32>
            %broadcast_in_dim3A_524 = vector.broadcast %squeeze3A : f32 to vector<16xf32>
            %slice3A_525 = vector.extract_strided_slice %get3A_425 {offsets = [0], sizes = [1], strides = [1]} : vector<16xf32> to vector<1xf32>
            %squeeze3A_526 = vector.extract %slice3A_525[0] : f32 from vector<1xf32>
            %broadcast_in_dim3A_527 = vector.broadcast %squeeze3A_526 : f32 to vector<16xf32>
            %gt3A_528 = arith.cmpf ogt, %get3A_428, %broadcast_in_dim3A_524 : vector<16xf32>
            %lt3A_529 = arith.cmpf olt, %get3A_476, %broadcast_in_dim3A_527 : vector<16xf32>
            %and3A = arith.andi %gt3A_528, %lt3A_529 : vector<16xi1>
            %or3A = arith.ori %broadcast_in_dim3A_523, %and3A : vector<16xi1>
            %gt3A_530 = arith.cmpf ogt, %get3A_431, %broadcast_in_dim3A_524 : vector<16xf32>
            %lt3A_531 = arith.cmpf olt, %get3A_479, %broadcast_in_dim3A_527 : vector<16xf32>
            %and3A_532 = arith.andi %gt3A_530, %lt3A_531 : vector<16xi1>
            %or3A_533 = arith.ori %or3A, %and3A_532 : vector<16xi1>
            %gt3A_534 = arith.cmpf ogt, %get3A_434, %broadcast_in_dim3A_524 : vector<16xf32>
            %lt3A_535 = arith.cmpf olt, %get3A_482, %broadcast_in_dim3A_527 : vector<16xf32>
            %and3A_536 = arith.andi %gt3A_534, %lt3A_535 : vector<16xi1>
            %or3A_537 = arith.ori %or3A_533, %and3A_536 : vector<16xi1>
            %gt3A_538 = arith.cmpf ogt, %get3A_437, %broadcast_in_dim3A_524 : vector<16xf32>
            %lt3A_539 = arith.cmpf olt, %get3A_485, %broadcast_in_dim3A_527 : vector<16xf32>
            %and3A_540 = arith.andi %gt3A_538, %lt3A_539 : vector<16xi1>
            %or3A_541 = arith.ori %or3A_537, %and3A_540 : vector<16xi1>
            %gt3A_542 = arith.cmpf ogt, %get3A_440, %broadcast_in_dim3A_524 : vector<16xf32>
            %lt3A_543 = arith.cmpf olt, %get3A_488, %broadcast_in_dim3A_527 : vector<16xf32>
            %and3A_544 = arith.andi %gt3A_542, %lt3A_543 : vector<16xi1>
            %or3A_545 = arith.ori %or3A_541, %and3A_544 : vector<16xi1>
            %gt3A_546 = arith.cmpf ogt, %get3A_443, %broadcast_in_dim3A_524 : vector<16xf32>
            %lt3A_547 = arith.cmpf olt, %get3A_491, %broadcast_in_dim3A_527 : vector<16xf32>
            %and3A_548 = arith.andi %gt3A_546, %lt3A_547 : vector<16xi1>
            %or3A_549 = arith.ori %or3A_545, %and3A_548 : vector<16xi1>
            %gt3A_550 = arith.cmpf ogt, %get3A_446, %broadcast_in_dim3A_524 : vector<16xf32>
            %lt3A_551 = arith.cmpf olt, %get3A_494, %broadcast_in_dim3A_527 : vector<16xf32>
            %and3A_552 = arith.andi %gt3A_550, %lt3A_551 : vector<16xi1>
            %or3A_553 = arith.ori %or3A_549, %and3A_552 : vector<16xi1>
            %gt3A_554 = arith.cmpf ogt, %get3A_449, %broadcast_in_dim3A_524 : vector<16xf32>
            %lt3A_555 = arith.cmpf olt, %get3A_497, %broadcast_in_dim3A_527 : vector<16xf32>
            %and3A_556 = arith.andi %gt3A_554, %lt3A_555 : vector<16xi1>
            %or3A_557 = arith.ori %or3A_553, %and3A_556 : vector<16xi1>
            %gt3A_558 = arith.cmpf ogt, %get3A_452, %broadcast_in_dim3A_524 : vector<16xf32>
            %lt3A_559 = arith.cmpf olt, %get3A_500, %broadcast_in_dim3A_527 : vector<16xf32>
            %and3A_560 = arith.andi %gt3A_558, %lt3A_559 : vector<16xi1>
            %or3A_561 = arith.ori %or3A_557, %and3A_560 : vector<16xi1>
            %gt3A_562 = arith.cmpf ogt, %get3A_455, %broadcast_in_dim3A_524 : vector<16xf32>
            %lt3A_563 = arith.cmpf olt, %get3A_503, %broadcast_in_dim3A_527 : vector<16xf32>
            %and3A_564 = arith.andi %gt3A_562, %lt3A_563 : vector<16xi1>
            %or3A_565 = arith.ori %or3A_561, %and3A_564 : vector<16xi1>
            %gt3A_566 = arith.cmpf ogt, %get3A_458, %broadcast_in_dim3A_524 : vector<16xf32>
            %lt3A_567 = arith.cmpf olt, %get3A_506, %broadcast_in_dim3A_527 : vector<16xf32>
            %and3A_568 = arith.andi %gt3A_566, %lt3A_567 : vector<16xi1>
            %or3A_569 = arith.ori %or3A_565, %and3A_568 : vector<16xi1>
            %gt3A_570 = arith.cmpf ogt, %get3A_461, %broadcast_in_dim3A_524 : vector<16xf32>
            %lt3A_571 = arith.cmpf olt, %get3A_509, %broadcast_in_dim3A_527 : vector<16xf32>
            %and3A_572 = arith.andi %gt3A_570, %lt3A_571 : vector<16xi1>
            %or3A_573 = arith.ori %or3A_569, %and3A_572 : vector<16xi1>
            %gt3A_574 = arith.cmpf ogt, %get3A_464, %broadcast_in_dim3A_524 : vector<16xf32>
            %lt3A_575 = arith.cmpf olt, %get3A_512, %broadcast_in_dim3A_527 : vector<16xf32>
            %and3A_576 = arith.andi %gt3A_574, %lt3A_575 : vector<16xi1>
            %or3A_577 = arith.ori %or3A_573, %and3A_576 : vector<16xi1>
            %gt3A_578 = arith.cmpf ogt, %get3A_467, %broadcast_in_dim3A_524 : vector<16xf32>
            %lt3A_579 = arith.cmpf olt, %get3A_515, %broadcast_in_dim3A_527 : vector<16xf32>
            %and3A_580 = arith.andi %gt3A_578, %lt3A_579 : vector<16xi1>
            %or3A_581 = arith.ori %or3A_577, %and3A_580 : vector<16xi1>
            %gt3A_582 = arith.cmpf ogt, %get3A_470, %broadcast_in_dim3A_524 : vector<16xf32>
            %lt3A_583 = arith.cmpf olt, %get3A_518, %broadcast_in_dim3A_527 : vector<16xf32>
            %and3A_584 = arith.andi %gt3A_582, %lt3A_583 : vector<16xi1>
            %or3A_585 = arith.ori %or3A_581, %and3A_584 : vector<16xi1>
            %gt3A_586 = arith.cmpf ogt, %get3A_473, %broadcast_in_dim3A_524 : vector<16xf32>
            %lt3A_587 = arith.cmpf olt, %get3A_521, %broadcast_in_dim3A_527 : vector<16xf32>
            %and3A_588 = arith.andi %gt3A_586, %lt3A_587 : vector<16xi1>
            %or3A_589 = arith.ori %or3A_585, %and3A_588 : vector<16xi1>
            %slice3A_590 = vector.extract_strided_slice %get3A_420 {offsets = [1], sizes = [1], strides = [1]} : vector<16xf32> to vector<1xf32>
            %squeeze3A_591 = vector.extract %slice3A_590[0] : f32 from vector<1xf32>
            %broadcast_in_dim3A_592 = vector.broadcast %squeeze3A_591 : f32 to vector<16xf32>
            %slice3A_593 = vector.extract_strided_slice %get3A_425 {offsets = [1], sizes = [1], strides = [1]} : vector<16xf32> to vector<1xf32>
            %squeeze3A_594 = vector.extract %slice3A_593[0] : f32 from vector<1xf32>
            %broadcast_in_dim3A_595 = vector.broadcast %squeeze3A_594 : f32 to vector<16xf32>
            %gt3A_596 = arith.cmpf ogt, %get3A_428, %broadcast_in_dim3A_592 : vector<16xf32>
            %lt3A_597 = arith.cmpf olt, %get3A_476, %broadcast_in_dim3A_595 : vector<16xf32>
            %and3A_598 = arith.andi %gt3A_596, %lt3A_597 : vector<16xi1>
            %or3A_599 = arith.ori %or3A_589, %and3A_598 : vector<16xi1>
            %gt3A_600 = arith.cmpf ogt, %get3A_431, %broadcast_in_dim3A_592 : vector<16xf32>
            %lt3A_601 = arith.cmpf olt, %get3A_479, %broadcast_in_dim3A_595 : vector<16xf32>
            %and3A_602 = arith.andi %gt3A_600, %lt3A_601 : vector<16xi1>
            %or3A_603 = arith.ori %or3A_599, %and3A_602 : vector<16xi1>
            %gt3A_604 = arith.cmpf ogt, %get3A_434, %broadcast_in_dim3A_592 : vector<16xf32>
            %lt3A_605 = arith.cmpf olt, %get3A_482, %broadcast_in_dim3A_595 : vector<16xf32>
            %and3A_606 = arith.andi %gt3A_604, %lt3A_605 : vector<16xi1>
            %or3A_607 = arith.ori %or3A_603, %and3A_606 : vector<16xi1>
            %gt3A_608 = arith.cmpf ogt, %get3A_437, %broadcast_in_dim3A_592 : vector<16xf32>
            %lt3A_609 = arith.cmpf olt, %get3A_485, %broadcast_in_dim3A_595 : vector<16xf32>
            %and3A_610 = arith.andi %gt3A_608, %lt3A_609 : vector<16xi1>
            %or3A_611 = arith.ori %or3A_607, %and3A_610 : vector<16xi1>
            %gt3A_612 = arith.cmpf ogt, %get3A_440, %broadcast_in_dim3A_592 : vector<16xf32>
            %lt3A_613 = arith.cmpf olt, %get3A_488, %broadcast_in_dim3A_595 : vector<16xf32>
            %and3A_614 = arith.andi %gt3A_612, %lt3A_613 : vector<16xi1>
            %or3A_615 = arith.ori %or3A_611, %and3A_614 : vector<16xi1>
            %gt3A_616 = arith.cmpf ogt, %get3A_443, %broadcast_in_dim3A_592 : vector<16xf32>
            %lt3A_617 = arith.cmpf olt, %get3A_491, %broadcast_in_dim3A_595 : vector<16xf32>
            %and3A_618 = arith.andi %gt3A_616, %lt3A_617 : vector<16xi1>
            %or3A_619 = arith.ori %or3A_615, %and3A_618 : vector<16xi1>
            %gt3A_620 = arith.cmpf ogt, %get3A_446, %broadcast_in_dim3A_592 : vector<16xf32>
            %lt3A_621 = arith.cmpf olt, %get3A_494, %broadcast_in_dim3A_595 : vector<16xf32>
            %and3A_622 = arith.andi %gt3A_620, %lt3A_621 : vector<16xi1>
            %or3A_623 = arith.ori %or3A_619, %and3A_622 : vector<16xi1>
            %gt3A_624 = arith.cmpf ogt, %get3A_449, %broadcast_in_dim3A_592 : vector<16xf32>
            %lt3A_625 = arith.cmpf olt, %get3A_497, %broadcast_in_dim3A_595 : vector<16xf32>
            %and3A_626 = arith.andi %gt3A_624, %lt3A_625 : vector<16xi1>
            %or3A_627 = arith.ori %or3A_623, %and3A_626 : vector<16xi1>
            %gt3A_628 = arith.cmpf ogt, %get3A_452, %broadcast_in_dim3A_592 : vector<16xf32>
            %lt3A_629 = arith.cmpf olt, %get3A_500, %broadcast_in_dim3A_595 : vector<16xf32>
            %and3A_630 = arith.andi %gt3A_628, %lt3A_629 : vector<16xi1>
            %or3A_631 = arith.ori %or3A_627, %and3A_630 : vector<16xi1>
            %gt3A_632 = arith.cmpf ogt, %get3A_455, %broadcast_in_dim3A_592 : vector<16xf32>
            %lt3A_633 = arith.cmpf olt, %get3A_503, %broadcast_in_dim3A_595 : vector<16xf32>
            %and3A_634 = arith.andi %gt3A_632, %lt3A_633 : vector<16xi1>
            %or3A_635 = arith.ori %or3A_631, %and3A_634 : vector<16xi1>
            %gt3A_636 = arith.cmpf ogt, %get3A_458, %broadcast_in_dim3A_592 : vector<16xf32>
            %lt3A_637 = arith.cmpf olt, %get3A_506, %broadcast_in_dim3A_595 : vector<16xf32>
            %and3A_638 = arith.andi %gt3A_636, %lt3A_637 : vector<16xi1>
            %or3A_639 = arith.ori %or3A_635, %and3A_638 : vector<16xi1>
            %gt3A_640 = arith.cmpf ogt, %get3A_461, %broadcast_in_dim3A_592 : vector<16xf32>
            %lt3A_641 = arith.cmpf olt, %get3A_509, %broadcast_in_dim3A_595 : vector<16xf32>
            %and3A_642 = arith.andi %gt3A_640, %lt3A_641 : vector<16xi1>
            %or3A_643 = arith.ori %or3A_639, %and3A_642 : vector<16xi1>
            %gt3A_644 = arith.cmpf ogt, %get3A_464, %broadcast_in_dim3A_592 : vector<16xf32>
            %lt3A_645 = arith.cmpf olt, %get3A_512, %broadcast_in_dim3A_595 : vector<16xf32>
            %and3A_646 = arith.andi %gt3A_644, %lt3A_645 : vector<16xi1>
            %or3A_647 = arith.ori %or3A_643, %and3A_646 : vector<16xi1>
            %gt3A_648 = arith.cmpf ogt, %get3A_467, %broadcast_in_dim3A_592 : vector<16xf32>
            %lt3A_649 = arith.cmpf olt, %get3A_515, %broadcast_in_dim3A_595 : vector<16xf32>
            %and3A_650 = arith.andi %gt3A_648, %lt3A_649 : vector<16xi1>
            %or3A_651 = arith.ori %or3A_647, %and3A_650 : vector<16xi1>
            %gt3A_652 = arith.cmpf ogt, %get3A_470, %broadcast_in_dim3A_592 : vector<16xf32>
            %lt3A_653 = arith.cmpf olt, %get3A_518, %broadcast_in_dim3A_595 : vector<16xf32>
            %and3A_654 = arith.andi %gt3A_652, %lt3A_653 : vector<16xi1>
            %or3A_655 = arith.ori %or3A_651, %and3A_654 : vector<16xi1>
            %gt3A_656 = arith.cmpf ogt, %get3A_473, %broadcast_in_dim3A_592 : vector<16xf32>
            %lt3A_657 = arith.cmpf olt, %get3A_521, %broadcast_in_dim3A_595 : vector<16xf32>
            %and3A_658 = arith.andi %gt3A_656, %lt3A_657 : vector<16xi1>
            %or3A_659 = arith.ori %or3A_655, %and3A_658 : vector<16xi1>
            %slice3A_660 = vector.extract_strided_slice %get3A_420 {offsets = [2], sizes = [1], strides = [1]} : vector<16xf32> to vector<1xf32>
            %squeeze3A_661 = vector.extract %slice3A_660[0] : f32 from vector<1xf32>
            %broadcast_in_dim3A_662 = vector.broadcast %squeeze3A_661 : f32 to vector<16xf32>
            %slice3A_663 = vector.extract_strided_slice %get3A_425 {offsets = [2], sizes = [1], strides = [1]} : vector<16xf32> to vector<1xf32>
            %squeeze3A_664 = vector.extract %slice3A_663[0] : f32 from vector<1xf32>
            %broadcast_in_dim3A_665 = vector.broadcast %squeeze3A_664 : f32 to vector<16xf32>
            %gt3A_666 = arith.cmpf ogt, %get3A_428, %broadcast_in_dim3A_662 : vector<16xf32>
            %lt3A_667 = arith.cmpf olt, %get3A_476, %broadcast_in_dim3A_665 : vector<16xf32>
            %and3A_668 = arith.andi %gt3A_666, %lt3A_667 : vector<16xi1>
            %or3A_669 = arith.ori %or3A_659, %and3A_668 : vector<16xi1>
            %gt3A_670 = arith.cmpf ogt, %get3A_431, %broadcast_in_dim3A_662 : vector<16xf32>
            %lt3A_671 = arith.cmpf olt, %get3A_479, %broadcast_in_dim3A_665 : vector<16xf32>
            %and3A_672 = arith.andi %gt3A_670, %lt3A_671 : vector<16xi1>
            %or3A_673 = arith.ori %or3A_669, %and3A_672 : vector<16xi1>
            %gt3A_674 = arith.cmpf ogt, %get3A_434, %broadcast_in_dim3A_662 : vector<16xf32>
            %lt3A_675 = arith.cmpf olt, %get3A_482, %broadcast_in_dim3A_665 : vector<16xf32>
            %and3A_676 = arith.andi %gt3A_674, %lt3A_675 : vector<16xi1>
            %or3A_677 = arith.ori %or3A_673, %and3A_676 : vector<16xi1>
            %gt3A_678 = arith.cmpf ogt, %get3A_437, %broadcast_in_dim3A_662 : vector<16xf32>
            %lt3A_679 = arith.cmpf olt, %get3A_485, %broadcast_in_dim3A_665 : vector<16xf32>
            %and3A_680 = arith.andi %gt3A_678, %lt3A_679 : vector<16xi1>
            %or3A_681 = arith.ori %or3A_677, %and3A_680 : vector<16xi1>
            %gt3A_682 = arith.cmpf ogt, %get3A_440, %broadcast_in_dim3A_662 : vector<16xf32>
            %lt3A_683 = arith.cmpf olt, %get3A_488, %broadcast_in_dim3A_665 : vector<16xf32>
            %and3A_684 = arith.andi %gt3A_682, %lt3A_683 : vector<16xi1>
            %or3A_685 = arith.ori %or3A_681, %and3A_684 : vector<16xi1>
            %gt3A_686 = arith.cmpf ogt, %get3A_443, %broadcast_in_dim3A_662 : vector<16xf32>
            %lt3A_687 = arith.cmpf olt, %get3A_491, %broadcast_in_dim3A_665 : vector<16xf32>
            %and3A_688 = arith.andi %gt3A_686, %lt3A_687 : vector<16xi1>
            %or3A_689 = arith.ori %or3A_685, %and3A_688 : vector<16xi1>
            %gt3A_690 = arith.cmpf ogt, %get3A_446, %broadcast_in_dim3A_662 : vector<16xf32>
            %lt3A_691 = arith.cmpf olt, %get3A_494, %broadcast_in_dim3A_665 : vector<16xf32>
            %and3A_692 = arith.andi %gt3A_690, %lt3A_691 : vector<16xi1>
            %or3A_693 = arith.ori %or3A_689, %and3A_692 : vector<16xi1>
            %gt3A_694 = arith.cmpf ogt, %get3A_449, %broadcast_in_dim3A_662 : vector<16xf32>
            %lt3A_695 = arith.cmpf olt, %get3A_497, %broadcast_in_dim3A_665 : vector<16xf32>
            %and3A_696 = arith.andi %gt3A_694, %lt3A_695 : vector<16xi1>
            %or3A_697 = arith.ori %or3A_693, %and3A_696 : vector<16xi1>
            %gt3A_698 = arith.cmpf ogt, %get3A_452, %broadcast_in_dim3A_662 : vector<16xf32>
            %lt3A_699 = arith.cmpf olt, %get3A_500, %broadcast_in_dim3A_665 : vector<16xf32>
            %and3A_700 = arith.andi %gt3A_698, %lt3A_699 : vector<16xi1>
            %or3A_701 = arith.ori %or3A_697, %and3A_700 : vector<16xi1>
            %gt3A_702 = arith.cmpf ogt, %get3A_455, %broadcast_in_dim3A_662 : vector<16xf32>
            %lt3A_703 = arith.cmpf olt, %get3A_503, %broadcast_in_dim3A_665 : vector<16xf32>
            %and3A_704 = arith.andi %gt3A_702, %lt3A_703 : vector<16xi1>
            %or3A_705 = arith.ori %or3A_701, %and3A_704 : vector<16xi1>
            %gt3A_706 = arith.cmpf ogt, %get3A_458, %broadcast_in_dim3A_662 : vector<16xf32>
            %lt3A_707 = arith.cmpf olt, %get3A_506, %broadcast_in_dim3A_665 : vector<16xf32>
            %and3A_708 = arith.andi %gt3A_706, %lt3A_707 : vector<16xi1>
            %or3A_709 = arith.ori %or3A_705, %and3A_708 : vector<16xi1>
            %gt3A_710 = arith.cmpf ogt, %get3A_461, %broadcast_in_dim3A_662 : vector<16xf32>
            %lt3A_711 = arith.cmpf olt, %get3A_509, %broadcast_in_dim3A_665 : vector<16xf32>
            %and3A_712 = arith.andi %gt3A_710, %lt3A_711 : vector<16xi1>
            %or3A_713 = arith.ori %or3A_709, %and3A_712 : vector<16xi1>
            %gt3A_714 = arith.cmpf ogt, %get3A_464, %broadcast_in_dim3A_662 : vector<16xf32>
            %lt3A_715 = arith.cmpf olt, %get3A_512, %broadcast_in_dim3A_665 : vector<16xf32>
            %and3A_716 = arith.andi %gt3A_714, %lt3A_715 : vector<16xi1>
            %or3A_717 = arith.ori %or3A_713, %and3A_716 : vector<16xi1>
            %gt3A_718 = arith.cmpf ogt, %get3A_467, %broadcast_in_dim3A_662 : vector<16xf32>
            %lt3A_719 = arith.cmpf olt, %get3A_515, %broadcast_in_dim3A_665 : vector<16xf32>
            %and3A_720 = arith.andi %gt3A_718, %lt3A_719 : vector<16xi1>
            %or3A_721 = arith.ori %or3A_717, %and3A_720 : vector<16xi1>
            %gt3A_722 = arith.cmpf ogt, %get3A_470, %broadcast_in_dim3A_662 : vector<16xf32>
            %lt3A_723 = arith.cmpf olt, %get3A_518, %broadcast_in_dim3A_665 : vector<16xf32>
            %and3A_724 = arith.andi %gt3A_722, %lt3A_723 : vector<16xi1>
            %or3A_725 = arith.ori %or3A_721, %and3A_724 : vector<16xi1>
            %gt3A_726 = arith.cmpf ogt, %get3A_473, %broadcast_in_dim3A_662 : vector<16xf32>
            %lt3A_727 = arith.cmpf olt, %get3A_521, %broadcast_in_dim3A_665 : vector<16xf32>
            %and3A_728 = arith.andi %gt3A_726, %lt3A_727 : vector<16xi1>
            %or3A_729 = arith.ori %or3A_725, %and3A_728 : vector<16xi1>
            %slice3A_730 = vector.extract_strided_slice %get3A_420 {offsets = [3], sizes = [1], strides = [1]} : vector<16xf32> to vector<1xf32>
            %squeeze3A_731 = vector.extract %slice3A_730[0] : f32 from vector<1xf32>
            %broadcast_in_dim3A_732 = vector.broadcast %squeeze3A_731 : f32 to vector<16xf32>
            %slice3A_733 = vector.extract_strided_slice %get3A_425 {offsets = [3], sizes = [1], strides = [1]} : vector<16xf32> to vector<1xf32>
            %squeeze3A_734 = vector.extract %slice3A_733[0] : f32 from vector<1xf32>
            %broadcast_in_dim3A_735 = vector.broadcast %squeeze3A_734 : f32 to vector<16xf32>
            %gt3A_736 = arith.cmpf ogt, %get3A_428, %broadcast_in_dim3A_732 : vector<16xf32>
            %lt3A_737 = arith.cmpf olt, %get3A_476, %broadcast_in_dim3A_735 : vector<16xf32>
            %and3A_738 = arith.andi %gt3A_736, %lt3A_737 : vector<16xi1>
            %or3A_739 = arith.ori %or3A_729, %and3A_738 : vector<16xi1>
            %gt3A_740 = arith.cmpf ogt, %get3A_431, %broadcast_in_dim3A_732 : vector<16xf32>
            %lt3A_741 = arith.cmpf olt, %get3A_479, %broadcast_in_dim3A_735 : vector<16xf32>
            %and3A_742 = arith.andi %gt3A_740, %lt3A_741 : vector<16xi1>
            %or3A_743 = arith.ori %or3A_739, %and3A_742 : vector<16xi1>
            %gt3A_744 = arith.cmpf ogt, %get3A_434, %broadcast_in_dim3A_732 : vector<16xf32>
            %lt3A_745 = arith.cmpf olt, %get3A_482, %broadcast_in_dim3A_735 : vector<16xf32>
            %and3A_746 = arith.andi %gt3A_744, %lt3A_745 : vector<16xi1>
            %or3A_747 = arith.ori %or3A_743, %and3A_746 : vector<16xi1>
            %gt3A_748 = arith.cmpf ogt, %get3A_437, %broadcast_in_dim3A_732 : vector<16xf32>
            %lt3A_749 = arith.cmpf olt, %get3A_485, %broadcast_in_dim3A_735 : vector<16xf32>
            %and3A_750 = arith.andi %gt3A_748, %lt3A_749 : vector<16xi1>
            %or3A_751 = arith.ori %or3A_747, %and3A_750 : vector<16xi1>
            %gt3A_752 = arith.cmpf ogt, %get3A_440, %broadcast_in_dim3A_732 : vector<16xf32>
            %lt3A_753 = arith.cmpf olt, %get3A_488, %broadcast_in_dim3A_735 : vector<16xf32>
            %and3A_754 = arith.andi %gt3A_752, %lt3A_753 : vector<16xi1>
            %or3A_755 = arith.ori %or3A_751, %and3A_754 : vector<16xi1>
            %gt3A_756 = arith.cmpf ogt, %get3A_443, %broadcast_in_dim3A_732 : vector<16xf32>
            %lt3A_757 = arith.cmpf olt, %get3A_491, %broadcast_in_dim3A_735 : vector<16xf32>
            %and3A_758 = arith.andi %gt3A_756, %lt3A_757 : vector<16xi1>
            %or3A_759 = arith.ori %or3A_755, %and3A_758 : vector<16xi1>
            %gt3A_760 = arith.cmpf ogt, %get3A_446, %broadcast_in_dim3A_732 : vector<16xf32>
            %lt3A_761 = arith.cmpf olt, %get3A_494, %broadcast_in_dim3A_735 : vector<16xf32>
            %and3A_762 = arith.andi %gt3A_760, %lt3A_761 : vector<16xi1>
            %or3A_763 = arith.ori %or3A_759, %and3A_762 : vector<16xi1>
            %gt3A_764 = arith.cmpf ogt, %get3A_449, %broadcast_in_dim3A_732 : vector<16xf32>
            %lt3A_765 = arith.cmpf olt, %get3A_497, %broadcast_in_dim3A_735 : vector<16xf32>
            %and3A_766 = arith.andi %gt3A_764, %lt3A_765 : vector<16xi1>
            %or3A_767 = arith.ori %or3A_763, %and3A_766 : vector<16xi1>
            %gt3A_768 = arith.cmpf ogt, %get3A_452, %broadcast_in_dim3A_732 : vector<16xf32>
            %lt3A_769 = arith.cmpf olt, %get3A_500, %broadcast_in_dim3A_735 : vector<16xf32>
            %and3A_770 = arith.andi %gt3A_768, %lt3A_769 : vector<16xi1>
            %or3A_771 = arith.ori %or3A_767, %and3A_770 : vector<16xi1>
            %gt3A_772 = arith.cmpf ogt, %get3A_455, %broadcast_in_dim3A_732 : vector<16xf32>
            %lt3A_773 = arith.cmpf olt, %get3A_503, %broadcast_in_dim3A_735 : vector<16xf32>
            %and3A_774 = arith.andi %gt3A_772, %lt3A_773 : vector<16xi1>
            %or3A_775 = arith.ori %or3A_771, %and3A_774 : vector<16xi1>
            %gt3A_776 = arith.cmpf ogt, %get3A_458, %broadcast_in_dim3A_732 : vector<16xf32>
            %lt3A_777 = arith.cmpf olt, %get3A_506, %broadcast_in_dim3A_735 : vector<16xf32>
            %and3A_778 = arith.andi %gt3A_776, %lt3A_777 : vector<16xi1>
            %or3A_779 = arith.ori %or3A_775, %and3A_778 : vector<16xi1>
            %gt3A_780 = arith.cmpf ogt, %get3A_461, %broadcast_in_dim3A_732 : vector<16xf32>
            %lt3A_781 = arith.cmpf olt, %get3A_509, %broadcast_in_dim3A_735 : vector<16xf32>
            %and3A_782 = arith.andi %gt3A_780, %lt3A_781 : vector<16xi1>
            %or3A_783 = arith.ori %or3A_779, %and3A_782 : vector<16xi1>
            %gt3A_784 = arith.cmpf ogt, %get3A_464, %broadcast_in_dim3A_732 : vector<16xf32>
            %lt3A_785 = arith.cmpf olt, %get3A_512, %broadcast_in_dim3A_735 : vector<16xf32>
            %and3A_786 = arith.andi %gt3A_784, %lt3A_785 : vector<16xi1>
            %or3A_787 = arith.ori %or3A_783, %and3A_786 : vector<16xi1>
            %gt3A_788 = arith.cmpf ogt, %get3A_467, %broadcast_in_dim3A_732 : vector<16xf32>
            %lt3A_789 = arith.cmpf olt, %get3A_515, %broadcast_in_dim3A_735 : vector<16xf32>
            %and3A_790 = arith.andi %gt3A_788, %lt3A_789 : vector<16xi1>
            %or3A_791 = arith.ori %or3A_787, %and3A_790 : vector<16xi1>
            %gt3A_792 = arith.cmpf ogt, %get3A_470, %broadcast_in_dim3A_732 : vector<16xf32>
            %lt3A_793 = arith.cmpf olt, %get3A_518, %broadcast_in_dim3A_735 : vector<16xf32>
            %and3A_794 = arith.andi %gt3A_792, %lt3A_793 : vector<16xi1>
            %or3A_795 = arith.ori %or3A_791, %and3A_794 : vector<16xi1>
            %gt3A_796 = arith.cmpf ogt, %get3A_473, %broadcast_in_dim3A_732 : vector<16xf32>
            %lt3A_797 = arith.cmpf olt, %get3A_521, %broadcast_in_dim3A_735 : vector<16xf32>
            %and3A_798 = arith.andi %gt3A_796, %lt3A_797 : vector<16xi1>
            %or3A_799 = arith.ori %or3A_795, %and3A_798 : vector<16xi1>
            %slice3A_800 = vector.extract_strided_slice %get3A_420 {offsets = [4], sizes = [1], strides = [1]} : vector<16xf32> to vector<1xf32>
            %squeeze3A_801 = vector.extract %slice3A_800[0] : f32 from vector<1xf32>
            %broadcast_in_dim3A_802 = vector.broadcast %squeeze3A_801 : f32 to vector<16xf32>
            %slice3A_803 = vector.extract_strided_slice %get3A_425 {offsets = [4], sizes = [1], strides = [1]} : vector<16xf32> to vector<1xf32>
            %squeeze3A_804 = vector.extract %slice3A_803[0] : f32 from vector<1xf32>
            %broadcast_in_dim3A_805 = vector.broadcast %squeeze3A_804 : f32 to vector<16xf32>
            %gt3A_806 = arith.cmpf ogt, %get3A_428, %broadcast_in_dim3A_802 : vector<16xf32>
            %lt3A_807 = arith.cmpf olt, %get3A_476, %broadcast_in_dim3A_805 : vector<16xf32>
            %and3A_808 = arith.andi %gt3A_806, %lt3A_807 : vector<16xi1>
            %or3A_809 = arith.ori %or3A_799, %and3A_808 : vector<16xi1>
            %gt3A_810 = arith.cmpf ogt, %get3A_431, %broadcast_in_dim3A_802 : vector<16xf32>
            %lt3A_811 = arith.cmpf olt, %get3A_479, %broadcast_in_dim3A_805 : vector<16xf32>
            %and3A_812 = arith.andi %gt3A_810, %lt3A_811 : vector<16xi1>
            %or3A_813 = arith.ori %or3A_809, %and3A_812 : vector<16xi1>
            %gt3A_814 = arith.cmpf ogt, %get3A_434, %broadcast_in_dim3A_802 : vector<16xf32>
            %lt3A_815 = arith.cmpf olt, %get3A_482, %broadcast_in_dim3A_805 : vector<16xf32>
            %and3A_816 = arith.andi %gt3A_814, %lt3A_815 : vector<16xi1>
            %or3A_817 = arith.ori %or3A_813, %and3A_816 : vector<16xi1>
            %gt3A_818 = arith.cmpf ogt, %get3A_437, %broadcast_in_dim3A_802 : vector<16xf32>
            %lt3A_819 = arith.cmpf olt, %get3A_485, %broadcast_in_dim3A_805 : vector<16xf32>
            %and3A_820 = arith.andi %gt3A_818, %lt3A_819 : vector<16xi1>
            %or3A_821 = arith.ori %or3A_817, %and3A_820 : vector<16xi1>
            %gt3A_822 = arith.cmpf ogt, %get3A_440, %broadcast_in_dim3A_802 : vector<16xf32>
            %lt3A_823 = arith.cmpf olt, %get3A_488, %broadcast_in_dim3A_805 : vector<16xf32>
            %and3A_824 = arith.andi %gt3A_822, %lt3A_823 : vector<16xi1>
            %or3A_825 = arith.ori %or3A_821, %and3A_824 : vector<16xi1>
            %gt3A_826 = arith.cmpf ogt, %get3A_443, %broadcast_in_dim3A_802 : vector<16xf32>
            %lt3A_827 = arith.cmpf olt, %get3A_491, %broadcast_in_dim3A_805 : vector<16xf32>
            %and3A_828 = arith.andi %gt3A_826, %lt3A_827 : vector<16xi1>
            %or3A_829 = arith.ori %or3A_825, %and3A_828 : vector<16xi1>
            %gt3A_830 = arith.cmpf ogt, %get3A_446, %broadcast_in_dim3A_802 : vector<16xf32>
            %lt3A_831 = arith.cmpf olt, %get3A_494, %broadcast_in_dim3A_805 : vector<16xf32>
            %and3A_832 = arith.andi %gt3A_830, %lt3A_831 : vector<16xi1>
            %or3A_833 = arith.ori %or3A_829, %and3A_832 : vector<16xi1>
            %gt3A_834 = arith.cmpf ogt, %get3A_449, %broadcast_in_dim3A_802 : vector<16xf32>
            %lt3A_835 = arith.cmpf olt, %get3A_497, %broadcast_in_dim3A_805 : vector<16xf32>
            %and3A_836 = arith.andi %gt3A_834, %lt3A_835 : vector<16xi1>
            %or3A_837 = arith.ori %or3A_833, %and3A_836 : vector<16xi1>
            %gt3A_838 = arith.cmpf ogt, %get3A_452, %broadcast_in_dim3A_802 : vector<16xf32>
            %lt3A_839 = arith.cmpf olt, %get3A_500, %broadcast_in_dim3A_805 : vector<16xf32>
            %and3A_840 = arith.andi %gt3A_838, %lt3A_839 : vector<16xi1>
            %or3A_841 = arith.ori %or3A_837, %and3A_840 : vector<16xi1>
            %gt3A_842 = arith.cmpf ogt, %get3A_455, %broadcast_in_dim3A_802 : vector<16xf32>
            %lt3A_843 = arith.cmpf olt, %get3A_503, %broadcast_in_dim3A_805 : vector<16xf32>
            %and3A_844 = arith.andi %gt3A_842, %lt3A_843 : vector<16xi1>
            %or3A_845 = arith.ori %or3A_841, %and3A_844 : vector<16xi1>
            %gt3A_846 = arith.cmpf ogt, %get3A_458, %broadcast_in_dim3A_802 : vector<16xf32>
            %lt3A_847 = arith.cmpf olt, %get3A_506, %broadcast_in_dim3A_805 : vector<16xf32>
            %and3A_848 = arith.andi %gt3A_846, %lt3A_847 : vector<16xi1>
            %or3A_849 = arith.ori %or3A_845, %and3A_848 : vector<16xi1>
            %gt3A_850 = arith.cmpf ogt, %get3A_461, %broadcast_in_dim3A_802 : vector<16xf32>
            %lt3A_851 = arith.cmpf olt, %get3A_509, %broadcast_in_dim3A_805 : vector<16xf32>
            %and3A_852 = arith.andi %gt3A_850, %lt3A_851 : vector<16xi1>
            %or3A_853 = arith.ori %or3A_849, %and3A_852 : vector<16xi1>
            %gt3A_854 = arith.cmpf ogt, %get3A_464, %broadcast_in_dim3A_802 : vector<16xf32>
            %lt3A_855 = arith.cmpf olt, %get3A_512, %broadcast_in_dim3A_805 : vector<16xf32>
            %and3A_856 = arith.andi %gt3A_854, %lt3A_855 : vector<16xi1>
            %or3A_857 = arith.ori %or3A_853, %and3A_856 : vector<16xi1>
            %gt3A_858 = arith.cmpf ogt, %get3A_467, %broadcast_in_dim3A_802 : vector<16xf32>
            %lt3A_859 = arith.cmpf olt, %get3A_515, %broadcast_in_dim3A_805 : vector<16xf32>
            %and3A_860 = arith.andi %gt3A_858, %lt3A_859 : vector<16xi1>
            %or3A_861 = arith.ori %or3A_857, %and3A_860 : vector<16xi1>
            %gt3A_862 = arith.cmpf ogt, %get3A_470, %broadcast_in_dim3A_802 : vector<16xf32>
            %lt3A_863 = arith.cmpf olt, %get3A_518, %broadcast_in_dim3A_805 : vector<16xf32>
            %and3A_864 = arith.andi %gt3A_862, %lt3A_863 : vector<16xi1>
            %or3A_865 = arith.ori %or3A_861, %and3A_864 : vector<16xi1>
            %gt3A_866 = arith.cmpf ogt, %get3A_473, %broadcast_in_dim3A_802 : vector<16xf32>
            %lt3A_867 = arith.cmpf olt, %get3A_521, %broadcast_in_dim3A_805 : vector<16xf32>
            %and3A_868 = arith.andi %gt3A_866, %lt3A_867 : vector<16xi1>
            %or3A_869 = arith.ori %or3A_865, %and3A_868 : vector<16xi1>
            %slice3A_870 = vector.extract_strided_slice %get3A_420 {offsets = [5], sizes = [1], strides = [1]} : vector<16xf32> to vector<1xf32>
            %squeeze3A_871 = vector.extract %slice3A_870[0] : f32 from vector<1xf32>
            %broadcast_in_dim3A_872 = vector.broadcast %squeeze3A_871 : f32 to vector<16xf32>
            %slice3A_873 = vector.extract_strided_slice %get3A_425 {offsets = [5], sizes = [1], strides = [1]} : vector<16xf32> to vector<1xf32>
            %squeeze3A_874 = vector.extract %slice3A_873[0] : f32 from vector<1xf32>
            %broadcast_in_dim3A_875 = vector.broadcast %squeeze3A_874 : f32 to vector<16xf32>
            %gt3A_876 = arith.cmpf ogt, %get3A_428, %broadcast_in_dim3A_872 : vector<16xf32>
            %lt3A_877 = arith.cmpf olt, %get3A_476, %broadcast_in_dim3A_875 : vector<16xf32>
            %and3A_878 = arith.andi %gt3A_876, %lt3A_877 : vector<16xi1>
            %or3A_879 = arith.ori %or3A_869, %and3A_878 : vector<16xi1>
            %gt3A_880 = arith.cmpf ogt, %get3A_431, %broadcast_in_dim3A_872 : vector<16xf32>
            %lt3A_881 = arith.cmpf olt, %get3A_479, %broadcast_in_dim3A_875 : vector<16xf32>
            %and3A_882 = arith.andi %gt3A_880, %lt3A_881 : vector<16xi1>
            %or3A_883 = arith.ori %or3A_879, %and3A_882 : vector<16xi1>
            %gt3A_884 = arith.cmpf ogt, %get3A_434, %broadcast_in_dim3A_872 : vector<16xf32>
            %lt3A_885 = arith.cmpf olt, %get3A_482, %broadcast_in_dim3A_875 : vector<16xf32>
            %and3A_886 = arith.andi %gt3A_884, %lt3A_885 : vector<16xi1>
            %or3A_887 = arith.ori %or3A_883, %and3A_886 : vector<16xi1>
            %gt3A_888 = arith.cmpf ogt, %get3A_437, %broadcast_in_dim3A_872 : vector<16xf32>
            %lt3A_889 = arith.cmpf olt, %get3A_485, %broadcast_in_dim3A_875 : vector<16xf32>
            %and3A_890 = arith.andi %gt3A_888, %lt3A_889 : vector<16xi1>
            %or3A_891 = arith.ori %or3A_887, %and3A_890 : vector<16xi1>
            %gt3A_892 = arith.cmpf ogt, %get3A_440, %broadcast_in_dim3A_872 : vector<16xf32>
            %lt3A_893 = arith.cmpf olt, %get3A_488, %broadcast_in_dim3A_875 : vector<16xf32>
            %and3A_894 = arith.andi %gt3A_892, %lt3A_893 : vector<16xi1>
            %or3A_895 = arith.ori %or3A_891, %and3A_894 : vector<16xi1>
            %gt3A_896 = arith.cmpf ogt, %get3A_443, %broadcast_in_dim3A_872 : vector<16xf32>
            %lt3A_897 = arith.cmpf olt, %get3A_491, %broadcast_in_dim3A_875 : vector<16xf32>
            %and3A_898 = arith.andi %gt3A_896, %lt3A_897 : vector<16xi1>
            %or3A_899 = arith.ori %or3A_895, %and3A_898 : vector<16xi1>
            %gt3A_900 = arith.cmpf ogt, %get3A_446, %broadcast_in_dim3A_872 : vector<16xf32>
            %lt3A_901 = arith.cmpf olt, %get3A_494, %broadcast_in_dim3A_875 : vector<16xf32>
            %and3A_902 = arith.andi %gt3A_900, %lt3A_901 : vector<16xi1>
            %or3A_903 = arith.ori %or3A_899, %and3A_902 : vector<16xi1>
            %gt3A_904 = arith.cmpf ogt, %get3A_449, %broadcast_in_dim3A_872 : vector<16xf32>
            %lt3A_905 = arith.cmpf olt, %get3A_497, %broadcast_in_dim3A_875 : vector<16xf32>
            %and3A_906 = arith.andi %gt3A_904, %lt3A_905 : vector<16xi1>
            %or3A_907 = arith.ori %or3A_903, %and3A_906 : vector<16xi1>
            %gt3A_908 = arith.cmpf ogt, %get3A_452, %broadcast_in_dim3A_872 : vector<16xf32>
            %lt3A_909 = arith.cmpf olt, %get3A_500, %broadcast_in_dim3A_875 : vector<16xf32>
            %and3A_910 = arith.andi %gt3A_908, %lt3A_909 : vector<16xi1>
            %or3A_911 = arith.ori %or3A_907, %and3A_910 : vector<16xi1>
            %gt3A_912 = arith.cmpf ogt, %get3A_455, %broadcast_in_dim3A_872 : vector<16xf32>
            %lt3A_913 = arith.cmpf olt, %get3A_503, %broadcast_in_dim3A_875 : vector<16xf32>
            %and3A_914 = arith.andi %gt3A_912, %lt3A_913 : vector<16xi1>
            %or3A_915 = arith.ori %or3A_911, %and3A_914 : vector<16xi1>
            %gt3A_916 = arith.cmpf ogt, %get3A_458, %broadcast_in_dim3A_872 : vector<16xf32>
            %lt3A_917 = arith.cmpf olt, %get3A_506, %broadcast_in_dim3A_875 : vector<16xf32>
            %and3A_918 = arith.andi %gt3A_916, %lt3A_917 : vector<16xi1>
            %or3A_919 = arith.ori %or3A_915, %and3A_918 : vector<16xi1>
            %gt3A_920 = arith.cmpf ogt, %get3A_461, %broadcast_in_dim3A_872 : vector<16xf32>
            %lt3A_921 = arith.cmpf olt, %get3A_509, %broadcast_in_dim3A_875 : vector<16xf32>
            %and3A_922 = arith.andi %gt3A_920, %lt3A_921 : vector<16xi1>
            %or3A_923 = arith.ori %or3A_919, %and3A_922 : vector<16xi1>
            %gt3A_924 = arith.cmpf ogt, %get3A_464, %broadcast_in_dim3A_872 : vector<16xf32>
            %lt3A_925 = arith.cmpf olt, %get3A_512, %broadcast_in_dim3A_875 : vector<16xf32>
            %and3A_926 = arith.andi %gt3A_924, %lt3A_925 : vector<16xi1>
            %or3A_927 = arith.ori %or3A_923, %and3A_926 : vector<16xi1>
            %gt3A_928 = arith.cmpf ogt, %get3A_467, %broadcast_in_dim3A_872 : vector<16xf32>
            %lt3A_929 = arith.cmpf olt, %get3A_515, %broadcast_in_dim3A_875 : vector<16xf32>
            %and3A_930 = arith.andi %gt3A_928, %lt3A_929 : vector<16xi1>
            %or3A_931 = arith.ori %or3A_927, %and3A_930 : vector<16xi1>
            %gt3A_932 = arith.cmpf ogt, %get3A_470, %broadcast_in_dim3A_872 : vector<16xf32>
            %lt3A_933 = arith.cmpf olt, %get3A_518, %broadcast_in_dim3A_875 : vector<16xf32>
            %and3A_934 = arith.andi %gt3A_932, %lt3A_933 : vector<16xi1>
            %or3A_935 = arith.ori %or3A_931, %and3A_934 : vector<16xi1>
            %gt3A_936 = arith.cmpf ogt, %get3A_473, %broadcast_in_dim3A_872 : vector<16xf32>
            %lt3A_937 = arith.cmpf olt, %get3A_521, %broadcast_in_dim3A_875 : vector<16xf32>
            %and3A_938 = arith.andi %gt3A_936, %lt3A_937 : vector<16xi1>
            %or3A_939 = arith.ori %or3A_935, %and3A_938 : vector<16xi1>
            %slice3A_940 = vector.extract_strided_slice %get3A_420 {offsets = [6], sizes = [1], strides = [1]} : vector<16xf32> to vector<1xf32>
            %squeeze3A_941 = vector.extract %slice3A_940[0] : f32 from vector<1xf32>
            %broadcast_in_dim3A_942 = vector.broadcast %squeeze3A_941 : f32 to vector<16xf32>
            %slice3A_943 = vector.extract_strided_slice %get3A_425 {offsets = [6], sizes = [1], strides = [1]} : vector<16xf32> to vector<1xf32>
            %squeeze3A_944 = vector.extract %slice3A_943[0] : f32 from vector<1xf32>
            %broadcast_in_dim3A_945 = vector.broadcast %squeeze3A_944 : f32 to vector<16xf32>
            %gt3A_946 = arith.cmpf ogt, %get3A_428, %broadcast_in_dim3A_942 : vector<16xf32>
            %lt3A_947 = arith.cmpf olt, %get3A_476, %broadcast_in_dim3A_945 : vector<16xf32>
            %and3A_948 = arith.andi %gt3A_946, %lt3A_947 : vector<16xi1>
            %or3A_949 = arith.ori %or3A_939, %and3A_948 : vector<16xi1>
            %gt3A_950 = arith.cmpf ogt, %get3A_431, %broadcast_in_dim3A_942 : vector<16xf32>
            %lt3A_951 = arith.cmpf olt, %get3A_479, %broadcast_in_dim3A_945 : vector<16xf32>
            %and3A_952 = arith.andi %gt3A_950, %lt3A_951 : vector<16xi1>
            %or3A_953 = arith.ori %or3A_949, %and3A_952 : vector<16xi1>
            %gt3A_954 = arith.cmpf ogt, %get3A_434, %broadcast_in_dim3A_942 : vector<16xf32>
            %lt3A_955 = arith.cmpf olt, %get3A_482, %broadcast_in_dim3A_945 : vector<16xf32>
            %and3A_956 = arith.andi %gt3A_954, %lt3A_955 : vector<16xi1>
            %or3A_957 = arith.ori %or3A_953, %and3A_956 : vector<16xi1>
            %gt3A_958 = arith.cmpf ogt, %get3A_437, %broadcast_in_dim3A_942 : vector<16xf32>
            %lt3A_959 = arith.cmpf olt, %get3A_485, %broadcast_in_dim3A_945 : vector<16xf32>
            %and3A_960 = arith.andi %gt3A_958, %lt3A_959 : vector<16xi1>
            %or3A_961 = arith.ori %or3A_957, %and3A_960 : vector<16xi1>
            %gt3A_962 = arith.cmpf ogt, %get3A_440, %broadcast_in_dim3A_942 : vector<16xf32>
            %lt3A_963 = arith.cmpf olt, %get3A_488, %broadcast_in_dim3A_945 : vector<16xf32>
            %and3A_964 = arith.andi %gt3A_962, %lt3A_963 : vector<16xi1>
            %or3A_965 = arith.ori %or3A_961, %and3A_964 : vector<16xi1>
            %gt3A_966 = arith.cmpf ogt, %get3A_443, %broadcast_in_dim3A_942 : vector<16xf32>
            %lt3A_967 = arith.cmpf olt, %get3A_491, %broadcast_in_dim3A_945 : vector<16xf32>
            %and3A_968 = arith.andi %gt3A_966, %lt3A_967 : vector<16xi1>
            %or3A_969 = arith.ori %or3A_965, %and3A_968 : vector<16xi1>
            %gt3A_970 = arith.cmpf ogt, %get3A_446, %broadcast_in_dim3A_942 : vector<16xf32>
            %lt3A_971 = arith.cmpf olt, %get3A_494, %broadcast_in_dim3A_945 : vector<16xf32>
            %and3A_972 = arith.andi %gt3A_970, %lt3A_971 : vector<16xi1>
            %or3A_973 = arith.ori %or3A_969, %and3A_972 : vector<16xi1>
            %gt3A_974 = arith.cmpf ogt, %get3A_449, %broadcast_in_dim3A_942 : vector<16xf32>
            %lt3A_975 = arith.cmpf olt, %get3A_497, %broadcast_in_dim3A_945 : vector<16xf32>
            %and3A_976 = arith.andi %gt3A_974, %lt3A_975 : vector<16xi1>
            %or3A_977 = arith.ori %or3A_973, %and3A_976 : vector<16xi1>
            %gt3A_978 = arith.cmpf ogt, %get3A_452, %broadcast_in_dim3A_942 : vector<16xf32>
            %lt3A_979 = arith.cmpf olt, %get3A_500, %broadcast_in_dim3A_945 : vector<16xf32>
            %and3A_980 = arith.andi %gt3A_978, %lt3A_979 : vector<16xi1>
            %or3A_981 = arith.ori %or3A_977, %and3A_980 : vector<16xi1>
            %gt3A_982 = arith.cmpf ogt, %get3A_455, %broadcast_in_dim3A_942 : vector<16xf32>
            %lt3A_983 = arith.cmpf olt, %get3A_503, %broadcast_in_dim3A_945 : vector<16xf32>
            %and3A_984 = arith.andi %gt3A_982, %lt3A_983 : vector<16xi1>
            %or3A_985 = arith.ori %or3A_981, %and3A_984 : vector<16xi1>
            %gt3A_986 = arith.cmpf ogt, %get3A_458, %broadcast_in_dim3A_942 : vector<16xf32>
            %lt3A_987 = arith.cmpf olt, %get3A_506, %broadcast_in_dim3A_945 : vector<16xf32>
            %and3A_988 = arith.andi %gt3A_986, %lt3A_987 : vector<16xi1>
            %or3A_989 = arith.ori %or3A_985, %and3A_988 : vector<16xi1>
            %gt3A_990 = arith.cmpf ogt, %get3A_461, %broadcast_in_dim3A_942 : vector<16xf32>
            %lt3A_991 = arith.cmpf olt, %get3A_509, %broadcast_in_dim3A_945 : vector<16xf32>
            %and3A_992 = arith.andi %gt3A_990, %lt3A_991 : vector<16xi1>
            %or3A_993 = arith.ori %or3A_989, %and3A_992 : vector<16xi1>
            %gt3A_994 = arith.cmpf ogt, %get3A_464, %broadcast_in_dim3A_942 : vector<16xf32>
            %lt3A_995 = arith.cmpf olt, %get3A_512, %broadcast_in_dim3A_945 : vector<16xf32>
            %and3A_996 = arith.andi %gt3A_994, %lt3A_995 : vector<16xi1>
            %or3A_997 = arith.ori %or3A_993, %and3A_996 : vector<16xi1>
            %gt3A_998 = arith.cmpf ogt, %get3A_467, %broadcast_in_dim3A_942 : vector<16xf32>
            %lt3A_999 = arith.cmpf olt, %get3A_515, %broadcast_in_dim3A_945 : vector<16xf32>
            %and3A_1000 = arith.andi %gt3A_998, %lt3A_999 : vector<16xi1>
            %or3A_1001 = arith.ori %or3A_997, %and3A_1000 : vector<16xi1>
            %gt3A_1002 = arith.cmpf ogt, %get3A_470, %broadcast_in_dim3A_942 : vector<16xf32>
            %lt3A_1003 = arith.cmpf olt, %get3A_518, %broadcast_in_dim3A_945 : vector<16xf32>
            %and3A_1004 = arith.andi %gt3A_1002, %lt3A_1003 : vector<16xi1>
            %or3A_1005 = arith.ori %or3A_1001, %and3A_1004 : vector<16xi1>
            %gt3A_1006 = arith.cmpf ogt, %get3A_473, %broadcast_in_dim3A_942 : vector<16xf32>
            %lt3A_1007 = arith.cmpf olt, %get3A_521, %broadcast_in_dim3A_945 : vector<16xf32>
            %and3A_1008 = arith.andi %gt3A_1006, %lt3A_1007 : vector<16xi1>
            %or3A_1009 = arith.ori %or3A_1005, %and3A_1008 : vector<16xi1>
            %slice3A_1010 = vector.extract_strided_slice %get3A_420 {offsets = [7], sizes = [1], strides = [1]} : vector<16xf32> to vector<1xf32>
            %squeeze3A_1011 = vector.extract %slice3A_1010[0] : f32 from vector<1xf32>
            %broadcast_in_dim3A_1012 = vector.broadcast %squeeze3A_1011 : f32 to vector<16xf32>
            %slice3A_1013 = vector.extract_strided_slice %get3A_425 {offsets = [7], sizes = [1], strides = [1]} : vector<16xf32> to vector<1xf32>
            %squeeze3A_1014 = vector.extract %slice3A_1013[0] : f32 from vector<1xf32>
            %broadcast_in_dim3A_1015 = vector.broadcast %squeeze3A_1014 : f32 to vector<16xf32>
            %gt3A_1016 = arith.cmpf ogt, %get3A_428, %broadcast_in_dim3A_1012 : vector<16xf32>
            %lt3A_1017 = arith.cmpf olt, %get3A_476, %broadcast_in_dim3A_1015 : vector<16xf32>
            %and3A_1018 = arith.andi %gt3A_1016, %lt3A_1017 : vector<16xi1>
            %or3A_1019 = arith.ori %or3A_1009, %and3A_1018 : vector<16xi1>
            %gt3A_1020 = arith.cmpf ogt, %get3A_431, %broadcast_in_dim3A_1012 : vector<16xf32>
            %lt3A_1021 = arith.cmpf olt, %get3A_479, %broadcast_in_dim3A_1015 : vector<16xf32>
            %and3A_1022 = arith.andi %gt3A_1020, %lt3A_1021 : vector<16xi1>
            %or3A_1023 = arith.ori %or3A_1019, %and3A_1022 : vector<16xi1>
            %gt3A_1024 = arith.cmpf ogt, %get3A_434, %broadcast_in_dim3A_1012 : vector<16xf32>
            %lt3A_1025 = arith.cmpf olt, %get3A_482, %broadcast_in_dim3A_1015 : vector<16xf32>
            %and3A_1026 = arith.andi %gt3A_1024, %lt3A_1025 : vector<16xi1>
            %or3A_1027 = arith.ori %or3A_1023, %and3A_1026 : vector<16xi1>
            %gt3A_1028 = arith.cmpf ogt, %get3A_437, %broadcast_in_dim3A_1012 : vector<16xf32>
            %lt3A_1029 = arith.cmpf olt, %get3A_485, %broadcast_in_dim3A_1015 : vector<16xf32>
            %and3A_1030 = arith.andi %gt3A_1028, %lt3A_1029 : vector<16xi1>
            %or3A_1031 = arith.ori %or3A_1027, %and3A_1030 : vector<16xi1>
            %gt3A_1032 = arith.cmpf ogt, %get3A_440, %broadcast_in_dim3A_1012 : vector<16xf32>
            %lt3A_1033 = arith.cmpf olt, %get3A_488, %broadcast_in_dim3A_1015 : vector<16xf32>
            %and3A_1034 = arith.andi %gt3A_1032, %lt3A_1033 : vector<16xi1>
            %or3A_1035 = arith.ori %or3A_1031, %and3A_1034 : vector<16xi1>
            %gt3A_1036 = arith.cmpf ogt, %get3A_443, %broadcast_in_dim3A_1012 : vector<16xf32>
            %lt3A_1037 = arith.cmpf olt, %get3A_491, %broadcast_in_dim3A_1015 : vector<16xf32>
            %and3A_1038 = arith.andi %gt3A_1036, %lt3A_1037 : vector<16xi1>
            %or3A_1039 = arith.ori %or3A_1035, %and3A_1038 : vector<16xi1>
            %gt3A_1040 = arith.cmpf ogt, %get3A_446, %broadcast_in_dim3A_1012 : vector<16xf32>
            %lt3A_1041 = arith.cmpf olt, %get3A_494, %broadcast_in_dim3A_1015 : vector<16xf32>
            %and3A_1042 = arith.andi %gt3A_1040, %lt3A_1041 : vector<16xi1>
            %or3A_1043 = arith.ori %or3A_1039, %and3A_1042 : vector<16xi1>
            %gt3A_1044 = arith.cmpf ogt, %get3A_449, %broadcast_in_dim3A_1012 : vector<16xf32>
            %lt3A_1045 = arith.cmpf olt, %get3A_497, %broadcast_in_dim3A_1015 : vector<16xf32>
            %and3A_1046 = arith.andi %gt3A_1044, %lt3A_1045 : vector<16xi1>
            %or3A_1047 = arith.ori %or3A_1043, %and3A_1046 : vector<16xi1>
            %gt3A_1048 = arith.cmpf ogt, %get3A_452, %broadcast_in_dim3A_1012 : vector<16xf32>
            %lt3A_1049 = arith.cmpf olt, %get3A_500, %broadcast_in_dim3A_1015 : vector<16xf32>
            %and3A_1050 = arith.andi %gt3A_1048, %lt3A_1049 : vector<16xi1>
            %or3A_1051 = arith.ori %or3A_1047, %and3A_1050 : vector<16xi1>
            %gt3A_1052 = arith.cmpf ogt, %get3A_455, %broadcast_in_dim3A_1012 : vector<16xf32>
            %lt3A_1053 = arith.cmpf olt, %get3A_503, %broadcast_in_dim3A_1015 : vector<16xf32>
            %and3A_1054 = arith.andi %gt3A_1052, %lt3A_1053 : vector<16xi1>
            %or3A_1055 = arith.ori %or3A_1051, %and3A_1054 : vector<16xi1>
            %gt3A_1056 = arith.cmpf ogt, %get3A_458, %broadcast_in_dim3A_1012 : vector<16xf32>
            %lt3A_1057 = arith.cmpf olt, %get3A_506, %broadcast_in_dim3A_1015 : vector<16xf32>
            %and3A_1058 = arith.andi %gt3A_1056, %lt3A_1057 : vector<16xi1>
            %or3A_1059 = arith.ori %or3A_1055, %and3A_1058 : vector<16xi1>
            %gt3A_1060 = arith.cmpf ogt, %get3A_461, %broadcast_in_dim3A_1012 : vector<16xf32>
            %lt3A_1061 = arith.cmpf olt, %get3A_509, %broadcast_in_dim3A_1015 : vector<16xf32>
            %and3A_1062 = arith.andi %gt3A_1060, %lt3A_1061 : vector<16xi1>
            %or3A_1063 = arith.ori %or3A_1059, %and3A_1062 : vector<16xi1>
            %gt3A_1064 = arith.cmpf ogt, %get3A_464, %broadcast_in_dim3A_1012 : vector<16xf32>
            %lt3A_1065 = arith.cmpf olt, %get3A_512, %broadcast_in_dim3A_1015 : vector<16xf32>
            %and3A_1066 = arith.andi %gt3A_1064, %lt3A_1065 : vector<16xi1>
            %or3A_1067 = arith.ori %or3A_1063, %and3A_1066 : vector<16xi1>
            %gt3A_1068 = arith.cmpf ogt, %get3A_467, %broadcast_in_dim3A_1012 : vector<16xf32>
            %lt3A_1069 = arith.cmpf olt, %get3A_515, %broadcast_in_dim3A_1015 : vector<16xf32>
            %and3A_1070 = arith.andi %gt3A_1068, %lt3A_1069 : vector<16xi1>
            %or3A_1071 = arith.ori %or3A_1067, %and3A_1070 : vector<16xi1>
            %gt3A_1072 = arith.cmpf ogt, %get3A_470, %broadcast_in_dim3A_1012 : vector<16xf32>
            %lt3A_1073 = arith.cmpf olt, %get3A_518, %broadcast_in_dim3A_1015 : vector<16xf32>
            %and3A_1074 = arith.andi %gt3A_1072, %lt3A_1073 : vector<16xi1>
            %or3A_1075 = arith.ori %or3A_1071, %and3A_1074 : vector<16xi1>
            %gt3A_1076 = arith.cmpf ogt, %get3A_473, %broadcast_in_dim3A_1012 : vector<16xf32>
            %lt3A_1077 = arith.cmpf olt, %get3A_521, %broadcast_in_dim3A_1015 : vector<16xf32>
            %and3A_1078 = arith.andi %gt3A_1076, %lt3A_1077 : vector<16xi1>
            %or3A_1079 = arith.ori %or3A_1075, %and3A_1078 : vector<16xi1>
            %slice3A_1080 = vector.extract_strided_slice %get3A_420 {offsets = [8], sizes = [1], strides = [1]} : vector<16xf32> to vector<1xf32>
            %squeeze3A_1081 = vector.extract %slice3A_1080[0] : f32 from vector<1xf32>
            %broadcast_in_dim3A_1082 = vector.broadcast %squeeze3A_1081 : f32 to vector<16xf32>
            %slice3A_1083 = vector.extract_strided_slice %get3A_425 {offsets = [8], sizes = [1], strides = [1]} : vector<16xf32> to vector<1xf32>
            %squeeze3A_1084 = vector.extract %slice3A_1083[0] : f32 from vector<1xf32>
            %broadcast_in_dim3A_1085 = vector.broadcast %squeeze3A_1084 : f32 to vector<16xf32>
            %gt3A_1086 = arith.cmpf ogt, %get3A_428, %broadcast_in_dim3A_1082 : vector<16xf32>
            %lt3A_1087 = arith.cmpf olt, %get3A_476, %broadcast_in_dim3A_1085 : vector<16xf32>
            %and3A_1088 = arith.andi %gt3A_1086, %lt3A_1087 : vector<16xi1>
            %or3A_1089 = arith.ori %or3A_1079, %and3A_1088 : vector<16xi1>
            %gt3A_1090 = arith.cmpf ogt, %get3A_431, %broadcast_in_dim3A_1082 : vector<16xf32>
            %lt3A_1091 = arith.cmpf olt, %get3A_479, %broadcast_in_dim3A_1085 : vector<16xf32>
            %and3A_1092 = arith.andi %gt3A_1090, %lt3A_1091 : vector<16xi1>
            %or3A_1093 = arith.ori %or3A_1089, %and3A_1092 : vector<16xi1>
            %gt3A_1094 = arith.cmpf ogt, %get3A_434, %broadcast_in_dim3A_1082 : vector<16xf32>
            %lt3A_1095 = arith.cmpf olt, %get3A_482, %broadcast_in_dim3A_1085 : vector<16xf32>
            %and3A_1096 = arith.andi %gt3A_1094, %lt3A_1095 : vector<16xi1>
            %or3A_1097 = arith.ori %or3A_1093, %and3A_1096 : vector<16xi1>
            %gt3A_1098 = arith.cmpf ogt, %get3A_437, %broadcast_in_dim3A_1082 : vector<16xf32>
            %lt3A_1099 = arith.cmpf olt, %get3A_485, %broadcast_in_dim3A_1085 : vector<16xf32>
            %and3A_1100 = arith.andi %gt3A_1098, %lt3A_1099 : vector<16xi1>
            %or3A_1101 = arith.ori %or3A_1097, %and3A_1100 : vector<16xi1>
            %gt3A_1102 = arith.cmpf ogt, %get3A_440, %broadcast_in_dim3A_1082 : vector<16xf32>
            %lt3A_1103 = arith.cmpf olt, %get3A_488, %broadcast_in_dim3A_1085 : vector<16xf32>
            %and3A_1104 = arith.andi %gt3A_1102, %lt3A_1103 : vector<16xi1>
            %or3A_1105 = arith.ori %or3A_1101, %and3A_1104 : vector<16xi1>
            %gt3A_1106 = arith.cmpf ogt, %get3A_443, %broadcast_in_dim3A_1082 : vector<16xf32>
            %lt3A_1107 = arith.cmpf olt, %get3A_491, %broadcast_in_dim3A_1085 : vector<16xf32>
            %and3A_1108 = arith.andi %gt3A_1106, %lt3A_1107 : vector<16xi1>
            %or3A_1109 = arith.ori %or3A_1105, %and3A_1108 : vector<16xi1>
            %gt3A_1110 = arith.cmpf ogt, %get3A_446, %broadcast_in_dim3A_1082 : vector<16xf32>
            %lt3A_1111 = arith.cmpf olt, %get3A_494, %broadcast_in_dim3A_1085 : vector<16xf32>
            %and3A_1112 = arith.andi %gt3A_1110, %lt3A_1111 : vector<16xi1>
            %or3A_1113 = arith.ori %or3A_1109, %and3A_1112 : vector<16xi1>
            %gt3A_1114 = arith.cmpf ogt, %get3A_449, %broadcast_in_dim3A_1082 : vector<16xf32>
            %lt3A_1115 = arith.cmpf olt, %get3A_497, %broadcast_in_dim3A_1085 : vector<16xf32>
            %and3A_1116 = arith.andi %gt3A_1114, %lt3A_1115 : vector<16xi1>
            %or3A_1117 = arith.ori %or3A_1113, %and3A_1116 : vector<16xi1>
            %gt3A_1118 = arith.cmpf ogt, %get3A_452, %broadcast_in_dim3A_1082 : vector<16xf32>
            %lt3A_1119 = arith.cmpf olt, %get3A_500, %broadcast_in_dim3A_1085 : vector<16xf32>
            %and3A_1120 = arith.andi %gt3A_1118, %lt3A_1119 : vector<16xi1>
            %or3A_1121 = arith.ori %or3A_1117, %and3A_1120 : vector<16xi1>
            %gt3A_1122 = arith.cmpf ogt, %get3A_455, %broadcast_in_dim3A_1082 : vector<16xf32>
            %lt3A_1123 = arith.cmpf olt, %get3A_503, %broadcast_in_dim3A_1085 : vector<16xf32>
            %and3A_1124 = arith.andi %gt3A_1122, %lt3A_1123 : vector<16xi1>
            %or3A_1125 = arith.ori %or3A_1121, %and3A_1124 : vector<16xi1>
            %gt3A_1126 = arith.cmpf ogt, %get3A_458, %broadcast_in_dim3A_1082 : vector<16xf32>
            %lt3A_1127 = arith.cmpf olt, %get3A_506, %broadcast_in_dim3A_1085 : vector<16xf32>
            %and3A_1128 = arith.andi %gt3A_1126, %lt3A_1127 : vector<16xi1>
            %or3A_1129 = arith.ori %or3A_1125, %and3A_1128 : vector<16xi1>
            %gt3A_1130 = arith.cmpf ogt, %get3A_461, %broadcast_in_dim3A_1082 : vector<16xf32>
            %lt3A_1131 = arith.cmpf olt, %get3A_509, %broadcast_in_dim3A_1085 : vector<16xf32>
            %and3A_1132 = arith.andi %gt3A_1130, %lt3A_1131 : vector<16xi1>
            %or3A_1133 = arith.ori %or3A_1129, %and3A_1132 : vector<16xi1>
            %gt3A_1134 = arith.cmpf ogt, %get3A_464, %broadcast_in_dim3A_1082 : vector<16xf32>
            %lt3A_1135 = arith.cmpf olt, %get3A_512, %broadcast_in_dim3A_1085 : vector<16xf32>
            %and3A_1136 = arith.andi %gt3A_1134, %lt3A_1135 : vector<16xi1>
            %or3A_1137 = arith.ori %or3A_1133, %and3A_1136 : vector<16xi1>
            %gt3A_1138 = arith.cmpf ogt, %get3A_467, %broadcast_in_dim3A_1082 : vector<16xf32>
            %lt3A_1139 = arith.cmpf olt, %get3A_515, %broadcast_in_dim3A_1085 : vector<16xf32>
            %and3A_1140 = arith.andi %gt3A_1138, %lt3A_1139 : vector<16xi1>
            %or3A_1141 = arith.ori %or3A_1137, %and3A_1140 : vector<16xi1>
            %gt3A_1142 = arith.cmpf ogt, %get3A_470, %broadcast_in_dim3A_1082 : vector<16xf32>
            %lt3A_1143 = arith.cmpf olt, %get3A_518, %broadcast_in_dim3A_1085 : vector<16xf32>
            %and3A_1144 = arith.andi %gt3A_1142, %lt3A_1143 : vector<16xi1>
            %or3A_1145 = arith.ori %or3A_1141, %and3A_1144 : vector<16xi1>
            %gt3A_1146 = arith.cmpf ogt, %get3A_473, %broadcast_in_dim3A_1082 : vector<16xf32>
            %lt3A_1147 = arith.cmpf olt, %get3A_521, %broadcast_in_dim3A_1085 : vector<16xf32>
            %and3A_1148 = arith.andi %gt3A_1146, %lt3A_1147 : vector<16xi1>
            %or3A_1149 = arith.ori %or3A_1145, %and3A_1148 : vector<16xi1>
            %slice3A_1150 = vector.extract_strided_slice %get3A_420 {offsets = [9], sizes = [1], strides = [1]} : vector<16xf32> to vector<1xf32>
            %squeeze3A_1151 = vector.extract %slice3A_1150[0] : f32 from vector<1xf32>
            %broadcast_in_dim3A_1152 = vector.broadcast %squeeze3A_1151 : f32 to vector<16xf32>
            %slice3A_1153 = vector.extract_strided_slice %get3A_425 {offsets = [9], sizes = [1], strides = [1]} : vector<16xf32> to vector<1xf32>
            %squeeze3A_1154 = vector.extract %slice3A_1153[0] : f32 from vector<1xf32>
            %broadcast_in_dim3A_1155 = vector.broadcast %squeeze3A_1154 : f32 to vector<16xf32>
            %gt3A_1156 = arith.cmpf ogt, %get3A_428, %broadcast_in_dim3A_1152 : vector<16xf32>
            %lt3A_1157 = arith.cmpf olt, %get3A_476, %broadcast_in_dim3A_1155 : vector<16xf32>
            %and3A_1158 = arith.andi %gt3A_1156, %lt3A_1157 : vector<16xi1>
            %or3A_1159 = arith.ori %or3A_1149, %and3A_1158 : vector<16xi1>
            %gt3A_1160 = arith.cmpf ogt, %get3A_431, %broadcast_in_dim3A_1152 : vector<16xf32>
            %lt3A_1161 = arith.cmpf olt, %get3A_479, %broadcast_in_dim3A_1155 : vector<16xf32>
            %and3A_1162 = arith.andi %gt3A_1160, %lt3A_1161 : vector<16xi1>
            %or3A_1163 = arith.ori %or3A_1159, %and3A_1162 : vector<16xi1>
            %gt3A_1164 = arith.cmpf ogt, %get3A_434, %broadcast_in_dim3A_1152 : vector<16xf32>
            %lt3A_1165 = arith.cmpf olt, %get3A_482, %broadcast_in_dim3A_1155 : vector<16xf32>
            %and3A_1166 = arith.andi %gt3A_1164, %lt3A_1165 : vector<16xi1>
            %or3A_1167 = arith.ori %or3A_1163, %and3A_1166 : vector<16xi1>
            %gt3A_1168 = arith.cmpf ogt, %get3A_437, %broadcast_in_dim3A_1152 : vector<16xf32>
            %lt3A_1169 = arith.cmpf olt, %get3A_485, %broadcast_in_dim3A_1155 : vector<16xf32>
            %and3A_1170 = arith.andi %gt3A_1168, %lt3A_1169 : vector<16xi1>
            %or3A_1171 = arith.ori %or3A_1167, %and3A_1170 : vector<16xi1>
            %gt3A_1172 = arith.cmpf ogt, %get3A_440, %broadcast_in_dim3A_1152 : vector<16xf32>
            %lt3A_1173 = arith.cmpf olt, %get3A_488, %broadcast_in_dim3A_1155 : vector<16xf32>
            %and3A_1174 = arith.andi %gt3A_1172, %lt3A_1173 : vector<16xi1>
            %or3A_1175 = arith.ori %or3A_1171, %and3A_1174 : vector<16xi1>
            %gt3A_1176 = arith.cmpf ogt, %get3A_443, %broadcast_in_dim3A_1152 : vector<16xf32>
            %lt3A_1177 = arith.cmpf olt, %get3A_491, %broadcast_in_dim3A_1155 : vector<16xf32>
            %and3A_1178 = arith.andi %gt3A_1176, %lt3A_1177 : vector<16xi1>
            %or3A_1179 = arith.ori %or3A_1175, %and3A_1178 : vector<16xi1>
            %gt3A_1180 = arith.cmpf ogt, %get3A_446, %broadcast_in_dim3A_1152 : vector<16xf32>
            %lt3A_1181 = arith.cmpf olt, %get3A_494, %broadcast_in_dim3A_1155 : vector<16xf32>
            %and3A_1182 = arith.andi %gt3A_1180, %lt3A_1181 : vector<16xi1>
            %or3A_1183 = arith.ori %or3A_1179, %and3A_1182 : vector<16xi1>
            %gt3A_1184 = arith.cmpf ogt, %get3A_449, %broadcast_in_dim3A_1152 : vector<16xf32>
            %lt3A_1185 = arith.cmpf olt, %get3A_497, %broadcast_in_dim3A_1155 : vector<16xf32>
            %and3A_1186 = arith.andi %gt3A_1184, %lt3A_1185 : vector<16xi1>
            %or3A_1187 = arith.ori %or3A_1183, %and3A_1186 : vector<16xi1>
            %gt3A_1188 = arith.cmpf ogt, %get3A_452, %broadcast_in_dim3A_1152 : vector<16xf32>
            %lt3A_1189 = arith.cmpf olt, %get3A_500, %broadcast_in_dim3A_1155 : vector<16xf32>
            %and3A_1190 = arith.andi %gt3A_1188, %lt3A_1189 : vector<16xi1>
            %or3A_1191 = arith.ori %or3A_1187, %and3A_1190 : vector<16xi1>
            %gt3A_1192 = arith.cmpf ogt, %get3A_455, %broadcast_in_dim3A_1152 : vector<16xf32>
            %lt3A_1193 = arith.cmpf olt, %get3A_503, %broadcast_in_dim3A_1155 : vector<16xf32>
            %and3A_1194 = arith.andi %gt3A_1192, %lt3A_1193 : vector<16xi1>
            %or3A_1195 = arith.ori %or3A_1191, %and3A_1194 : vector<16xi1>
            %gt3A_1196 = arith.cmpf ogt, %get3A_458, %broadcast_in_dim3A_1152 : vector<16xf32>
            %lt3A_1197 = arith.cmpf olt, %get3A_506, %broadcast_in_dim3A_1155 : vector<16xf32>
            %and3A_1198 = arith.andi %gt3A_1196, %lt3A_1197 : vector<16xi1>
            %or3A_1199 = arith.ori %or3A_1195, %and3A_1198 : vector<16xi1>
            %gt3A_1200 = arith.cmpf ogt, %get3A_461, %broadcast_in_dim3A_1152 : vector<16xf32>
            %lt3A_1201 = arith.cmpf olt, %get3A_509, %broadcast_in_dim3A_1155 : vector<16xf32>
            %and3A_1202 = arith.andi %gt3A_1200, %lt3A_1201 : vector<16xi1>
            %or3A_1203 = arith.ori %or3A_1199, %and3A_1202 : vector<16xi1>
            %gt3A_1204 = arith.cmpf ogt, %get3A_464, %broadcast_in_dim3A_1152 : vector<16xf32>
            %lt3A_1205 = arith.cmpf olt, %get3A_512, %broadcast_in_dim3A_1155 : vector<16xf32>
            %and3A_1206 = arith.andi %gt3A_1204, %lt3A_1205 : vector<16xi1>
            %or3A_1207 = arith.ori %or3A_1203, %and3A_1206 : vector<16xi1>
            %gt3A_1208 = arith.cmpf ogt, %get3A_467, %broadcast_in_dim3A_1152 : vector<16xf32>
            %lt3A_1209 = arith.cmpf olt, %get3A_515, %broadcast_in_dim3A_1155 : vector<16xf32>
            %and3A_1210 = arith.andi %gt3A_1208, %lt3A_1209 : vector<16xi1>
            %or3A_1211 = arith.ori %or3A_1207, %and3A_1210 : vector<16xi1>
            %gt3A_1212 = arith.cmpf ogt, %get3A_470, %broadcast_in_dim3A_1152 : vector<16xf32>
            %lt3A_1213 = arith.cmpf olt, %get3A_518, %broadcast_in_dim3A_1155 : vector<16xf32>
            %and3A_1214 = arith.andi %gt3A_1212, %lt3A_1213 : vector<16xi1>
            %or3A_1215 = arith.ori %or3A_1211, %and3A_1214 : vector<16xi1>
            %gt3A_1216 = arith.cmpf ogt, %get3A_473, %broadcast_in_dim3A_1152 : vector<16xf32>
            %lt3A_1217 = arith.cmpf olt, %get3A_521, %broadcast_in_dim3A_1155 : vector<16xf32>
            %and3A_1218 = arith.andi %gt3A_1216, %lt3A_1217 : vector<16xi1>
            %or3A_1219 = arith.ori %or3A_1215, %and3A_1218 : vector<16xi1>
            %slice3A_1220 = vector.extract_strided_slice %get3A_420 {offsets = [10], sizes = [1], strides = [1]} : vector<16xf32> to vector<1xf32>
            %squeeze3A_1221 = vector.extract %slice3A_1220[0] : f32 from vector<1xf32>
            %broadcast_in_dim3A_1222 = vector.broadcast %squeeze3A_1221 : f32 to vector<16xf32>
            %slice3A_1223 = vector.extract_strided_slice %get3A_425 {offsets = [10], sizes = [1], strides = [1]} : vector<16xf32> to vector<1xf32>
            %squeeze3A_1224 = vector.extract %slice3A_1223[0] : f32 from vector<1xf32>
            %broadcast_in_dim3A_1225 = vector.broadcast %squeeze3A_1224 : f32 to vector<16xf32>
            %gt3A_1226 = arith.cmpf ogt, %get3A_428, %broadcast_in_dim3A_1222 : vector<16xf32>
            %lt3A_1227 = arith.cmpf olt, %get3A_476, %broadcast_in_dim3A_1225 : vector<16xf32>
            %and3A_1228 = arith.andi %gt3A_1226, %lt3A_1227 : vector<16xi1>
            %or3A_1229 = arith.ori %or3A_1219, %and3A_1228 : vector<16xi1>
            %gt3A_1230 = arith.cmpf ogt, %get3A_431, %broadcast_in_dim3A_1222 : vector<16xf32>
            %lt3A_1231 = arith.cmpf olt, %get3A_479, %broadcast_in_dim3A_1225 : vector<16xf32>
            %and3A_1232 = arith.andi %gt3A_1230, %lt3A_1231 : vector<16xi1>
            %or3A_1233 = arith.ori %or3A_1229, %and3A_1232 : vector<16xi1>
            %gt3A_1234 = arith.cmpf ogt, %get3A_434, %broadcast_in_dim3A_1222 : vector<16xf32>
            %lt3A_1235 = arith.cmpf olt, %get3A_482, %broadcast_in_dim3A_1225 : vector<16xf32>
            %and3A_1236 = arith.andi %gt3A_1234, %lt3A_1235 : vector<16xi1>
            %or3A_1237 = arith.ori %or3A_1233, %and3A_1236 : vector<16xi1>
            %gt3A_1238 = arith.cmpf ogt, %get3A_437, %broadcast_in_dim3A_1222 : vector<16xf32>
            %lt3A_1239 = arith.cmpf olt, %get3A_485, %broadcast_in_dim3A_1225 : vector<16xf32>
            %and3A_1240 = arith.andi %gt3A_1238, %lt3A_1239 : vector<16xi1>
            %or3A_1241 = arith.ori %or3A_1237, %and3A_1240 : vector<16xi1>
            %gt3A_1242 = arith.cmpf ogt, %get3A_440, %broadcast_in_dim3A_1222 : vector<16xf32>
            %lt3A_1243 = arith.cmpf olt, %get3A_488, %broadcast_in_dim3A_1225 : vector<16xf32>
            %and3A_1244 = arith.andi %gt3A_1242, %lt3A_1243 : vector<16xi1>
            %or3A_1245 = arith.ori %or3A_1241, %and3A_1244 : vector<16xi1>
            %gt3A_1246 = arith.cmpf ogt, %get3A_443, %broadcast_in_dim3A_1222 : vector<16xf32>
            %lt3A_1247 = arith.cmpf olt, %get3A_491, %broadcast_in_dim3A_1225 : vector<16xf32>
            %and3A_1248 = arith.andi %gt3A_1246, %lt3A_1247 : vector<16xi1>
            %or3A_1249 = arith.ori %or3A_1245, %and3A_1248 : vector<16xi1>
            %gt3A_1250 = arith.cmpf ogt, %get3A_446, %broadcast_in_dim3A_1222 : vector<16xf32>
            %lt3A_1251 = arith.cmpf olt, %get3A_494, %broadcast_in_dim3A_1225 : vector<16xf32>
            %and3A_1252 = arith.andi %gt3A_1250, %lt3A_1251 : vector<16xi1>
            %or3A_1253 = arith.ori %or3A_1249, %and3A_1252 : vector<16xi1>
            %gt3A_1254 = arith.cmpf ogt, %get3A_449, %broadcast_in_dim3A_1222 : vector<16xf32>
            %lt3A_1255 = arith.cmpf olt, %get3A_497, %broadcast_in_dim3A_1225 : vector<16xf32>
            %and3A_1256 = arith.andi %gt3A_1254, %lt3A_1255 : vector<16xi1>
            %or3A_1257 = arith.ori %or3A_1253, %and3A_1256 : vector<16xi1>
            %gt3A_1258 = arith.cmpf ogt, %get3A_452, %broadcast_in_dim3A_1222 : vector<16xf32>
            %lt3A_1259 = arith.cmpf olt, %get3A_500, %broadcast_in_dim3A_1225 : vector<16xf32>
            %and3A_1260 = arith.andi %gt3A_1258, %lt3A_1259 : vector<16xi1>
            %or3A_1261 = arith.ori %or3A_1257, %and3A_1260 : vector<16xi1>
            %gt3A_1262 = arith.cmpf ogt, %get3A_455, %broadcast_in_dim3A_1222 : vector<16xf32>
            %lt3A_1263 = arith.cmpf olt, %get3A_503, %broadcast_in_dim3A_1225 : vector<16xf32>
            %and3A_1264 = arith.andi %gt3A_1262, %lt3A_1263 : vector<16xi1>
            %or3A_1265 = arith.ori %or3A_1261, %and3A_1264 : vector<16xi1>
            %gt3A_1266 = arith.cmpf ogt, %get3A_458, %broadcast_in_dim3A_1222 : vector<16xf32>
            %lt3A_1267 = arith.cmpf olt, %get3A_506, %broadcast_in_dim3A_1225 : vector<16xf32>
            %and3A_1268 = arith.andi %gt3A_1266, %lt3A_1267 : vector<16xi1>
            %or3A_1269 = arith.ori %or3A_1265, %and3A_1268 : vector<16xi1>
            %gt3A_1270 = arith.cmpf ogt, %get3A_461, %broadcast_in_dim3A_1222 : vector<16xf32>
            %lt3A_1271 = arith.cmpf olt, %get3A_509, %broadcast_in_dim3A_1225 : vector<16xf32>
            %and3A_1272 = arith.andi %gt3A_1270, %lt3A_1271 : vector<16xi1>
            %or3A_1273 = arith.ori %or3A_1269, %and3A_1272 : vector<16xi1>
            %gt3A_1274 = arith.cmpf ogt, %get3A_464, %broadcast_in_dim3A_1222 : vector<16xf32>
            %lt3A_1275 = arith.cmpf olt, %get3A_512, %broadcast_in_dim3A_1225 : vector<16xf32>
            %and3A_1276 = arith.andi %gt3A_1274, %lt3A_1275 : vector<16xi1>
            %or3A_1277 = arith.ori %or3A_1273, %and3A_1276 : vector<16xi1>
            %gt3A_1278 = arith.cmpf ogt, %get3A_467, %broadcast_in_dim3A_1222 : vector<16xf32>
            %lt3A_1279 = arith.cmpf olt, %get3A_515, %broadcast_in_dim3A_1225 : vector<16xf32>
            %and3A_1280 = arith.andi %gt3A_1278, %lt3A_1279 : vector<16xi1>
            %or3A_1281 = arith.ori %or3A_1277, %and3A_1280 : vector<16xi1>
            %gt3A_1282 = arith.cmpf ogt, %get3A_470, %broadcast_in_dim3A_1222 : vector<16xf32>
            %lt3A_1283 = arith.cmpf olt, %get3A_518, %broadcast_in_dim3A_1225 : vector<16xf32>
            %and3A_1284 = arith.andi %gt3A_1282, %lt3A_1283 : vector<16xi1>
            %or3A_1285 = arith.ori %or3A_1281, %and3A_1284 : vector<16xi1>
            %gt3A_1286 = arith.cmpf ogt, %get3A_473, %broadcast_in_dim3A_1222 : vector<16xf32>
            %lt3A_1287 = arith.cmpf olt, %get3A_521, %broadcast_in_dim3A_1225 : vector<16xf32>
            %and3A_1288 = arith.andi %gt3A_1286, %lt3A_1287 : vector<16xi1>
            %or3A_1289 = arith.ori %or3A_1285, %and3A_1288 : vector<16xi1>
            %slice3A_1290 = vector.extract_strided_slice %get3A_420 {offsets = [11], sizes = [1], strides = [1]} : vector<16xf32> to vector<1xf32>
            %squeeze3A_1291 = vector.extract %slice3A_1290[0] : f32 from vector<1xf32>
            %broadcast_in_dim3A_1292 = vector.broadcast %squeeze3A_1291 : f32 to vector<16xf32>
            %slice3A_1293 = vector.extract_strided_slice %get3A_425 {offsets = [11], sizes = [1], strides = [1]} : vector<16xf32> to vector<1xf32>
            %squeeze3A_1294 = vector.extract %slice3A_1293[0] : f32 from vector<1xf32>
            %broadcast_in_dim3A_1295 = vector.broadcast %squeeze3A_1294 : f32 to vector<16xf32>
            %gt3A_1296 = arith.cmpf ogt, %get3A_428, %broadcast_in_dim3A_1292 : vector<16xf32>
            %lt3A_1297 = arith.cmpf olt, %get3A_476, %broadcast_in_dim3A_1295 : vector<16xf32>
            %and3A_1298 = arith.andi %gt3A_1296, %lt3A_1297 : vector<16xi1>
            %or3A_1299 = arith.ori %or3A_1289, %and3A_1298 : vector<16xi1>
            %gt3A_1300 = arith.cmpf ogt, %get3A_431, %broadcast_in_dim3A_1292 : vector<16xf32>
            %lt3A_1301 = arith.cmpf olt, %get3A_479, %broadcast_in_dim3A_1295 : vector<16xf32>
            %and3A_1302 = arith.andi %gt3A_1300, %lt3A_1301 : vector<16xi1>
            %or3A_1303 = arith.ori %or3A_1299, %and3A_1302 : vector<16xi1>
            %gt3A_1304 = arith.cmpf ogt, %get3A_434, %broadcast_in_dim3A_1292 : vector<16xf32>
            %lt3A_1305 = arith.cmpf olt, %get3A_482, %broadcast_in_dim3A_1295 : vector<16xf32>
            %and3A_1306 = arith.andi %gt3A_1304, %lt3A_1305 : vector<16xi1>
            %or3A_1307 = arith.ori %or3A_1303, %and3A_1306 : vector<16xi1>
            %gt3A_1308 = arith.cmpf ogt, %get3A_437, %broadcast_in_dim3A_1292 : vector<16xf32>
            %lt3A_1309 = arith.cmpf olt, %get3A_485, %broadcast_in_dim3A_1295 : vector<16xf32>
            %and3A_1310 = arith.andi %gt3A_1308, %lt3A_1309 : vector<16xi1>
            %or3A_1311 = arith.ori %or3A_1307, %and3A_1310 : vector<16xi1>
            %gt3A_1312 = arith.cmpf ogt, %get3A_440, %broadcast_in_dim3A_1292 : vector<16xf32>
            %lt3A_1313 = arith.cmpf olt, %get3A_488, %broadcast_in_dim3A_1295 : vector<16xf32>
            %and3A_1314 = arith.andi %gt3A_1312, %lt3A_1313 : vector<16xi1>
            %or3A_1315 = arith.ori %or3A_1311, %and3A_1314 : vector<16xi1>
            %gt3A_1316 = arith.cmpf ogt, %get3A_443, %broadcast_in_dim3A_1292 : vector<16xf32>
            %lt3A_1317 = arith.cmpf olt, %get3A_491, %broadcast_in_dim3A_1295 : vector<16xf32>
            %and3A_1318 = arith.andi %gt3A_1316, %lt3A_1317 : vector<16xi1>
            %or3A_1319 = arith.ori %or3A_1315, %and3A_1318 : vector<16xi1>
            %gt3A_1320 = arith.cmpf ogt, %get3A_446, %broadcast_in_dim3A_1292 : vector<16xf32>
            %lt3A_1321 = arith.cmpf olt, %get3A_494, %broadcast_in_dim3A_1295 : vector<16xf32>
            %and3A_1322 = arith.andi %gt3A_1320, %lt3A_1321 : vector<16xi1>
            %or3A_1323 = arith.ori %or3A_1319, %and3A_1322 : vector<16xi1>
            %gt3A_1324 = arith.cmpf ogt, %get3A_449, %broadcast_in_dim3A_1292 : vector<16xf32>
            %lt3A_1325 = arith.cmpf olt, %get3A_497, %broadcast_in_dim3A_1295 : vector<16xf32>
            %and3A_1326 = arith.andi %gt3A_1324, %lt3A_1325 : vector<16xi1>
            %or3A_1327 = arith.ori %or3A_1323, %and3A_1326 : vector<16xi1>
            %gt3A_1328 = arith.cmpf ogt, %get3A_452, %broadcast_in_dim3A_1292 : vector<16xf32>
            %lt3A_1329 = arith.cmpf olt, %get3A_500, %broadcast_in_dim3A_1295 : vector<16xf32>
            %and3A_1330 = arith.andi %gt3A_1328, %lt3A_1329 : vector<16xi1>
            %or3A_1331 = arith.ori %or3A_1327, %and3A_1330 : vector<16xi1>
            %gt3A_1332 = arith.cmpf ogt, %get3A_455, %broadcast_in_dim3A_1292 : vector<16xf32>
            %lt3A_1333 = arith.cmpf olt, %get3A_503, %broadcast_in_dim3A_1295 : vector<16xf32>
            %and3A_1334 = arith.andi %gt3A_1332, %lt3A_1333 : vector<16xi1>
            %or3A_1335 = arith.ori %or3A_1331, %and3A_1334 : vector<16xi1>
            %gt3A_1336 = arith.cmpf ogt, %get3A_458, %broadcast_in_dim3A_1292 : vector<16xf32>
            %lt3A_1337 = arith.cmpf olt, %get3A_506, %broadcast_in_dim3A_1295 : vector<16xf32>
            %and3A_1338 = arith.andi %gt3A_1336, %lt3A_1337 : vector<16xi1>
            %or3A_1339 = arith.ori %or3A_1335, %and3A_1338 : vector<16xi1>
            %gt3A_1340 = arith.cmpf ogt, %get3A_461, %broadcast_in_dim3A_1292 : vector<16xf32>
            %lt3A_1341 = arith.cmpf olt, %get3A_509, %broadcast_in_dim3A_1295 : vector<16xf32>
            %and3A_1342 = arith.andi %gt3A_1340, %lt3A_1341 : vector<16xi1>
            %or3A_1343 = arith.ori %or3A_1339, %and3A_1342 : vector<16xi1>
            %gt3A_1344 = arith.cmpf ogt, %get3A_464, %broadcast_in_dim3A_1292 : vector<16xf32>
            %lt3A_1345 = arith.cmpf olt, %get3A_512, %broadcast_in_dim3A_1295 : vector<16xf32>
            %and3A_1346 = arith.andi %gt3A_1344, %lt3A_1345 : vector<16xi1>
            %or3A_1347 = arith.ori %or3A_1343, %and3A_1346 : vector<16xi1>
            %gt3A_1348 = arith.cmpf ogt, %get3A_467, %broadcast_in_dim3A_1292 : vector<16xf32>
            %lt3A_1349 = arith.cmpf olt, %get3A_515, %broadcast_in_dim3A_1295 : vector<16xf32>
            %and3A_1350 = arith.andi %gt3A_1348, %lt3A_1349 : vector<16xi1>
            %or3A_1351 = arith.ori %or3A_1347, %and3A_1350 : vector<16xi1>
            %gt3A_1352 = arith.cmpf ogt, %get3A_470, %broadcast_in_dim3A_1292 : vector<16xf32>
            %lt3A_1353 = arith.cmpf olt, %get3A_518, %broadcast_in_dim3A_1295 : vector<16xf32>
            %and3A_1354 = arith.andi %gt3A_1352, %lt3A_1353 : vector<16xi1>
            %or3A_1355 = arith.ori %or3A_1351, %and3A_1354 : vector<16xi1>
            %gt3A_1356 = arith.cmpf ogt, %get3A_473, %broadcast_in_dim3A_1292 : vector<16xf32>
            %lt3A_1357 = arith.cmpf olt, %get3A_521, %broadcast_in_dim3A_1295 : vector<16xf32>
            %and3A_1358 = arith.andi %gt3A_1356, %lt3A_1357 : vector<16xi1>
            %or3A_1359 = arith.ori %or3A_1355, %and3A_1358 : vector<16xi1>
            %slice3A_1360 = vector.extract_strided_slice %get3A_420 {offsets = [12], sizes = [1], strides = [1]} : vector<16xf32> to vector<1xf32>
            %squeeze3A_1361 = vector.extract %slice3A_1360[0] : f32 from vector<1xf32>
            %broadcast_in_dim3A_1362 = vector.broadcast %squeeze3A_1361 : f32 to vector<16xf32>
            %slice3A_1363 = vector.extract_strided_slice %get3A_425 {offsets = [12], sizes = [1], strides = [1]} : vector<16xf32> to vector<1xf32>
            %squeeze3A_1364 = vector.extract %slice3A_1363[0] : f32 from vector<1xf32>
            %broadcast_in_dim3A_1365 = vector.broadcast %squeeze3A_1364 : f32 to vector<16xf32>
            %gt3A_1366 = arith.cmpf ogt, %get3A_428, %broadcast_in_dim3A_1362 : vector<16xf32>
            %lt3A_1367 = arith.cmpf olt, %get3A_476, %broadcast_in_dim3A_1365 : vector<16xf32>
            %and3A_1368 = arith.andi %gt3A_1366, %lt3A_1367 : vector<16xi1>
            %or3A_1369 = arith.ori %or3A_1359, %and3A_1368 : vector<16xi1>
            %gt3A_1370 = arith.cmpf ogt, %get3A_431, %broadcast_in_dim3A_1362 : vector<16xf32>
            %lt3A_1371 = arith.cmpf olt, %get3A_479, %broadcast_in_dim3A_1365 : vector<16xf32>
            %and3A_1372 = arith.andi %gt3A_1370, %lt3A_1371 : vector<16xi1>
            %or3A_1373 = arith.ori %or3A_1369, %and3A_1372 : vector<16xi1>
            %gt3A_1374 = arith.cmpf ogt, %get3A_434, %broadcast_in_dim3A_1362 : vector<16xf32>
            %lt3A_1375 = arith.cmpf olt, %get3A_482, %broadcast_in_dim3A_1365 : vector<16xf32>
            %and3A_1376 = arith.andi %gt3A_1374, %lt3A_1375 : vector<16xi1>
            %or3A_1377 = arith.ori %or3A_1373, %and3A_1376 : vector<16xi1>
            %gt3A_1378 = arith.cmpf ogt, %get3A_437, %broadcast_in_dim3A_1362 : vector<16xf32>
            %lt3A_1379 = arith.cmpf olt, %get3A_485, %broadcast_in_dim3A_1365 : vector<16xf32>
            %and3A_1380 = arith.andi %gt3A_1378, %lt3A_1379 : vector<16xi1>
            %or3A_1381 = arith.ori %or3A_1377, %and3A_1380 : vector<16xi1>
            %gt3A_1382 = arith.cmpf ogt, %get3A_440, %broadcast_in_dim3A_1362 : vector<16xf32>
            %lt3A_1383 = arith.cmpf olt, %get3A_488, %broadcast_in_dim3A_1365 : vector<16xf32>
            %and3A_1384 = arith.andi %gt3A_1382, %lt3A_1383 : vector<16xi1>
            %or3A_1385 = arith.ori %or3A_1381, %and3A_1384 : vector<16xi1>
            %gt3A_1386 = arith.cmpf ogt, %get3A_443, %broadcast_in_dim3A_1362 : vector<16xf32>
            %lt3A_1387 = arith.cmpf olt, %get3A_491, %broadcast_in_dim3A_1365 : vector<16xf32>
            %and3A_1388 = arith.andi %gt3A_1386, %lt3A_1387 : vector<16xi1>
            %or3A_1389 = arith.ori %or3A_1385, %and3A_1388 : vector<16xi1>
            %gt3A_1390 = arith.cmpf ogt, %get3A_446, %broadcast_in_dim3A_1362 : vector<16xf32>
            %lt3A_1391 = arith.cmpf olt, %get3A_494, %broadcast_in_dim3A_1365 : vector<16xf32>
            %and3A_1392 = arith.andi %gt3A_1390, %lt3A_1391 : vector<16xi1>
            %or3A_1393 = arith.ori %or3A_1389, %and3A_1392 : vector<16xi1>
            %gt3A_1394 = arith.cmpf ogt, %get3A_449, %broadcast_in_dim3A_1362 : vector<16xf32>
            %lt3A_1395 = arith.cmpf olt, %get3A_497, %broadcast_in_dim3A_1365 : vector<16xf32>
            %and3A_1396 = arith.andi %gt3A_1394, %lt3A_1395 : vector<16xi1>
            %or3A_1397 = arith.ori %or3A_1393, %and3A_1396 : vector<16xi1>
            %gt3A_1398 = arith.cmpf ogt, %get3A_452, %broadcast_in_dim3A_1362 : vector<16xf32>
            %lt3A_1399 = arith.cmpf olt, %get3A_500, %broadcast_in_dim3A_1365 : vector<16xf32>
            %and3A_1400 = arith.andi %gt3A_1398, %lt3A_1399 : vector<16xi1>
            %or3A_1401 = arith.ori %or3A_1397, %and3A_1400 : vector<16xi1>
            %gt3A_1402 = arith.cmpf ogt, %get3A_455, %broadcast_in_dim3A_1362 : vector<16xf32>
            %lt3A_1403 = arith.cmpf olt, %get3A_503, %broadcast_in_dim3A_1365 : vector<16xf32>
            %and3A_1404 = arith.andi %gt3A_1402, %lt3A_1403 : vector<16xi1>
            %or3A_1405 = arith.ori %or3A_1401, %and3A_1404 : vector<16xi1>
            %gt3A_1406 = arith.cmpf ogt, %get3A_458, %broadcast_in_dim3A_1362 : vector<16xf32>
            %lt3A_1407 = arith.cmpf olt, %get3A_506, %broadcast_in_dim3A_1365 : vector<16xf32>
            %and3A_1408 = arith.andi %gt3A_1406, %lt3A_1407 : vector<16xi1>
            %or3A_1409 = arith.ori %or3A_1405, %and3A_1408 : vector<16xi1>
            %gt3A_1410 = arith.cmpf ogt, %get3A_461, %broadcast_in_dim3A_1362 : vector<16xf32>
            %lt3A_1411 = arith.cmpf olt, %get3A_509, %broadcast_in_dim3A_1365 : vector<16xf32>
            %and3A_1412 = arith.andi %gt3A_1410, %lt3A_1411 : vector<16xi1>
            %or3A_1413 = arith.ori %or3A_1409, %and3A_1412 : vector<16xi1>
            %gt3A_1414 = arith.cmpf ogt, %get3A_464, %broadcast_in_dim3A_1362 : vector<16xf32>
            %lt3A_1415 = arith.cmpf olt, %get3A_512, %broadcast_in_dim3A_1365 : vector<16xf32>
            %and3A_1416 = arith.andi %gt3A_1414, %lt3A_1415 : vector<16xi1>
            %or3A_1417 = arith.ori %or3A_1413, %and3A_1416 : vector<16xi1>
            %gt3A_1418 = arith.cmpf ogt, %get3A_467, %broadcast_in_dim3A_1362 : vector<16xf32>
            %lt3A_1419 = arith.cmpf olt, %get3A_515, %broadcast_in_dim3A_1365 : vector<16xf32>
            %and3A_1420 = arith.andi %gt3A_1418, %lt3A_1419 : vector<16xi1>
            %or3A_1421 = arith.ori %or3A_1417, %and3A_1420 : vector<16xi1>
            %gt3A_1422 = arith.cmpf ogt, %get3A_470, %broadcast_in_dim3A_1362 : vector<16xf32>
            %lt3A_1423 = arith.cmpf olt, %get3A_518, %broadcast_in_dim3A_1365 : vector<16xf32>
            %and3A_1424 = arith.andi %gt3A_1422, %lt3A_1423 : vector<16xi1>
            %or3A_1425 = arith.ori %or3A_1421, %and3A_1424 : vector<16xi1>
            %gt3A_1426 = arith.cmpf ogt, %get3A_473, %broadcast_in_dim3A_1362 : vector<16xf32>
            %lt3A_1427 = arith.cmpf olt, %get3A_521, %broadcast_in_dim3A_1365 : vector<16xf32>
            %and3A_1428 = arith.andi %gt3A_1426, %lt3A_1427 : vector<16xi1>
            %or3A_1429 = arith.ori %or3A_1425, %and3A_1428 : vector<16xi1>
            %slice3A_1430 = vector.extract_strided_slice %get3A_420 {offsets = [13], sizes = [1], strides = [1]} : vector<16xf32> to vector<1xf32>
            %squeeze3A_1431 = vector.extract %slice3A_1430[0] : f32 from vector<1xf32>
            %broadcast_in_dim3A_1432 = vector.broadcast %squeeze3A_1431 : f32 to vector<16xf32>
            %slice3A_1433 = vector.extract_strided_slice %get3A_425 {offsets = [13], sizes = [1], strides = [1]} : vector<16xf32> to vector<1xf32>
            %squeeze3A_1434 = vector.extract %slice3A_1433[0] : f32 from vector<1xf32>
            %broadcast_in_dim3A_1435 = vector.broadcast %squeeze3A_1434 : f32 to vector<16xf32>
            %gt3A_1436 = arith.cmpf ogt, %get3A_428, %broadcast_in_dim3A_1432 : vector<16xf32>
            %lt3A_1437 = arith.cmpf olt, %get3A_476, %broadcast_in_dim3A_1435 : vector<16xf32>
            %and3A_1438 = arith.andi %gt3A_1436, %lt3A_1437 : vector<16xi1>
            %or3A_1439 = arith.ori %or3A_1429, %and3A_1438 : vector<16xi1>
            %gt3A_1440 = arith.cmpf ogt, %get3A_431, %broadcast_in_dim3A_1432 : vector<16xf32>
            %lt3A_1441 = arith.cmpf olt, %get3A_479, %broadcast_in_dim3A_1435 : vector<16xf32>
            %and3A_1442 = arith.andi %gt3A_1440, %lt3A_1441 : vector<16xi1>
            %or3A_1443 = arith.ori %or3A_1439, %and3A_1442 : vector<16xi1>
            %gt3A_1444 = arith.cmpf ogt, %get3A_434, %broadcast_in_dim3A_1432 : vector<16xf32>
            %lt3A_1445 = arith.cmpf olt, %get3A_482, %broadcast_in_dim3A_1435 : vector<16xf32>
            %and3A_1446 = arith.andi %gt3A_1444, %lt3A_1445 : vector<16xi1>
            %or3A_1447 = arith.ori %or3A_1443, %and3A_1446 : vector<16xi1>
            %gt3A_1448 = arith.cmpf ogt, %get3A_437, %broadcast_in_dim3A_1432 : vector<16xf32>
            %lt3A_1449 = arith.cmpf olt, %get3A_485, %broadcast_in_dim3A_1435 : vector<16xf32>
            %and3A_1450 = arith.andi %gt3A_1448, %lt3A_1449 : vector<16xi1>
            %or3A_1451 = arith.ori %or3A_1447, %and3A_1450 : vector<16xi1>
            %gt3A_1452 = arith.cmpf ogt, %get3A_440, %broadcast_in_dim3A_1432 : vector<16xf32>
            %lt3A_1453 = arith.cmpf olt, %get3A_488, %broadcast_in_dim3A_1435 : vector<16xf32>
            %and3A_1454 = arith.andi %gt3A_1452, %lt3A_1453 : vector<16xi1>
            %or3A_1455 = arith.ori %or3A_1451, %and3A_1454 : vector<16xi1>
            %gt3A_1456 = arith.cmpf ogt, %get3A_443, %broadcast_in_dim3A_1432 : vector<16xf32>
            %lt3A_1457 = arith.cmpf olt, %get3A_491, %broadcast_in_dim3A_1435 : vector<16xf32>
            %and3A_1458 = arith.andi %gt3A_1456, %lt3A_1457 : vector<16xi1>
            %or3A_1459 = arith.ori %or3A_1455, %and3A_1458 : vector<16xi1>
            %gt3A_1460 = arith.cmpf ogt, %get3A_446, %broadcast_in_dim3A_1432 : vector<16xf32>
            %lt3A_1461 = arith.cmpf olt, %get3A_494, %broadcast_in_dim3A_1435 : vector<16xf32>
            %and3A_1462 = arith.andi %gt3A_1460, %lt3A_1461 : vector<16xi1>
            %or3A_1463 = arith.ori %or3A_1459, %and3A_1462 : vector<16xi1>
            %gt3A_1464 = arith.cmpf ogt, %get3A_449, %broadcast_in_dim3A_1432 : vector<16xf32>
            %lt3A_1465 = arith.cmpf olt, %get3A_497, %broadcast_in_dim3A_1435 : vector<16xf32>
            %and3A_1466 = arith.andi %gt3A_1464, %lt3A_1465 : vector<16xi1>
            %or3A_1467 = arith.ori %or3A_1463, %and3A_1466 : vector<16xi1>
            %gt3A_1468 = arith.cmpf ogt, %get3A_452, %broadcast_in_dim3A_1432 : vector<16xf32>
            %lt3A_1469 = arith.cmpf olt, %get3A_500, %broadcast_in_dim3A_1435 : vector<16xf32>
            %and3A_1470 = arith.andi %gt3A_1468, %lt3A_1469 : vector<16xi1>
            %or3A_1471 = arith.ori %or3A_1467, %and3A_1470 : vector<16xi1>
            %gt3A_1472 = arith.cmpf ogt, %get3A_455, %broadcast_in_dim3A_1432 : vector<16xf32>
            %lt3A_1473 = arith.cmpf olt, %get3A_503, %broadcast_in_dim3A_1435 : vector<16xf32>
            %and3A_1474 = arith.andi %gt3A_1472, %lt3A_1473 : vector<16xi1>
            %or3A_1475 = arith.ori %or3A_1471, %and3A_1474 : vector<16xi1>
            %gt3A_1476 = arith.cmpf ogt, %get3A_458, %broadcast_in_dim3A_1432 : vector<16xf32>
            %lt3A_1477 = arith.cmpf olt, %get3A_506, %broadcast_in_dim3A_1435 : vector<16xf32>
            %and3A_1478 = arith.andi %gt3A_1476, %lt3A_1477 : vector<16xi1>
            %or3A_1479 = arith.ori %or3A_1475, %and3A_1478 : vector<16xi1>
            %gt3A_1480 = arith.cmpf ogt, %get3A_461, %broadcast_in_dim3A_1432 : vector<16xf32>
            %lt3A_1481 = arith.cmpf olt, %get3A_509, %broadcast_in_dim3A_1435 : vector<16xf32>
            %and3A_1482 = arith.andi %gt3A_1480, %lt3A_1481 : vector<16xi1>
            %or3A_1483 = arith.ori %or3A_1479, %and3A_1482 : vector<16xi1>
            %gt3A_1484 = arith.cmpf ogt, %get3A_464, %broadcast_in_dim3A_1432 : vector<16xf32>
            %lt3A_1485 = arith.cmpf olt, %get3A_512, %broadcast_in_dim3A_1435 : vector<16xf32>
            %and3A_1486 = arith.andi %gt3A_1484, %lt3A_1485 : vector<16xi1>
            %or3A_1487 = arith.ori %or3A_1483, %and3A_1486 : vector<16xi1>
            %gt3A_1488 = arith.cmpf ogt, %get3A_467, %broadcast_in_dim3A_1432 : vector<16xf32>
            %lt3A_1489 = arith.cmpf olt, %get3A_515, %broadcast_in_dim3A_1435 : vector<16xf32>
            %and3A_1490 = arith.andi %gt3A_1488, %lt3A_1489 : vector<16xi1>
            %or3A_1491 = arith.ori %or3A_1487, %and3A_1490 : vector<16xi1>
            %gt3A_1492 = arith.cmpf ogt, %get3A_470, %broadcast_in_dim3A_1432 : vector<16xf32>
            %lt3A_1493 = arith.cmpf olt, %get3A_518, %broadcast_in_dim3A_1435 : vector<16xf32>
            %and3A_1494 = arith.andi %gt3A_1492, %lt3A_1493 : vector<16xi1>
            %or3A_1495 = arith.ori %or3A_1491, %and3A_1494 : vector<16xi1>
            %gt3A_1496 = arith.cmpf ogt, %get3A_473, %broadcast_in_dim3A_1432 : vector<16xf32>
            %lt3A_1497 = arith.cmpf olt, %get3A_521, %broadcast_in_dim3A_1435 : vector<16xf32>
            %and3A_1498 = arith.andi %gt3A_1496, %lt3A_1497 : vector<16xi1>
            %or3A_1499 = arith.ori %or3A_1495, %and3A_1498 : vector<16xi1>
            %slice3A_1500 = vector.extract_strided_slice %get3A_420 {offsets = [14], sizes = [1], strides = [1]} : vector<16xf32> to vector<1xf32>
            %squeeze3A_1501 = vector.extract %slice3A_1500[0] : f32 from vector<1xf32>
            %broadcast_in_dim3A_1502 = vector.broadcast %squeeze3A_1501 : f32 to vector<16xf32>
            %slice3A_1503 = vector.extract_strided_slice %get3A_425 {offsets = [14], sizes = [1], strides = [1]} : vector<16xf32> to vector<1xf32>
            %squeeze3A_1504 = vector.extract %slice3A_1503[0] : f32 from vector<1xf32>
            %broadcast_in_dim3A_1505 = vector.broadcast %squeeze3A_1504 : f32 to vector<16xf32>
            %gt3A_1506 = arith.cmpf ogt, %get3A_428, %broadcast_in_dim3A_1502 : vector<16xf32>
            %lt3A_1507 = arith.cmpf olt, %get3A_476, %broadcast_in_dim3A_1505 : vector<16xf32>
            %and3A_1508 = arith.andi %gt3A_1506, %lt3A_1507 : vector<16xi1>
            %or3A_1509 = arith.ori %or3A_1499, %and3A_1508 : vector<16xi1>
            %gt3A_1510 = arith.cmpf ogt, %get3A_431, %broadcast_in_dim3A_1502 : vector<16xf32>
            %lt3A_1511 = arith.cmpf olt, %get3A_479, %broadcast_in_dim3A_1505 : vector<16xf32>
            %and3A_1512 = arith.andi %gt3A_1510, %lt3A_1511 : vector<16xi1>
            %or3A_1513 = arith.ori %or3A_1509, %and3A_1512 : vector<16xi1>
            %gt3A_1514 = arith.cmpf ogt, %get3A_434, %broadcast_in_dim3A_1502 : vector<16xf32>
            %lt3A_1515 = arith.cmpf olt, %get3A_482, %broadcast_in_dim3A_1505 : vector<16xf32>
            %and3A_1516 = arith.andi %gt3A_1514, %lt3A_1515 : vector<16xi1>
            %or3A_1517 = arith.ori %or3A_1513, %and3A_1516 : vector<16xi1>
            %gt3A_1518 = arith.cmpf ogt, %get3A_437, %broadcast_in_dim3A_1502 : vector<16xf32>
            %lt3A_1519 = arith.cmpf olt, %get3A_485, %broadcast_in_dim3A_1505 : vector<16xf32>
            %and3A_1520 = arith.andi %gt3A_1518, %lt3A_1519 : vector<16xi1>
            %or3A_1521 = arith.ori %or3A_1517, %and3A_1520 : vector<16xi1>
            %gt3A_1522 = arith.cmpf ogt, %get3A_440, %broadcast_in_dim3A_1502 : vector<16xf32>
            %lt3A_1523 = arith.cmpf olt, %get3A_488, %broadcast_in_dim3A_1505 : vector<16xf32>
            %and3A_1524 = arith.andi %gt3A_1522, %lt3A_1523 : vector<16xi1>
            %or3A_1525 = arith.ori %or3A_1521, %and3A_1524 : vector<16xi1>
            %gt3A_1526 = arith.cmpf ogt, %get3A_443, %broadcast_in_dim3A_1502 : vector<16xf32>
            %lt3A_1527 = arith.cmpf olt, %get3A_491, %broadcast_in_dim3A_1505 : vector<16xf32>
            %and3A_1528 = arith.andi %gt3A_1526, %lt3A_1527 : vector<16xi1>
            %or3A_1529 = arith.ori %or3A_1525, %and3A_1528 : vector<16xi1>
            %gt3A_1530 = arith.cmpf ogt, %get3A_446, %broadcast_in_dim3A_1502 : vector<16xf32>
            %lt3A_1531 = arith.cmpf olt, %get3A_494, %broadcast_in_dim3A_1505 : vector<16xf32>
            %and3A_1532 = arith.andi %gt3A_1530, %lt3A_1531 : vector<16xi1>
            %or3A_1533 = arith.ori %or3A_1529, %and3A_1532 : vector<16xi1>
            %gt3A_1534 = arith.cmpf ogt, %get3A_449, %broadcast_in_dim3A_1502 : vector<16xf32>
            %lt3A_1535 = arith.cmpf olt, %get3A_497, %broadcast_in_dim3A_1505 : vector<16xf32>
            %and3A_1536 = arith.andi %gt3A_1534, %lt3A_1535 : vector<16xi1>
            %or3A_1537 = arith.ori %or3A_1533, %and3A_1536 : vector<16xi1>
            %gt3A_1538 = arith.cmpf ogt, %get3A_452, %broadcast_in_dim3A_1502 : vector<16xf32>
            %lt3A_1539 = arith.cmpf olt, %get3A_500, %broadcast_in_dim3A_1505 : vector<16xf32>
            %and3A_1540 = arith.andi %gt3A_1538, %lt3A_1539 : vector<16xi1>
            %or3A_1541 = arith.ori %or3A_1537, %and3A_1540 : vector<16xi1>
            %gt3A_1542 = arith.cmpf ogt, %get3A_455, %broadcast_in_dim3A_1502 : vector<16xf32>
            %lt3A_1543 = arith.cmpf olt, %get3A_503, %broadcast_in_dim3A_1505 : vector<16xf32>
            %and3A_1544 = arith.andi %gt3A_1542, %lt3A_1543 : vector<16xi1>
            %or3A_1545 = arith.ori %or3A_1541, %and3A_1544 : vector<16xi1>
            %gt3A_1546 = arith.cmpf ogt, %get3A_458, %broadcast_in_dim3A_1502 : vector<16xf32>
            %lt3A_1547 = arith.cmpf olt, %get3A_506, %broadcast_in_dim3A_1505 : vector<16xf32>
            %and3A_1548 = arith.andi %gt3A_1546, %lt3A_1547 : vector<16xi1>
            %or3A_1549 = arith.ori %or3A_1545, %and3A_1548 : vector<16xi1>
            %gt3A_1550 = arith.cmpf ogt, %get3A_461, %broadcast_in_dim3A_1502 : vector<16xf32>
            %lt3A_1551 = arith.cmpf olt, %get3A_509, %broadcast_in_dim3A_1505 : vector<16xf32>
            %and3A_1552 = arith.andi %gt3A_1550, %lt3A_1551 : vector<16xi1>
            %or3A_1553 = arith.ori %or3A_1549, %and3A_1552 : vector<16xi1>
            %gt3A_1554 = arith.cmpf ogt, %get3A_464, %broadcast_in_dim3A_1502 : vector<16xf32>
            %lt3A_1555 = arith.cmpf olt, %get3A_512, %broadcast_in_dim3A_1505 : vector<16xf32>
            %and3A_1556 = arith.andi %gt3A_1554, %lt3A_1555 : vector<16xi1>
            %or3A_1557 = arith.ori %or3A_1553, %and3A_1556 : vector<16xi1>
            %gt3A_1558 = arith.cmpf ogt, %get3A_467, %broadcast_in_dim3A_1502 : vector<16xf32>
            %lt3A_1559 = arith.cmpf olt, %get3A_515, %broadcast_in_dim3A_1505 : vector<16xf32>
            %and3A_1560 = arith.andi %gt3A_1558, %lt3A_1559 : vector<16xi1>
            %or3A_1561 = arith.ori %or3A_1557, %and3A_1560 : vector<16xi1>
            %gt3A_1562 = arith.cmpf ogt, %get3A_470, %broadcast_in_dim3A_1502 : vector<16xf32>
            %lt3A_1563 = arith.cmpf olt, %get3A_518, %broadcast_in_dim3A_1505 : vector<16xf32>
            %and3A_1564 = arith.andi %gt3A_1562, %lt3A_1563 : vector<16xi1>
            %or3A_1565 = arith.ori %or3A_1561, %and3A_1564 : vector<16xi1>
            %gt3A_1566 = arith.cmpf ogt, %get3A_473, %broadcast_in_dim3A_1502 : vector<16xf32>
            %lt3A_1567 = arith.cmpf olt, %get3A_521, %broadcast_in_dim3A_1505 : vector<16xf32>
            %and3A_1568 = arith.andi %gt3A_1566, %lt3A_1567 : vector<16xi1>
            %or3A_1569 = arith.ori %or3A_1565, %and3A_1568 : vector<16xi1>
            %slice3A_1570 = vector.extract_strided_slice %get3A_420 {offsets = [15], sizes = [1], strides = [1]} : vector<16xf32> to vector<1xf32>
            %squeeze3A_1571 = vector.extract %slice3A_1570[0] : f32 from vector<1xf32>
            %broadcast_in_dim3A_1572 = vector.broadcast %squeeze3A_1571 : f32 to vector<16xf32>
            %slice3A_1573 = vector.extract_strided_slice %get3A_425 {offsets = [15], sizes = [1], strides = [1]} : vector<16xf32> to vector<1xf32>
            %squeeze3A_1574 = vector.extract %slice3A_1573[0] : f32 from vector<1xf32>
            %broadcast_in_dim3A_1575 = vector.broadcast %squeeze3A_1574 : f32 to vector<16xf32>
            %gt3A_1576 = arith.cmpf ogt, %get3A_428, %broadcast_in_dim3A_1572 : vector<16xf32>
            %lt3A_1577 = arith.cmpf olt, %get3A_476, %broadcast_in_dim3A_1575 : vector<16xf32>
            %and3A_1578 = arith.andi %gt3A_1576, %lt3A_1577 : vector<16xi1>
            %or3A_1579 = arith.ori %or3A_1569, %and3A_1578 : vector<16xi1>
            %gt3A_1580 = arith.cmpf ogt, %get3A_431, %broadcast_in_dim3A_1572 : vector<16xf32>
            %lt3A_1581 = arith.cmpf olt, %get3A_479, %broadcast_in_dim3A_1575 : vector<16xf32>
            %and3A_1582 = arith.andi %gt3A_1580, %lt3A_1581 : vector<16xi1>
            %or3A_1583 = arith.ori %or3A_1579, %and3A_1582 : vector<16xi1>
            %gt3A_1584 = arith.cmpf ogt, %get3A_434, %broadcast_in_dim3A_1572 : vector<16xf32>
            %lt3A_1585 = arith.cmpf olt, %get3A_482, %broadcast_in_dim3A_1575 : vector<16xf32>
            %and3A_1586 = arith.andi %gt3A_1584, %lt3A_1585 : vector<16xi1>
            %or3A_1587 = arith.ori %or3A_1583, %and3A_1586 : vector<16xi1>
            %gt3A_1588 = arith.cmpf ogt, %get3A_437, %broadcast_in_dim3A_1572 : vector<16xf32>
            %lt3A_1589 = arith.cmpf olt, %get3A_485, %broadcast_in_dim3A_1575 : vector<16xf32>
            %and3A_1590 = arith.andi %gt3A_1588, %lt3A_1589 : vector<16xi1>
            %or3A_1591 = arith.ori %or3A_1587, %and3A_1590 : vector<16xi1>
            %gt3A_1592 = arith.cmpf ogt, %get3A_440, %broadcast_in_dim3A_1572 : vector<16xf32>
            %lt3A_1593 = arith.cmpf olt, %get3A_488, %broadcast_in_dim3A_1575 : vector<16xf32>
            %and3A_1594 = arith.andi %gt3A_1592, %lt3A_1593 : vector<16xi1>
            %or3A_1595 = arith.ori %or3A_1591, %and3A_1594 : vector<16xi1>
            %gt3A_1596 = arith.cmpf ogt, %get3A_443, %broadcast_in_dim3A_1572 : vector<16xf32>
            %lt3A_1597 = arith.cmpf olt, %get3A_491, %broadcast_in_dim3A_1575 : vector<16xf32>
            %and3A_1598 = arith.andi %gt3A_1596, %lt3A_1597 : vector<16xi1>
            %or3A_1599 = arith.ori %or3A_1595, %and3A_1598 : vector<16xi1>
            %gt3A_1600 = arith.cmpf ogt, %get3A_446, %broadcast_in_dim3A_1572 : vector<16xf32>
            %lt3A_1601 = arith.cmpf olt, %get3A_494, %broadcast_in_dim3A_1575 : vector<16xf32>
            %and3A_1602 = arith.andi %gt3A_1600, %lt3A_1601 : vector<16xi1>
            %or3A_1603 = arith.ori %or3A_1599, %and3A_1602 : vector<16xi1>
            %gt3A_1604 = arith.cmpf ogt, %get3A_449, %broadcast_in_dim3A_1572 : vector<16xf32>
            %lt3A_1605 = arith.cmpf olt, %get3A_497, %broadcast_in_dim3A_1575 : vector<16xf32>
            %and3A_1606 = arith.andi %gt3A_1604, %lt3A_1605 : vector<16xi1>
            %or3A_1607 = arith.ori %or3A_1603, %and3A_1606 : vector<16xi1>
            %gt3A_1608 = arith.cmpf ogt, %get3A_452, %broadcast_in_dim3A_1572 : vector<16xf32>
            %lt3A_1609 = arith.cmpf olt, %get3A_500, %broadcast_in_dim3A_1575 : vector<16xf32>
            %and3A_1610 = arith.andi %gt3A_1608, %lt3A_1609 : vector<16xi1>
            %or3A_1611 = arith.ori %or3A_1607, %and3A_1610 : vector<16xi1>
            %gt3A_1612 = arith.cmpf ogt, %get3A_455, %broadcast_in_dim3A_1572 : vector<16xf32>
            %lt3A_1613 = arith.cmpf olt, %get3A_503, %broadcast_in_dim3A_1575 : vector<16xf32>
            %and3A_1614 = arith.andi %gt3A_1612, %lt3A_1613 : vector<16xi1>
            %or3A_1615 = arith.ori %or3A_1611, %and3A_1614 : vector<16xi1>
            %gt3A_1616 = arith.cmpf ogt, %get3A_458, %broadcast_in_dim3A_1572 : vector<16xf32>
            %lt3A_1617 = arith.cmpf olt, %get3A_506, %broadcast_in_dim3A_1575 : vector<16xf32>
            %and3A_1618 = arith.andi %gt3A_1616, %lt3A_1617 : vector<16xi1>
            %or3A_1619 = arith.ori %or3A_1615, %and3A_1618 : vector<16xi1>
            %gt3A_1620 = arith.cmpf ogt, %get3A_461, %broadcast_in_dim3A_1572 : vector<16xf32>
            %lt3A_1621 = arith.cmpf olt, %get3A_509, %broadcast_in_dim3A_1575 : vector<16xf32>
            %and3A_1622 = arith.andi %gt3A_1620, %lt3A_1621 : vector<16xi1>
            %or3A_1623 = arith.ori %or3A_1619, %and3A_1622 : vector<16xi1>
            %gt3A_1624 = arith.cmpf ogt, %get3A_464, %broadcast_in_dim3A_1572 : vector<16xf32>
            %lt3A_1625 = arith.cmpf olt, %get3A_512, %broadcast_in_dim3A_1575 : vector<16xf32>
            %and3A_1626 = arith.andi %gt3A_1624, %lt3A_1625 : vector<16xi1>
            %or3A_1627 = arith.ori %or3A_1623, %and3A_1626 : vector<16xi1>
            %gt3A_1628 = arith.cmpf ogt, %get3A_467, %broadcast_in_dim3A_1572 : vector<16xf32>
            %lt3A_1629 = arith.cmpf olt, %get3A_515, %broadcast_in_dim3A_1575 : vector<16xf32>
            %and3A_1630 = arith.andi %gt3A_1628, %lt3A_1629 : vector<16xi1>
            %or3A_1631 = arith.ori %or3A_1627, %and3A_1630 : vector<16xi1>
            %gt3A_1632 = arith.cmpf ogt, %get3A_470, %broadcast_in_dim3A_1572 : vector<16xf32>
            %lt3A_1633 = arith.cmpf olt, %get3A_518, %broadcast_in_dim3A_1575 : vector<16xf32>
            %and3A_1634 = arith.andi %gt3A_1632, %lt3A_1633 : vector<16xi1>
            %or3A_1635 = arith.ori %or3A_1631, %and3A_1634 : vector<16xi1>
            %gt3A_1636 = arith.cmpf ogt, %get3A_473, %broadcast_in_dim3A_1572 : vector<16xf32>
            %lt3A_1637 = arith.cmpf olt, %get3A_521, %broadcast_in_dim3A_1575 : vector<16xf32>
            %and3A_1638 = arith.andi %gt3A_1636, %lt3A_1637 : vector<16xi1>
            %or3A_1639 = arith.ori %or3A_1635, %and3A_1638 : vector<16xi1>
            %jit3A_1640 = arith.constant 1.000000e+00 : f32
            %jit3A_1641 = arith.constant 0.000000e+00 : f32
            %broadcast_in_dim3A_1642 = vector.broadcast %jit3A_1640 : f32 to vector<16xf32>
            %broadcast_in_dim3A_1643 = vector.broadcast %jit3A_1641 : f32 to vector<16xf32>
            %select_n3A_1644 = arith.select %or3A_1639, %broadcast_in_dim3A_1642, %broadcast_in_dim3A_1643 : vector<16xi1>, vector<16xf32>
            %slice3A_1645 = vector.extract_strided_slice %select_n3A_1644 {offsets = [0], sizes = [1], strides = [1]} : vector<16xf32> to vector<1xf32>
            %squeeze3A_1646 = vector.extract %slice3A_1645[0] : f32 from vector<1xf32>
            %slice3A_1647 = vector.extract_strided_slice %select_n3A_1644 {offsets = [1], sizes = [1], strides = [1]} : vector<16xf32> to vector<1xf32>
            %squeeze3A_1648 = vector.extract %slice3A_1647[0] : f32 from vector<1xf32>
            %add3A_1649 = arith.addf %squeeze3A_1646, %squeeze3A_1648 : f32
            %slice3A_1650 = vector.extract_strided_slice %select_n3A_1644 {offsets = [2], sizes = [1], strides = [1]} : vector<16xf32> to vector<1xf32>
            %squeeze3A_1651 = vector.extract %slice3A_1650[0] : f32 from vector<1xf32>
            %add3A_1652 = arith.addf %add3A_1649, %squeeze3A_1651 : f32
            %slice3A_1653 = vector.extract_strided_slice %select_n3A_1644 {offsets = [3], sizes = [1], strides = [1]} : vector<16xf32> to vector<1xf32>
            %squeeze3A_1654 = vector.extract %slice3A_1653[0] : f32 from vector<1xf32>
            %add3A_1655 = arith.addf %add3A_1652, %squeeze3A_1654 : f32
            %slice3A_1656 = vector.extract_strided_slice %select_n3A_1644 {offsets = [4], sizes = [1], strides = [1]} : vector<16xf32> to vector<1xf32>
            %squeeze3A_1657 = vector.extract %slice3A_1656[0] : f32 from vector<1xf32>
            %add3A_1658 = arith.addf %add3A_1655, %squeeze3A_1657 : f32
            %slice3A_1659 = vector.extract_strided_slice %select_n3A_1644 {offsets = [5], sizes = [1], strides = [1]} : vector<16xf32> to vector<1xf32>
            %squeeze3A_1660 = vector.extract %slice3A_1659[0] : f32 from vector<1xf32>
            %add3A_1661 = arith.addf %add3A_1658, %squeeze3A_1660 : f32
            %slice3A_1662 = vector.extract_strided_slice %select_n3A_1644 {offsets = [6], sizes = [1], strides = [1]} : vector<16xf32> to vector<1xf32>
            %squeeze3A_1663 = vector.extract %slice3A_1662[0] : f32 from vector<1xf32>
            %add3A_1664 = arith.addf %add3A_1661, %squeeze3A_1663 : f32
            %slice3A_1665 = vector.extract_strided_slice %select_n3A_1644 {offsets = [7], sizes = [1], strides = [1]} : vector<16xf32> to vector<1xf32>
            %squeeze3A_1666 = vector.extract %slice3A_1665[0] : f32 from vector<1xf32>
            %add3A_1667 = arith.addf %add3A_1664, %squeeze3A_1666 : f32
            %slice3A_1668 = vector.extract_strided_slice %select_n3A_1644 {offsets = [8], sizes = [1], strides = [1]} : vector<16xf32> to vector<1xf32>
            %squeeze3A_1669 = vector.extract %slice3A_1668[0] : f32 from vector<1xf32>
            %add3A_1670 = arith.addf %add3A_1667, %squeeze3A_1669 : f32
            %slice3A_1671 = vector.extract_strided_slice %select_n3A_1644 {offsets = [9], sizes = [1], strides = [1]} : vector<16xf32> to vector<1xf32>
            %squeeze3A_1672 = vector.extract %slice3A_1671[0] : f32 from vector<1xf32>
            %add3A_1673 = arith.addf %add3A_1670, %squeeze3A_1672 : f32
            %slice3A_1674 = vector.extract_strided_slice %select_n3A_1644 {offsets = [10], sizes = [1], strides = [1]} : vector<16xf32> to vector<1xf32>
            %squeeze3A_1675 = vector.extract %slice3A_1674[0] : f32 from vector<1xf32>
            %add3A_1676 = arith.addf %add3A_1673, %squeeze3A_1675 : f32
            %slice3A_1677 = vector.extract_strided_slice %select_n3A_1644 {offsets = [11], sizes = [1], strides = [1]} : vector<16xf32> to vector<1xf32>
            %squeeze3A_1678 = vector.extract %slice3A_1677[0] : f32 from vector<1xf32>
            %add3A_1679 = arith.addf %add3A_1676, %squeeze3A_1678 : f32
            %slice3A_1680 = vector.extract_strided_slice %select_n3A_1644 {offsets = [12], sizes = [1], strides = [1]} : vector<16xf32> to vector<1xf32>
            %squeeze3A_1681 = vector.extract %slice3A_1680[0] : f32 from vector<1xf32>
            %add3A_1682 = arith.addf %add3A_1679, %squeeze3A_1681 : f32
            %slice3A_1683 = vector.extract_strided_slice %select_n3A_1644 {offsets = [13], sizes = [1], strides = [1]} : vector<16xf32> to vector<1xf32>
            %squeeze3A_1684 = vector.extract %slice3A_1683[0] : f32 from vector<1xf32>
            %add3A_1685 = arith.addf %add3A_1682, %squeeze3A_1684 : f32
            %slice3A_1686 = vector.extract_strided_slice %select_n3A_1644 {offsets = [14], sizes = [1], strides = [1]} : vector<16xf32> to vector<1xf32>
            %squeeze3A_1687 = vector.extract %slice3A_1686[0] : f32 from vector<1xf32>
            %add3A_1688 = arith.addf %add3A_1685, %squeeze3A_1687 : f32
            %slice3A_1689 = vector.extract_strided_slice %select_n3A_1644 {offsets = [15], sizes = [1], strides = [1]} : vector<16xf32> to vector<1xf32>
            %squeeze3A_1690 = vector.extract %slice3A_1689[0] : f32 from vector<1xf32>
            %add3A_1691 = arith.addf %add3A_1688, %squeeze3A_1690 : f32
            %gt3A_1692 = arith.constant 0.000000e+00 : f32
            %gt3A_1693 = arith.cmpf ogt, %add3A_1691, %gt3A_1692 : f32
            %jit3A_1694 = arith.constant 1 : i32
            %jit3A_1695 = arith.constant 0 : i32
            %select_n3A_1696 = arith.select %gt3A_1693, %jit3A_1694, %jit3A_1695 : i32
            %swap3A_1697 = arith.constant 0 : i32
            %swap3A_1698 = arith.index_cast %swap3A_1697 : i32 to index
            %swap3A_1699 = memref.load %arg9[%swap3A_1698] : memref<1xi32, #tpu.memory_space<smem>>
            memref.store %select_n3A_1696, %arg9[%swap3A_1698] : memref<1xi32, #tpu.memory_space<smem>>
          } else {
          }
        }
        %scan3A_392 = arith.constant 16 : i32
        %get3A = arith.constant 0 : i32
        %get3A_393 = arith.index_cast %get3A : i32 to index
        %get3A_394 = memref.load %arg9[%get3A_393] : memref<1xi32, #tpu.memory_space<smem>>
        %gt3A = arith.constant 0 : i32
        %gt3A_395 = arith.cmpi sgt, %get3A_394, %gt3A : i32
        %jit3A = arith.constant 0.000000e+00 : f32
        %jit3A_396 = arith.constant 1.000000e+00 : f32
        %select_n3A = arith.select %gt3A_395, %jit3A, %jit3A_396 : f32
        %iota3A = tpu.iota {dimensions = array<i32: 0>} : vector<16xi32>
        %eq3A = vector.broadcast %scan3A_20 : i32 to vector<16xi32>
        %eq3A_397 = arith.cmpi eq, %iota3A, %eq3A : vector<16xi32>
        %get3A_398 = arith.constant 0 : index
        %get3A_399 = tpu.vector_load %arg8[%get3A_398] {strides = array<i32>} : memref<16xf32, #tpu.memory_space<vmem>>, vector<16xf32>,
        %get3A_400 = vector.shape_cast %get3A_399 : vector<16xf32> to vector<16xf32>
        %broadcast_in_dim3A_401 = vector.broadcast %select_n3A : f32 to vector<16xf32>
        %select_n3A_402 = arith.select %eq3A_397, %broadcast_in_dim3A_401, %get3A_400 : vector<16xi1>, vector<16xf32>
        %swap3A_403 = arith.constant 0 : index
        %swap3A_404 = tpu.vector_load %arg8[%swap3A_403] {strides = array<i32>} : memref<16xf32, #tpu.memory_space<vmem>>, vector<16xf32>,
        %swap3A_405 = vector.shape_cast %swap3A_404 : vector<16xf32> to vector<16xf32>
        %swap3A_406 = vector.shape_cast %select_n3A_402 : vector<16xf32> to vector<16xf32>
        tpu.vector_store %arg8[%swap3A_403], %swap3A_406 {strides = array<i32>} : memref<16xf32, #tpu.memory_space<vmem>>, vector<16xf32>,
      } else {
      }
    }
    %scan3A_19 = arith.constant 4 : i32
    "tpu.region"() ({
      %run_scoped3A = tpu.sem_alloc : memref<!tpu.dma_semaphore, #tpu.memory_space<semaphore_mem>>
      %dma_start3A_20 = arith.constant 0 : i32
      %dma_start3A_21 = tpu.memref_slice %arg3[%add3A, %dma_start3A_20] : memref<32x16xf32, #tpu.memory_space<hbm>> -> memref<1x16xf32, #tpu.memory_space<hbm>>
      %dma_start3A_22 = tpu.memref_squeeze %dma_start3A_21 : memref<1x16xf32, #tpu.memory_space<hbm>> -> memref<16xf32, #tpu.memory_space<hbm>>
      %dma_start3A_23 = arith.constant 0 : i32
      %dma_start3A_24 = tpu.memref_slice %arg3[%add3A, %dma_start3A_23] : memref<32x16xf32, #tpu.memory_space<hbm>> -> memref<1x16xf32, #tpu.memory_space<hbm>>
      %dma_start3A_25 = tpu.memref_squeeze %dma_start3A_24 : memref<1x16xf32, #tpu.memory_space<hbm>> -> memref<16xf32, #tpu.memory_space<hbm>>
      tpu.enqueue_dma source(%arg8 : memref<16xf32, #tpu.memory_space<vmem>>) target(%dma_start3A_25 : memref<16xf32, #tpu.memory_space<hbm>>) target_semaphore(%run_scoped3A : memref<!tpu.dma_semaphore, #tpu.memory_space<semaphore_mem>>)
      %dma_wait3A = arith.constant 0 : i32
      %dma_wait3A_26 = tpu.memref_slice %arg3[%add3A, %dma_wait3A] : memref<32x16xf32, #tpu.memory_space<hbm>> -> memref<1x16xf32, #tpu.memory_space<hbm>>
      %dma_wait3A_27 = tpu.memref_squeeze %dma_wait3A_26 : memref<1x16xf32, #tpu.memory_space<hbm>> -> memref<16xf32, #tpu.memory_space<hbm>>
      %dma_wait3A_28 = arith.constant 0 : i32
      %dma_wait3A_29 = tpu.memref_slice %arg3[%add3A, %dma_wait3A_28] : memref<32x16xf32, #tpu.memory_space<hbm>> -> memref<1x16xf32, #tpu.memory_space<hbm>>
      %dma_wait3A_30 = tpu.memref_squeeze %dma_wait3A_29 : memref<1x16xf32, #tpu.memory_space<hbm>> -> memref<16xf32, #tpu.memory_space<hbm>>
      tpu.wait_dma2 semaphore(%run_scoped3A : memref<!tpu.dma_semaphore, #tpu.memory_space<semaphore_mem>>) src(%arg8 : memref<16xf32, #tpu.memory_space<vmem>>) dst(%dma_wait3A_30 : memref<16xf32, #tpu.memory_space<hbm>>)
      tpu.yield
    }) : () -> ()
    return
  }
}

</mosaic_0001>

<sc_bundles>
// kernel: _dominance_flags.3.cloned.1.call-start
scs
__scs_entry_jumppad:
0x0: {  	(pc) =	sbr.rel $0x88, $3  }
0x1: {  	(tag) =	ssettag $0x0;
	lr =	simm.s32 $0x1  }
0x2: {  	[smem:$0x3FA0] =	sst lr;
	_ =	strace $0xD0000000  }
0x3: {  	_ = 	snop  }
0x4: {  	_ = 	snop  }
0x5: {  	_ = 	snop  }
0x6: {  	_ = 	snop  }
0x7: {  	_ = 	snop  }
__scs_overlays_trampoline_lowered:
0x8: {  	[smem:$0x3FAF] =	sst s0  }
0x9: {  	[smem:$0x3FB0] =	sst s1  }
0xa: {  	[smem:$0x3FB1] =	sst s2  }
0xb: {  	[smem:$0x3FB2] =	sst s3  }
0xc: {  	[smem:$0x3FB3] =	sst s4  }
0xd: {  	[smem:$0x3FB4] =	sst s5  }
0xe: {  	[smem:$0x3FB5] =	sst s6  }
0xf: {  	[smem:$0x3FB6] =	sst s7  }
0x10: {  	[smem:$0x3FB7] =	sst s8  }
0x11: {  	[smem:$0x3FB8] =	sst s9;
	s0 =	simm.s32 @!p0 $0x0  }
0x12: {  	s1 =	sld [smem:$0x3F9E];
	s0 =	simm.s32 @p0 $0x1  }
0x13: {  	[smem:$0x3FB9] =	sst s0;
	s0 =	simm.s32 @!p1 $0x0  }
0x14: {  	s2 =	sld [smem:$0x3F9D];
	s0 =	simm.s32 @p1 $0x1  }
0x15: {  	[smem:$0x3FBA] =	sst s0;
	s0 =	simm.s32 @!p2 $0x0  }
0x16: {  	s3 =	sld [smem:$0x3FDB];
	s0 =	simm.s32 @p2 $0x1  }
0x17: {  	s4 =	simm.s32 $0x1BF5;
	[smem:$0x3FBC] =	sst s0  }
0x18: {  	s0 =	sld [smem:$0x3F9F];
	_ =	swait.ge [sflag:s4], $0x0  }
0x19: {  	s7 =	sld [smem:$0x3FA0]  }
0x1a: {  	s8 =	sadd.s32 $0xFFFFE003, lr  }
0x1b: {  	s9 =	sadd.s32 $0xFFFFFEF7, lr;
	s5 =	simm.s32 $0xFFFFFFFF;
	p2 =	slt.u32 s8, $0xFFFFF086  }
0x1c: {  	p1 =	slt.u32 s9, $0xF7A;
	s5 =	simm.s32 @!p2 $0x0  }
0x1d: {  	s5 =	simm.s32 @p1 $0x1;
	p0 =	seq.s32 s7, s2  }
0x1e: {  	s7 =	smul.u32 @!p0 $0xF7A, s2;
	p2 =	seq.s32 @!p0 s5, $0x0  }
0x1f: {  	s9 =	smul.u32 $0xF7A, s1;
	s8 =	simm.s32 @!p0 $0x1BF5;
	p2 =	por !p2, p0  }
0x20: {  	[sflag:s8] =	ssyncset.s32 @!p0 $0xFFFFF086;
	s6 =	sadd.s32 @!p0 s3, s7;
	s7 =	simm.s32 @!p0 $0x108  }
0x21: {  	s3 =	sadd.s32 s3, s9;
	s6 =	sadd.s32 @!p0 $0x88, s6;
	s7 =	simm.s32 @p2 $0x1082  }
0x22: {  	[simem:s7], [sflag:s8] =	dma.local @!p0 [hbm:s6], $0xF7A  }
0x23: {  	s9 =	sor.u32 $0xD0000000, s2;
	s6 =	simm.s32 $0x108;
	_ =	swait.ge @!p0 [sflag:s8], $0x0  }
0x24: {  	s3 =	sadd.s32 $0x88, s3;
	s6 =	simm.s32 @!p1 $0x1082;
	[sflag:s4] =	ssyncset.s32 $0xFFFFF086  }
0x25: {  	[simem:s6], [sflag:s4] =	dma.local [hbm:s3], $0xF7A  }
0x26: {  	[smem:$0x3FA0] =	sst s1;
	(tag) =	ssettag s2;
	_ =	strace s9  }
0x27: {  	s1 =	sld [smem:$0x3FB0]  }
0x28: {  	s2 =	sld [smem:$0x3FB1]  }
0x29: {  	s4 =	sld [smem:$0x3FB3]  }
0x2a: {  	p0 =	seq.s32 s5, $0x0;
	s5 =	sld [smem:$0x3FB4]  }
0x2b: {  	s6 =	sld [smem:$0x3FB5]  }
0x2c: {  	s7 =	sld [smem:$0x3FB6]  }
0x2d: {  	s3 =	simm.s32 $0x108;
	s8 =	sld [smem:$0x3FB7]  }
0x2e: {  	s3 =	simm.s32 @!p0 $0x1082;
	s9 =	sld [smem:$0x3FB8]  }
0x2f: {  	lr =	sadd.s32 s0, s3;
	s0 =	sld [smem:$0x3FAF]  }
0x30: {  	s3 =	sld [smem:$0x3FB2]  }
0x31: {  	[smem:$0x3FBB] =	sst s10  }
0x32: {  	s10 =	sld [smem:$0x3FB9];
	_ =	sdelay $0x3  }
0x33: {  	p0 =	seq.s32 s10, $0x1;
	s10 =	sld [smem:$0x3FBB];
	_ =	sdelay $0x3  }
0x34: {  	[smem:$0x3FBB] =	sst s10  }
0x35: {  	s10 =	sld [smem:$0x3FBA];
	_ =	sdelay $0x3  }
0x36: {  	p1 =	seq.s32 s10, $0x1;
	s10 =	sld [smem:$0x3FBB];
	_ =	sdelay $0x3  }
0x37: {  	[smem:$0x3FBB] =	sst s10  }
0x38: {  	s10 =	sld [smem:$0x3FBC]  }
0x39: {  	_ = 	snop;
	(pc) =	sbr.ind lr, $3  }
0x3a: {  	_ = 	snop  }
0x3b: {  	_ = 	snop  }
0x3c: {  	p2 =	seq.s32 s10, $0x1;
	s10 =	sld [smem:$0x3FBB]  }
0x3d: {  	_ =	shalt  }
0x3e: {  	_ =	shalt  }
0x3f: {  	_ =	shalt  }
0x40: {  	_ =	shalt  }
0x41: {  	_ =	shalt  }
0x42: {  	_ =	shalt  }
0x43: {  	_ =	shalt  }
0x44: {  	_ =	shalt  }
0x45: {  	_ =	shalt  }
0x46: {  	_ =	shalt  }
0x47: {  	_ =	shalt  }
0x48: {  	_ =	shalt  }
0x49: {  	_ =	shalt  }
0x4a: {  	_ =	shalt  }
0x4b: {  	_ =	shalt  }
0x4c: {  	_ =	shalt  }
0x4d: {  	_ =	shalt  }
0x4e: {  	_ =	shalt  }
0x4f: {  	_ =	shalt  }
0x50: {  	_ =	shalt  }
0x51: {  	_ =	shalt  }
0x52: {  	_ =	shalt  }
0x53: {  	_ =	shalt  }
0x54: {  	_ =	shalt  }
0x55: {  	_ =	shalt  }
0x56: {  	_ =	shalt  }
0x57: {  	_ =	shalt  }
0x58: {  	_ =	shalt  }
0x59: {  	_ =	shalt  }
0x5a: {  	_ =	shalt  }
0x5b: {  	_ =	shalt  }
0x5c: {  	_ =	shalt  }
0x5d: {  	_ =	shalt  }
0x5e: {  	_ =	shalt  }
0x5f: {  	_ =	shalt  }
0x60: {  	_ =	shalt  }
0x61: {  	_ =	shalt  }
0x62: {  	_ =	shalt  }
0x63: {  	_ =	shalt  }
0x64: {  	_ =	shalt  }
0x65: {  	_ =	shalt  }
0x66: {  	_ =	shalt  }
0x67: {  	_ =	shalt  }
0x68: {  	_ =	shalt  }
0x69: {  	_ =	shalt  }
0x6a: {  	_ =	shalt  }
0x6b: {  	_ =	shalt  }
0x6c: {  	_ =	shalt  }
0x6d: {  	_ =	shalt  }
0x6e: {  	_ =	shalt  }
0x6f: {  	_ =	shalt  }
0x70: {  	_ =	shalt  }
0x71: {  	_ =	shalt  }
0x72: {  	_ =	shalt  }
0x73: {  	_ =	shalt  }
0x74: {  	_ =	shalt  }
0x75: {  	_ =	shalt  }
0x76: {  	_ =	shalt  }
0x77: {  	_ =	shalt  }
0x78: {  	_ =	shalt  }
0x79: {  	_ =	shalt  }
0x7a: {  	_ =	shalt  }
0x7b: {  	_ =	shalt  }
0x7c: {  	_ =	shalt  }
0x7d: {  	_ =	shalt  }
0x7e: {  	_ =	shalt  }
0x7f: {  	_ =	shalt  }
0x80: {  	_ =	shalt  }
0x81: {  	_ =	shalt  }
0x82: {  	_ =	shalt  }
0x83: {  	_ =	shalt  }
0x84: {  	_ =	shalt  }
0x85: {  	_ =	shalt  }
0x86: {  	_ =	shalt  }
0x87: {  	_ =	shalt  }
.Lfunc_end0:
.L_simem_size_0:
called_computation_lowered:
.L_overlay_start_0:
0x88: {  	s2 =	sld [smem:$0x3FD9]  }
0x89: {  	s3 =	sld [smem:$0x3FFE];
	_ =	sdelay $0x1  }
0x8a: {  	s1 =	srdreg.scid  }
0x8b: {  	s0 =	sand.u32 $0x1, s1  }
0x8c: {  	s17 =	sshll.u32 s0, $0xA;
	s2 =	sadd.s32 s3, s2  }
0x8d: {  	s2 =	sadd.s32 s2, s17  }
0x8e: {  	[smem:$0x3FC7] =	sst s2  }
0x8f: {  	_ = 	snop  }
0x90: {  	s2 =	sld [smem:$0x3FC9];
	(tm) =	ssettm $0x1  }
0x91: {  	s18 =	sld [smem:$0x3FFB];
	_ =	sdelay $0x3  }
0x92: {  	_ =	strace s18  }
0x93: {  	s3 =	sld [smem:$0x3FFC];
	_ =	sdelay $0x3  }
0x94: {  	_ =	strace s3  }
0x95: {  	s3 =	sld [smem:$0x3FFD];
	_ =	sdelay $0x3  }
0x96: {  	_ =	strace s3  }
0x97: {  	_ =	strace $0x8FFFFFFF  }
0x98: {  	s19 =	sld [smem:$0x3FDB];
	_ =	sdelay $0x1  }
0x99: {  	s4 =	simm.s32 $_scs_section_size  }
0x9a: {  	s5 =	simm.s32 $_size__tile_overlayer_lowered;
	s6 =	simm.s32 $_tile_overlayer_lowered  }
0x9b: {  	s22 =	simm.s32 $0x1BFF;
	s21 =	sshll.u32 s6, $0x1;
	s3 =	sadd.s32 s4, s19  }
0x9c: {  	s7 =	simm.s32 $0x0;
	s20 =	sshll.u32 s5, $0x1;
	s5 =	sadd.s32 s21, s3  }
0x9d: {  	[timem:s7], [sflag:s22] =	dma.local [hbm:s5], s20  }
0x9e: {  	_ =	swait.ge [sflag:s22], s20  }
0x9f: {  	s4 =	ssub.s32 $0x0, s20;
	[sflag:s22] =	ssyncset.done $0x0  }
0xa0: {  	[sflag:s22] =	ssyncadd.s32 s4;
	_ =	sdelay $0x1  }
0xa1: {  	s23 =	simm.s32 $0x1B8B  }
0xa2: {  	_ =	swait.ge [sflag:s23], $0x1  }
0xa3: {  	[sflag:s23] =	ssyncset.done $0x0  }
0xa4: {  	s25 =	simm.s32 $0x1B8E;
	s24 =	sld [smem:$0x3FFE];
	[sflag:s23] =	ssyncadd.s32 $0xFFFFFFFF  }
0xa5: {  	s26 =	simm.s32 $execute0_lowered;
	[smem:$0x3FD2] =	sst s25  }
0xa6: {  	s5 =	sshll.u32 s26, $0x1;
	_ =	strace $0x80000046;
	[dreg:$0x1] =	wrdreg $0xFFFFFFFF  }
0xa7: {  	s28 =	simm.s32 $_size_execute0_lowered;
	s3 =	sadd.s32 s3, s5;
	[dreg:$0x0] =	wrdreg $0x0  }
0xa8: {  	s5 =	sshll.u32 s28, $0x1;
	[dreg:$0x2] =	wrdreg s3  }
0xa9: {  	[dreg:$0x3] =	wrdreg s5  }
0xaa: {  	[dreg:$0x4] =	wrdreg $0xC0  }
0xab: {  	_ =	task [dreg:s7], $0x5FFFF  }
0xac: {  	[dreg:$0x1] =	wrdreg $0xFFFFFFFF  }
0xad: {  	[dreg:$0x0] =	wrdreg $0x60  }
0xae: {  	[dreg:$0x2] =	wrdreg s2  }
0xaf: {  	[dreg:$0x3] =	wrdreg s24  }
0xb0: {  	[dreg:$0x4] =	wrdreg $0x9  }
0xb1: {  	_ =	task.clear_ibuf [dreg:s7], $0x5FFFF;
	_ =	strace $0x90000046  }
0xb2: {  	s29 =	simm.s32 $0x9;
	_ =	strace $0x80000048  }
0xb3: {  	_ =	swait.ge [sflag:s29], $0x1  }
0xb4: {  	[sflag:s29] =	ssyncadd.s32 $0xFFFFFFFF  }
0xb5: {  	_ =	strace $0x90000048  }
0xb6: {  	_ =	sfence  }
0xb7: {  	s30 =	sld [smem:$0x0];
	_ =	sdelay $0x2  }
0xb8: {  	s31 =	sshll.u32 s1, $0xD;
	s1 =	sshrl.u32 s1, $0x2  }
0xb9: {  	s3 =	sand.u32 $0x4000, s31;
	s1 =	sadd.s32 s1, s30  }
0xba: {  	s0 =	sor.u32 s3, s0;
	s1 =	sshll.u32 s1, $0x11  }
0xbb: {  	s0 =	sor.u32 s1, s0  }
0xbc: {  	s0 =	sadd.s32 $0x8F2B, s0  }
0xbd: {  	[sflag:s0] =	ssyncadd.remote.s32 $0x1  }
0xbe: {  	_ =	sfence.sel $0xFFFF  }
0xbf: {  	[dreg:$0x0] =	wrdreg $0xFFFFFFFF;
	(pc) =	sbr.abs _section_cstart, $3  }
0xc0: {  	[dreg:$0x1] =	wrdreg $0xFFFFFFFF  }
0xc1: {  	_ =	task.clear_ibuf [dreg:s7], $0x2FFFF;
	_ =	strace $0x9FFFFFFF  }
0xc2: {  	(tm) =	ssettm $0x7FFFFFFF  }
0xc3: {  	_ =	shalt  }
tec
execute0_lowered:
.L_overlay_start_1:
0x0: {  	(tag) =	ssettag $0x1  }
0x1: {  	s6 =	rddreg [dreg:$0x0]  }
0x2: {  	s3 =	rddreg [dreg:$0x1]  }
0x3: {  	s0 =	rddreg [dreg:$0x2]  }
0x4: {  	s4 =	srdreg.scid;
	s1 =	stileid.u32  }
0x5: {  	s2 =	simm.s32 $0x0;
	s9 =	simm.s32 $0x8000;
	s10 =	simm.s32 $0x1  }
0x6: {  	s11 =	simm.s32 $0x2;
	s12 =	simm.s32 $0x10300;
	s13 =	simm.s32 $0x3  }
0x7: {  	s14 =	simm.s32 $0x0;
	s4 =	sand.u32 $0x1, s4;
	s5 =	sshll.u32 s1, $0x1  }
.Ltmp0:
0x8: {  	[smem:$0x7FF] =	sst s2;
	s5 =	sor.u32 s4, s5;
	(pc) =	sbr.rel .LBB2_1-.Ltmp0, $4  }
0x9: {  	_ =	strace $0x80000047;
	s4 =	ssub.s32 $0x2, s4;
	s7 =	sshll.u32 s5, $0x4  }
0xa: {  	s8 =	sshrl.u32 s4, $0x1;
	s7 =	sadd.s32 s7, s3;
	s3 =	sshll.u32 s5, $0xF  }
0xb: {  	s8 =	ssub.s32 s4, s8;
	s5 =	sadd.s32 $0x1000, s6;
	s4 =	sadd.s32 s6, s3  }
0xc: {  	v0 =	vimm.f32 $0.0e+00;
	v1 =	vlaneseq.u32;
	s6 =	sadd.s32 $0x2000, s6;
	s7 =	sadd.s32 $0x400, s7;
	s8 =	smax.u32 s8, $0x1  }
.LBB2_11:
0xd: {  	s14 =	sadd.s32 $0x1, s14  }
0xe: {  	p0 =	sne.s32 s14, s8  }
.Ltmp1:
0xf: {  	_ = 	snop;
	(pc) =	sbr.rel @!p0 .LBB2_12-.Ltmp1, $4  }
0x10: {  	[hbm4b:s7+s2] =	stream.linear.scatter [tilespmem:s12], [sflag:$0x3], $0x80, $0x38;
	[tilespmem:$0x10380] =	vst v63  }
0x11: {  	_ =	swait.ge [sflag:s13], $0x80  }
0x12: {  	[sflag:s13] =	ssyncset.done $0x0  }
0x13: {  	[sflag:s13] =	ssyncadd.s32 $0xFFFFFF80  }
.LBB2_1:
.Ltmp2:
0x14: {  	(pc) =	sbr.rel .LBB2_2-.Ltmp2, $3  }
0x15: {  	_ =	sdelay $0x1  }
0x16: {  	[tilespmem:$0x10300] =	vst v0;
	s15 =	simm.s32 $0x0  }
0x17: {  	[tilespmem:s2], [sflag:$0x1] =	stream.linear.gather [hbm4b:s4+s2], $0x8000, $0x38;
	[tilespmem:$0x10380] =	vst v63  }
.LBB2_10:
0x18: {  	v2 =	vld [tilespmem:$0x10300];
	p0 =	seq.s32 s18, $0x0;
	s17 =	simm.f32 $1.000000000e+00  }
0x19: {  	s17 =	simm.s32 @!p0 $0x0;
	p0 =	sne.s32 s16, $0x4  }
.Ltmp3:
0x1a: {  	_ = 	snop;
	(pc) =	sbr.rel @!p0 .LBB2_11-.Ltmp3, $4  }
0x1b: {  	v3 =	vmov s15  }
0x1c: {  	vm0 =	veq.s32 v3, v1  }
0x1d: {  	v2 =	vsel vm0, s17, v2  }
0x1e: {  	s15 =	smov.u32 s16;
	[tilespmem:$0x10300] =	vst v2  }
.LBB2_2:
0x1f: {  	s16 =	sshll.u32 s15, $0xD  }
0x20: {  	s16 =	sadd.s32 s3, s16  }
0x21: {  	s17 =	simm.s32 $0x0;
	s18 =	sadd.s32 s16, s5  }
0x22: {  	[tilespmem:s9], [sflag:$0x2] =	stream.linear.gather [hbm4b:s18+s17], $0x8000, $0x38;
	[tilespmem:$0x10380] =	vst v63  }
0x23: {  	_ =	swait.ge [sflag:s10], $0x8000  }
0x24: {  	s31 =	sand.u32 $0x7800, s17;
	s19 =	sand.u32 $0x300, s17;
	[sflag:s10] =	ssyncset.done $0x0  }
0x25: {  	s18 =	sor.u32 s19, s31;
	[sflag:s10] =	ssyncadd.s32 $0xFFFF8000  }
0x26: {  	v3 =	vld [tilespmem:s18+$0x0]  }
0x27: {  	v4 =	vld [tilespmem:s18+$0x10]  }
0x28: {  	v5 =	vld [tilespmem:s18+$0x80]  }
0x29: {  	v6 =	vld [tilespmem:s18+$0x90]  }
0x2a: {  	v7 =	vld [tilespmem:s18+$0x20]  }
0x2b: {  	v9 =	vld [tilespmem:s18+$0x30]  }
0x2c: {  	v11 =	vld [tilespmem:s18+$0xA0]  }
0x2d: {  	v2 =	vimm.f32 $0.0e+00;
	v14 =	vld [tilespmem:s18+$0xB0];
	v8 =	vmul.f32 v3, v3;
	v10 =	vmul.f32 v4, v4  }
0x2e: {  	v16 =	vld [tilespmem:s18+$0x40];
	v3 =	vadd.f32 v3, v2;
	v12 =	vmul.f32 v5, v5;
	v4 =	vadd.f32 v4, v2  }
0x2f: {  	v17 =	vld [tilespmem:s18+$0x50];
	v13 =	vmul.f32 v6, v6;
	v8 =	vadd.f32 v8, v2;
	v10 =	vadd.f32 v10, v2  }
0x30: {  	v19 =	vld [tilespmem:s18+$0x70];
	v15 =	vmul.f32 v7, v7;
	v21 =	vadd.f32 v5, v3;
	v5 =	vadd.f32 v7, v2  }
0x31: {  	v20 =	vld [tilespmem:s18+$0x400];
	v3 =	vmul.f32 v9, v9;
	v9 =	vadd.f32 v9, v2;
	v22 =	vadd.f32 v12, v8  }
0x32: {  	v7 =	vmul.f32 v11, v11;
	v12 =	vadd.f32 v6, v4;
	v13 =	vadd.f32 v13, v10;
	v4 =	vld [tilespmem:s18+$0xC0]  }
0x33: {  	v6 =	vadd.f32 v15, v2;
	v8 =	vld [tilespmem:s18+$0xD0];
	v3 =	vadd.f32 v3, v2;
	v15 =	vmul.f32 v14, v14  }
0x34: {  	v18 =	vmul.f32 v16, v16;
	v10 =	vld [tilespmem:s18+$0x60];
	v23 =	vadd.f32 v11, v5;
	v14 =	vadd.f32 v14, v9  }
0x35: {  	v29 =	vld [tilespmem:s18+$0x410];
	v5 =	vmul.f32 v17, v17;
	v24 =	vadd.f32 v7, v6;
	v15 =	vadd.f32 v15, v3  }
0x36: {  	v32 =	vimm.f32 $0.0e+00;
	v37 =	vld [tilespmem:s18+$0x430];
	v6 =	vadd.f32 v16, v2;
	v7 =	vadd.f32 v18, v2  }
0x37: {  	v31 =	vmul.f32 v20, v20;
	v3 =	vld [tilespmem:s18+$0xE0];
	v16 =	vadd.f32 v17, v2;
	v5 =	vadd.f32 v5, v2  }
0x38: {  	v11 =	vld [tilespmem:s18+$0xF0];
	v9 =	vmul.f32 v4, v4;
	v17 =	vmul.f32 v8, v8;
	v25 =	vadd.f32 v4, v6  }
0x39: {  	v30 =	vld [tilespmem:s18+$0x420];
	v18 =	vmul.f32 v10, v10;
	v16 =	vadd.f32 v8, v16;
	v6 =	vadd.f32 v10, v2  }
0x3a: {  	v4 =	vmul.f32 v19, v19;
	v10 =	vadd.f32 v19, v2;
	v26 =	vadd.f32 v9, v7  }
0x3b: {  	v38 =	vld [tilespmem:s18+$0x4A0];
	v41 =	vmul.f32 v37, v37;
	v17 =	vadd.f32 v17, v5;
	v7 =	vadd.f32 v18, v2  }
0x3c: {  	v5 =	vld [tilespmem:s18+$0x480];
	v8 =	vmul.f32 v3, v3;
	v4 =	vadd.f32 v4, v2;
	v27 =	vadd.f32 v3, v6  }
0x3d: {  	v19 =	vmul.f32 v11, v11;
	v9 =	vld [tilespmem:s18+$0x490];
	v18 =	vadd.f32 v11, v10;
	v6 =	vadd.f32 v31, v2  }
0x3e: {  	v3 =	vmul.f32 v29, v29;
	v31 =	vadd.f32 v30, v2;
	v28 =	vadd.f32 v8, v7  }
0x3f: {  	v19 =	vadd.f32 v19, v4;
	v8 =	vadd.f32 v29, v2;
	v29 =	vmul.f32 v30, v30  }
0x40: {  	v42 =	vmul.f32 v38, v38;
	v4 =	vadd.f32 v20, v2;
	v3 =	vadd.f32 v3, v2  }
0x41: {  	v40 =	vld [tilespmem:s18+$0x4B0];
	v30 =	vimm.f32 $0.0e+00;
	v33 =	vadd.f32 v29, v2;
	v29 =	vimm.f32 $0.0e+00  }
0x42: {  	v39 =	vld [tilespmem:s18+$0x440];
	v7 =	vmul.f32 v5, v5;
	v20 =	vmul.f32 v9, v9;
	v10 =	vadd.f32 v5, v4  }
0x43: {  	v34 =	vld [tilespmem:s18+$0x450];
	v8 =	vadd.f32 v9, v8;
	v4 =	vimm.f32 $0.0e+00;
	v5 =	vimm.f32 $0.0e+00  }
0x44: {  	v35 =	vld [tilespmem:s18+$0x4C0];
	v11 =	vadd.f32 v7, v6;
	v9 =	vadd.f32 v20, v3;
	v20 =	vimm.f32 $0.0e+00  }
0x45: {  	s19 =	simm.s32 $0x100;
	v36 =	vld [tilespmem:s18+$0x4D0];
	v6 =	vimm.f32 $0.0e+00;
	v7 =	vimm.f32 $0.0e+00;
	v3 =	vimm.f32 $0.0e+00  }
.LBB2_3:
0x46: {  	p0 =	sne.s32 s19, $0x3F00;
	v2 =	vadd.f32 v37, v2;
	v30 =	vadd.f32 v41, v30;
	v37 =	vld [tilespmem:s18+$0x460];
	v41 =	vmul.f32 v40, v40  }
0x47: {  	s17 =	sadd.s32 $0x200, s17;
	v43 =	vmul.f32 v39, v39;
	v44 =	vld [tilespmem:s18+$0x470];
	v31 =	vadd.f32 v38, v31;
	v33 =	vadd.f32 v42, v33  }
0x48: {  	s21 =	sand.u32 $0x300, s19;
	s20 =	sand.u32 $0x7800, s17;
	v38 =	vmul.f32 v34, v34;
	v2 =	vadd.f32 v40, v2;
	v30 =	vadd.f32 v41, v30;
	v40 =	vld [tilespmem:s18+$0x4E0]  }
0x49: {  	v20 =	vadd.f32 v39, v20;
	v29 =	vadd.f32 v43, v29;
	v39 =	vmul.f32 v35, v35;
	v41 =	vld [tilespmem:s18+$0x4F0];
	s18 =	sor.u32 s21, s20  }
0x4a: {  	v6 =	vadd.f32 v34, v6;
	v42 =	vld [tilespmem:s18+$0x0];
	v7 =	vadd.f32 v38, v7;
	v34 =	vmul.f32 v36, v36  }
0x4b: {  	v20 =	vadd.f32 v35, v20;
	v38 =	vld [tilespmem:s18+$0x10];
	v43 =	vmul.f32 v37, v37;
	v29 =	vadd.f32 v39, v29  }
0x4c: {  	v6 =	vadd.f32 v36, v6;
	v35 =	vld [tilespmem:s18+$0x80];
	v39 =	vmul.f32 v44, v44;
	v7 =	vadd.f32 v34, v7  }
0x4d: {  	v3 =	vadd.f32 v37, v3;
	v34 =	vld [tilespmem:s18+$0x90];
	v32 =	vadd.f32 v43, v32;
	v36 =	vmul.f32 v40, v40  }
0x4e: {  	v4 =	vadd.f32 v44, v4;
	v37 =	vld [tilespmem:s18+$0x20];
	v5 =	vadd.f32 v39, v5;
	v39 =	vmul.f32 v41, v41  }
0x4f: {  	v3 =	vadd.f32 v40, v3;
	v43 =	vmul.f32 v42, v42;
	v44 =	vld [tilespmem:s18+$0x30];
	v32 =	vadd.f32 v36, v32  }
0x50: {  	v4 =	vadd.f32 v41, v4;
	v36 =	vmul.f32 v38, v38;
	v40 =	vld [tilespmem:s18+$0xA0];
	v5 =	vadd.f32 v39, v5  }
0x51: {  	v21 =	vadd.f32 v42, v21;
	v22 =	vadd.f32 v43, v22;
	v39 =	vmul.f32 v35, v35;
	v41 =	vld [tilespmem:s18+$0xB0]  }
0x52: {  	v12 =	vadd.f32 v38, v12;
	v13 =	vadd.f32 v36, v13;
	v36 =	vld [tilespmem:s18+$0x40];
	v38 =	vmul.f32 v34, v34  }
0x53: {  	v21 =	vadd.f32 v35, v21;
	v42 =	vmul.f32 v37, v37;
	v43 =	vld [tilespmem:s18+$0x50];
	v22 =	vadd.f32 v39, v22  }
0x54: {  	v12 =	vadd.f32 v34, v12;
	v35 =	vmul.f32 v44, v44;
	v13 =	vadd.f32 v38, v13;
	v34 =	vld [tilespmem:s18+$0xC0]  }
0x55: {  	v23 =	vadd.f32 v37, v23;
	v24 =	vadd.f32 v42, v24;
	v37 =	vmul.f32 v40, v40;
	v38 =	vld [tilespmem:s18+$0xD0]  }
0x56: {  	v14 =	vadd.f32 v44, v14;
	v15 =	vadd.f32 v35, v15;
	v35 =	vld [tilespmem:s18+$0x60];
	v39 =	vmul.f32 v41, v41  }
0x57: {  	v23 =	vadd.f32 v40, v23;
	v42 =	vmul.f32 v36, v36;
	v44 =	vld [tilespmem:s18+$0x70];
	v24 =	vadd.f32 v37, v24  }
0x58: {  	v14 =	vadd.f32 v41, v14;
	v37 =	vmul.f32 v43, v43;
	v15 =	vadd.f32 v39, v15;
	v39 =	vld [tilespmem:s18+$0xE0]  }
0x59: {  	v25 =	vadd.f32 v36, v25;
	v26 =	vadd.f32 v42, v26;
	v36 =	vmul.f32 v34, v34;
	v40 =	vld [tilespmem:s18+$0xF0]  }
0x5a: {  	v16 =	vadd.f32 v43, v16;
	v17 =	vadd.f32 v37, v17;
	v41 =	vld [tilespmem:s18+$0x400];
	v37 =	vmul.f32 v38, v38  }
0x5b: {  	v25 =	vadd.f32 v34, v25;
	v42 =	vmul.f32 v35, v35;
	v43 =	vld [tilespmem:s18+$0x410];
	v26 =	vadd.f32 v36, v26  }
0x5c: {  	v16 =	vadd.f32 v38, v16;
	v34 =	vmul.f32 v44, v44;
	v17 =	vadd.f32 v37, v17;
	v36 =	vld [tilespmem:s18+$0x480]  }
0x5d: {  	v27 =	vadd.f32 v35, v27;
	v28 =	vadd.f32 v42, v28;
	v35 =	vmul.f32 v39, v39;
	v42 =	vld [tilespmem:s18+$0x490]  }
0x5e: {  	v18 =	vadd.f32 v44, v18;
	v19 =	vadd.f32 v34, v19;
	v44 =	vld [tilespmem:s18+$0x420];
	v34 =	vmul.f32 v40, v40  }
0x5f: {  	v27 =	vadd.f32 v39, v27;
	v45 =	vmul.f32 v41, v41;
	v37 =	vld [tilespmem:s18+$0x430];
	v28 =	vadd.f32 v35, v28  }
0x60: {  	v18 =	vadd.f32 v40, v18;
	v35 =	vmul.f32 v43, v43;
	v19 =	vadd.f32 v34, v19;
	v38 =	vld [tilespmem:s18+$0x4A0]  }
.Ltmp4:
0x61: {  	v10 =	vadd.f32 v41, v10;
	v11 =	vadd.f32 v45, v11;
	v41 =	vmul.f32 v36, v36;
	v40 =	vld [tilespmem:s18+$0x4B0];
	(pc) =	sbr.rel @p0 .LBB2_3-.Ltmp4, $4  }
0x62: {  	v8 =	vadd.f32 v43, v8;
	v9 =	vadd.f32 v35, v9;
	v39 =	vld [tilespmem:s18+$0x440];
	v35 =	vmul.f32 v42, v42  }
0x63: {  	v10 =	vadd.f32 v36, v10;
	v43 =	vmul.f32 v44, v44;
	v34 =	vld [tilespmem:s18+$0x450];
	v11 =	vadd.f32 v41, v11  }
0x64: {  	v8 =	vadd.f32 v42, v8;
	v41 =	vmul.f32 v37, v37;
	v9 =	vadd.f32 v35, v9;
	v35 =	vld [tilespmem:s18+$0x4C0]  }
0x65: {  	s19 =	sadd.s32 $0x100, s19;
	v31 =	vadd.f32 v44, v31;
	v33 =	vadd.f32 v43, v33;
	v42 =	vmul.f32 v38, v38;
	v36 =	vld [tilespmem:s18+$0x4D0]  }
0x66: {  	v43 =	vld [tilespmem:s18+$0x460]  }
0x67: {  	v44 =	vld [tilespmem:s18+$0x470];
	p0 =	seq.s32 s15, $0x3  }
0x68: {  	v45 =	vld [tilespmem:s18+$0x4E0];
	s16 =	sadd.s32 @!p0 s16, s6;
	s17 =	simm.s32 @!p0 $0x0  }
0x69: {  	v46 =	vld [tilespmem:s18+$0x4F0];
	v2 =	vadd.f32 v37, v2;
	[tilespmem:s17], [sflag:$0x1] =	stream.linear.gather @!p0 [hbm4b:s16+s17], $0x8000, $0x38  }
0x6a: {  	v30 =	vadd.f32 v41, v30;
	v53 =	vmul.f32 v40, v40;
	s18 =	simm.s32 $0x0;
	v47 =	vadd.f32 v38, v31;
	_ =	swait.ge [sflag:s11], $0x8000  }
0x6b: {  	v42 =	vadd.f32 v42, v33;
	v54 =	vmul.f32 v39, v39;
	s30 =	sand.u32 $0x7800, s18;
	s31 =	sand.u32 $0x300, s18;
	v20 =	vadd.f32 v39, v20;
	[sflag:s11] =	ssyncset.done $0x0  }
0x6c: {  	v31 =	vadd.f32 v40, v2;
	v2 =	vmul.f32 v34, v34;
	v30 =	vadd.f32 v53, v30;
	s17 =	sor.u32 s31, s30;
	[sflag:s11] =	ssyncadd.s32 $0xFFFF8000  }
0x6d: {  	v6 =	vadd.f32 v34, v6;
	v33 =	vadd.f32 v54, v29;
	v57 =	vld [tilespmem:s17+$0x8000]  }
0x6e: {  	v55 =	vmul.f32 v35, v35;
	v29 =	vadd.f32 v35, v20;
	v2 =	vadd.f32 v2, v7;
	v59 =	vld [tilespmem:s17+$0x8010]  }
0x6f: {  	v56 =	vmul.f32 v36, v36;
	v7 =	vadd.f32 v36, v6;
	v58 =	vmul.f32 v43, v43;
	v61 =	vld [tilespmem:s17+$0x8080]  }
0x70: {  	v20 =	vadd.f32 v55, v33;
	v60 =	vmul.f32 v44, v44;
	v44 =	vadd.f32 v44, v4;
	v63 =	vld [tilespmem:s17+$0x8090]  }
0x71: {  	v62 =	vmul.f32 v45, v45;
	v6 =	vadd.f32 v56, v2;
	v2 =	vadd.f32 v43, v3;
	v51 =	vld [tilespmem:s17+$0x8030]  }
0x72: {  	v48 =	vmul.f32 v46, v46;
	v56 =	vld [tilespmem:s17+$0x8040];
	v3 =	vadd.f32 v58, v32;
	v35 =	vadd.f32 v60, v5  }
0x73: {  	v49 =	vld [tilespmem:s17+$0x8020];
	v5 =	vadd.f32 v45, v2;
	v2 =	vadd.f32 v46, v44  }
0x74: {  	v53 =	vld [tilespmem:s17+$0x80A0];
	v4 =	vadd.f32 v62, v3;
	v3 =	vadd.f32 v48, v35  }
0x75: {  	v55 =	vld [tilespmem:s17+$0x80B0];
	v50 =	vmul.f32 v57, v57;
	v52 =	vmul.f32 v59, v59;
	v21 =	vadd.f32 v57, v21  }
0x76: {  	v54 =	vmul.f32 v61, v61;
	v12 =	vadd.f32 v59, v12;
	v59 =	vld [tilespmem:s17+$0x8050];
	v14 =	vadd.f32 v51, v14  }
0x77: {  	v60 =	vld [tilespmem:s17+$0x80C0];
	v48 =	vmul.f32 v56, v56;
	v22 =	vadd.f32 v50, v22;
	v13 =	vadd.f32 v52, v13  }
0x78: {  	v62 =	vld [tilespmem:s17+$0x8060];
	v57 =	vmul.f32 v63, v63;
	v33 =	vadd.f32 v61, v21;
	v21 =	vadd.f32 v63, v12  }
0x79: {  	v58 =	vmul.f32 v49, v49;
	v61 =	vld [tilespmem:s17+$0x80D0];
	v26 =	vadd.f32 v48, v26;
	v32 =	vadd.f32 v54, v22  }
0x7a: {  	v52 =	vld [tilespmem:s17+$0x8400];
	v22 =	vmul.f32 v51, v51;
	v12 =	vadd.f32 v57, v13;
	v13 =	vadd.f32 v49, v23  }
0x7b: {  	v23 =	vadd.f32 v58, v24;
	v24 =	vmul.f32 v53, v53;
	v16 =	vadd.f32 v59, v16  }
0x7c: {  	v63 =	vmul.f32 v55, v55;
	v49 =	vld [tilespmem:s17+$0x8070];
	v15 =	vadd.f32 v22, v15;
	v34 =	vadd.f32 v53, v13  }
0x7d: {  	v50 =	vmul.f32 v60, v60;
	v51 =	vld [tilespmem:s17+$0x80F0];
	v23 =	vadd.f32 v24, v23;
	v22 =	vadd.f32 v55, v14  }
0x7e: {  	v24 =	vmul.f32 v59, v59;
	v14 =	vadd.f32 v56, v25;
	v55 =	vld [tilespmem:s17+$0x8410];
	v16 =	vadd.f32 v61, v16  }
0x7f: {  	v54 =	vmul.f32 v62, v62;
	v10 =	vadd.f32 v52, v10;
	v13 =	vadd.f32 v63, v15;
	v15 =	vld [tilespmem:s17+$0x80E0]  }
0x80: {  	v53 =	vmul.f32 v61, v61;
	v17 =	vadd.f32 v24, v17;
	v25 =	vadd.f32 v60, v14  }
0x81: {  	v56 =	vld [tilespmem:s17+$0x8480];
	v24 =	vadd.f32 v50, v26;
	v26 =	vmul.f32 v49, v49;
	v58 =	vadd.f32 v49, v18  }
0x82: {  	v57 =	vld [tilespmem:s17+$0x8490];
	v61 =	vmul.f32 v52, v52;
	v14 =	vadd.f32 v53, v17;
	v17 =	vadd.f32 v62, v27  }
0x83: {  	v59 =	vld [tilespmem:s17+$0x8420];
	v60 =	vmul.f32 v51, v51;
	v27 =	vadd.f32 v54, v28;
	v26 =	vadd.f32 v26, v19  }
0x84: {  	v40 =	vld [tilespmem:s17+$0x8430];
	v8 =	vadd.f32 v55, v8;
	v28 =	vmul.f32 v15, v15;
	v19 =	vadd.f32 v15, v17  }
0x85: {  	v39 =	vld [tilespmem:s17+$0x84A0];
	v15 =	vadd.f32 v60, v26;
	v26 =	vadd.f32 v61, v11  }
0x86: {  	v38 =	vld [tilespmem:s17+$0x84B0];
	v18 =	vadd.f32 v28, v27;
	v27 =	vmul.f32 v55, v55;
	v28 =	vmul.f32 v56, v56  }
0x87: {  	v37 =	vld [tilespmem:s17+$0x8440];
	v62 =	vmul.f32 v57, v57;
	v17 =	vadd.f32 v51, v58;
	v11 =	vadd.f32 v56, v10  }
0x88: {  	v36 =	vld [tilespmem:s17+$0x8450];
	v63 =	vmul.f32 v59, v59;
	v27 =	vadd.f32 v27, v9;
	v10 =	vadd.f32 v28, v26  }
0x89: {  	v35 =	vld [tilespmem:s17+$0x84C0];
	v41 =	vmul.f32 v40, v40;
	v9 =	vadd.f32 v57, v8;
	v26 =	vadd.f32 v59, v47  }
0x8a: {  	s19 =	simm.s32 $0x100;
	s16 =	sadd.s32 $0x1, s15;
	v28 =	vld [tilespmem:s17+$0x84D0];
	v8 =	vadd.f32 v62, v27;
	v27 =	vadd.f32 v63, v42;
	v42 =	vmul.f32 v39, v39  }
.LBB2_5:
0x8b: {  	p0 =	sne.s32 s19, $0x3F00;
	v31 =	vadd.f32 v40, v31;
	v30 =	vadd.f32 v41, v30;
	v40 =	vld [tilespmem:s17+$0x8460];
	v41 =	vmul.f32 v38, v38  }
0x8c: {  	s18 =	sadd.s32 $0x200, s18;
	v43 =	vmul.f32 v37, v37;
	v44 =	vld [tilespmem:s17+$0x8470];
	v26 =	vadd.f32 v39, v26;
	v27 =	vadd.f32 v42, v27  }
0x8d: {  	s21 =	sand.u32 $0x300, s19;
	s20 =	sand.u32 $0x7800, s18;
	v39 =	vmul.f32 v36, v36;
	v31 =	vadd.f32 v38, v31;
	v30 =	vadd.f32 v41, v30;
	v38 =	vld [tilespmem:s17+$0x84E0]  }
0x8e: {  	v29 =	vadd.f32 v37, v29;
	v20 =	vadd.f32 v43, v20;
	v37 =	vmul.f32 v35, v35;
	v41 =	vld [tilespmem:s17+$0x84F0];
	s17 =	sor.u32 s21, s20  }
0x8f: {  	v7 =	vadd.f32 v36, v7;
	v42 =	vld [tilespmem:s17+$0x8000];
	v6 =	vadd.f32 v39, v6;
	v36 =	vmul.f32 v28, v28  }
0x90: {  	v29 =	vadd.f32 v35, v29;
	v39 =	vld [tilespmem:s17+$0x8010];
	v43 =	vmul.f32 v40, v40;
	v20 =	vadd.f32 v37, v20  }
0x91: {  	v7 =	vadd.f32 v28, v7;
	v35 =	vld [tilespmem:s17+$0x8080];
	v37 =	vmul.f32 v44, v44;
	v6 =	vadd.f32 v36, v6  }
0x92: {  	v5 =	vadd.f32 v40, v5;
	v28 =	vld [tilespmem:s17+$0x8090];
	v4 =	vadd.f32 v43, v4;
	v36 =	vmul.f32 v38, v38  }
0x93: {  	v2 =	vadd.f32 v44, v2;
	v40 =	vld [tilespmem:s17+$0x8020];
	v3 =	vadd.f32 v37, v3;
	v37 =	vmul.f32 v41, v41  }
0x94: {  	v5 =	vadd.f32 v38, v5;
	v43 =	vmul.f32 v42, v42;
	v44 =	vld [tilespmem:s17+$0x8030];
	v4 =	vadd.f32 v36, v4  }
0x95: {  	v2 =	vadd.f32 v41, v2;
	v36 =	vmul.f32 v39, v39;
	v38 =	vld [tilespmem:s17+$0x80A0];
	v3 =	vadd.f32 v37, v3  }
0x96: {  	v33 =	vadd.f32 v42, v33;
	v32 =	vadd.f32 v43, v32;
	v37 =	vmul.f32 v35, v35;
	v41 =	vld [tilespmem:s17+$0x80B0]  }
0x97: {  	v21 =	vadd.f32 v39, v21;
	v12 =	vadd.f32 v36, v12;
	v36 =	vld [tilespmem:s17+$0x8040];
	v39 =	vmul.f32 v28, v28  }
0x98: {  	v33 =	vadd.f32 v35, v33;
	v42 =	vmul.f32 v40, v40;
	v43 =	vld [tilespmem:s17+$0x8050];
	v32 =	vadd.f32 v37, v32  }
0x99: {  	v21 =	vadd.f32 v28, v21;
	v35 =	vmul.f32 v44, v44;
	v12 =	vadd.f32 v39, v12;
	v28 =	vld [tilespmem:s17+$0x80C0]  }
0x9a: {  	v34 =	vadd.f32 v40, v34;
	v23 =	vadd.f32 v42, v23;
	v37 =	vmul.f32 v38, v38;
	v39 =	vld [tilespmem:s17+$0x80D0]  }
0x9b: {  	v22 =	vadd.f32 v44, v22;
	v13 =	vadd.f32 v35, v13;
	v35 =	vld [tilespmem:s17+$0x8060];
	v40 =	vmul.f32 v41, v41  }
0x9c: {  	v34 =	vadd.f32 v38, v34;
	v42 =	vmul.f32 v36, v36;
	v44 =	vld [tilespmem:s17+$0x8070];
	v23 =	vadd.f32 v37, v23  }
0x9d: {  	v22 =	vadd.f32 v41, v22;
	v37 =	vmul.f32 v43, v43;
	v13 =	vadd.f32 v40, v13;
	v38 =	vld [tilespmem:s17+$0x80E0]  }
0x9e: {  	v25 =	vadd.f32 v36, v25;
	v24 =	vadd.f32 v42, v24;
	v36 =	vmul.f32 v28, v28;
	v41 =	vld [tilespmem:s17+$0x80F0]  }
0x9f: {  	v16 =	vadd.f32 v43, v16;
	v14 =	vadd.f32 v37, v14;
	v37 =	vld [tilespmem:s17+$0x8400];
	v40 =	vmul.f32 v39, v39  }
0xa0: {  	v25 =	vadd.f32 v28, v25;
	v42 =	vmul.f32 v35, v35;
	v43 =	vld [tilespmem:s17+$0x8410];
	v24 =	vadd.f32 v36, v24  }
0xa1: {  	v16 =	vadd.f32 v39, v16;
	v28 =	vmul.f32 v44, v44;
	v14 =	vadd.f32 v40, v14;
	v45 =	vld [tilespmem:s17+$0x8480]  }
0xa2: {  	v19 =	vadd.f32 v35, v19;
	v18 =	vadd.f32 v42, v18;
	v35 =	vmul.f32 v38, v38;
	v42 =	vld [tilespmem:s17+$0x8490]  }
0xa3: {  	v17 =	vadd.f32 v44, v17;
	v15 =	vadd.f32 v28, v15;
	v28 =	vld [tilespmem:s17+$0x8420];
	v36 =	vmul.f32 v41, v41  }
0xa4: {  	v19 =	vadd.f32 v38, v19;
	v44 =	vmul.f32 v37, v37;
	v40 =	vld [tilespmem:s17+$0x8430];
	v18 =	vadd.f32 v35, v18  }
0xa5: {  	v17 =	vadd.f32 v41, v17;
	v35 =	vmul.f32 v43, v43;
	v15 =	vadd.f32 v36, v15;
	v39 =	vld [tilespmem:s17+$0x84A0]  }
.Ltmp5:
0xa6: {  	v11 =	vadd.f32 v37, v11;
	v10 =	vadd.f32 v44, v10;
	v41 =	vmul.f32 v45, v45;
	v38 =	vld [tilespmem:s17+$0x84B0];
	(pc) =	sbr.rel @p0 .LBB2_5-.Ltmp5, $4  }
0xa7: {  	v9 =	vadd.f32 v43, v9;
	v8 =	vadd.f32 v35, v8;
	v37 =	vld [tilespmem:s17+$0x8440];
	v35 =	vmul.f32 v42, v42  }
0xa8: {  	v11 =	vadd.f32 v45, v11;
	v43 =	vmul.f32 v28, v28;
	v36 =	vld [tilespmem:s17+$0x8450];
	v10 =	vadd.f32 v41, v10  }
0xa9: {  	v9 =	vadd.f32 v42, v9;
	v41 =	vmul.f32 v40, v40;
	v8 =	vadd.f32 v35, v8;
	v35 =	vld [tilespmem:s17+$0x84C0]  }
0xaa: {  	s19 =	sadd.s32 $0x100, s19;
	v26 =	vadd.f32 v28, v26;
	v27 =	vadd.f32 v43, v27;
	v42 =	vmul.f32 v39, v39;
	v28 =	vld [tilespmem:s17+$0x84D0]  }
0xab: {  	v43 =	vmul.f32 v38, v38  }
0xac: {  	v33 =	vmul.f32 $3.906250000e-03, v33;
	v32 =	vmul.f32 $3.906250000e-03, v32  }
0xad: {  	v21 =	vmul.f32 $3.906250000e-03, v21;
	v12 =	vmul.f32 $3.906250000e-03, v12  }
0xae: {  	v50 =	vld [tilespmem:s17+$0x8460];
	v34 =	vmul.f32 $3.906250000e-03, v34;
	v23 =	vmul.f32 $3.906250000e-03, v23  }
0xaf: {  	v51 =	vld [tilespmem:s17+$0x8470];
	v22 =	vmul.f32 $3.906250000e-03, v22;
	v13 =	vmul.f32 $3.906250000e-03, v13  }
0xb0: {  	v57 =	vmul.f32 $3.906250000e-03, v25;
	v24 =	vmul.f32 $3.906250000e-03, v24;
	v26 =	vadd.f32 v39, v26;
	v39 =	vld [tilespmem:s17+$0x84E0]  }
0xb1: {  	v16 =	vmul.f32 $3.906250000e-03, v16;
	v14 =	vmul.f32 $3.906250000e-03, v14;
	v27 =	vadd.f32 v42, v27;
	v42 =	vld [tilespmem:s17+$0x84F0];
	[tilespmem:$0x10000] =	vst v33  }
0xb2: {  	v19 =	vmul.f32 $3.906250000e-03, v19;
	v18 =	vmul.f32 $3.906250000e-03, v18;
	[tilespmem:$0x10010] =	vst v21  }
0xb3: {  	v15 =	vmul.f32 $3.906250000e-03, v15;
	v11 =	vmul.f32 $3.906250000e-03, v11;
	[tilespmem:$0x10020] =	vst v34  }
0xb4: {  	v31 =	vadd.f32 v40, v31;
	v10 =	vmul.f32 $3.906250000e-03, v10;
	v9 =	vmul.f32 $3.906250000e-03, v9;
	[tilespmem:$0x10030] =	vst v22  }
0xb5: {  	v30 =	vadd.f32 v41, v30;
	v8 =	vmul.f32 $3.906250000e-03, v8;
	v44 =	vmul.f32 v37, v37;
	[tilespmem:$0x10040] =	vst v57  }
0xb6: {  	v29 =	vadd.f32 v37, v29;
	v45 =	vmul.f32 v33, v33;
	v52 =	vmul.f32 v21, v21;
	[tilespmem:$0x10050] =	vst v16  }
0xb7: {  	v31 =	vadd.f32 v38, v31;
	v53 =	vmul.f32 v36, v36;
	v54 =	vmul.f32 v34, v34;
	[tilespmem:$0x10060] =	vst v19  }
0xb8: {  	v30 =	vadd.f32 v43, v30;
	v56 =	vmul.f32 v22, v22;
	v34 =	vmul.f32 $3.906250000e-03, v17;
	[tilespmem:$0x10080] =	vst v11  }
0xb9: {  	v60 =	vmul.f32 v57, v57;
	v7 =	vadd.f32 v36, v7;
	[tilespmem:$0x10090] =	vst v9;
	v46 =	vmul.f32 $3.906250000e-03, v26  }
0xba: {  	v63 =	vmul.f32 v16, v16;
	v33 =	vmul.f32 v19, v19;
	v32 =	vsub.f32 v32, v45;
	[tilespmem:$0x10070] =	vst v34  }
0xbb: {  	v20 =	vadd.f32 v44, v20;
	v58 =	vmul.f32 v35, v35;
	v12 =	vsub.f32 v12, v52;
	[tilespmem:$0x100A0] =	vst v46  }
0xbc: {  	v35 =	vadd.f32 v35, v29;
	v44 =	vmul.f32 v11, v11;
	v55 =	vsub.f32 v23, v54;
	[tilespmem:$0x10180] =	vst v32  }
0xbd: {  	v48 =	vmul.f32 $3.906250000e-03, v27;
	v59 =	vsub.f32 v13, v56;
	v62 =	vsub.f32 v24, v60;
	[tilespmem:$0x10190] =	vst v12  }
0xbe: {  	v61 =	vmul.f32 v28, v28;
	v6 =	vadd.f32 v53, v6;
	v36 =	vsub.f32 v18, v33;
	[tilespmem:$0x101A0] =	vst v55  }
0xbf: {  	v37 =	vmul.f32 v34, v34;
	v7 =	vadd.f32 v28, v7;
	v45 =	vmul.f32 v9, v9;
	[tilespmem:$0x101B0] =	vst v59  }
0xc0: {  	v24 =	vmul.f32 v50, v50;
	v20 =	vadd.f32 v58, v20;
	v10 =	vsub.f32 v10, v44;
	[tilespmem:$0x101C0] =	vst v62  }
0xc1: {  	v38 =	vmul.f32 v51, v51;
	v5 =	vadd.f32 v50, v5;
	v50 =	vmul.f32 $3.906250000e-03, v31;
	[tilespmem:$0x101E0] =	vst v36  }
0xc2: {  	v49 =	vmul.f32 v46, v46;
	v2 =	vadd.f32 v51, v2;
	v54 =	vmul.f32 $3.906250000e-03, v35;
	[tilespmem:$0x10200] =	vst v10  }
0xc3: {  	v51 =	vmul.f32 $3.906250000e-03, v30;
	v32 =	vsub.f32 v14, v63;
	v43 =	vsub.f32 v15, v37;
	[tilespmem:$0x100B0] =	vst v50  }
0xc4: {  	v47 =	vmul.f32 v39, v39;
	v8 =	vsub.f32 v8, v45;
	v55 =	vmul.f32 v42, v42;
	[tilespmem:$0x100C0] =	vst v54  }
0xc5: {  	v7 =	vmul.f32 $3.906250000e-03, v7;
	v4 =	vadd.f32 v24, v4;
	v3 =	vadd.f32 v38, v3;
	[tilespmem:$0x101D0] =	vst v32  }
0xc6: {  	v52 =	vsub.f32 v48, v49;
	v53 =	vmul.f32 v50, v50;
	v5 =	vadd.f32 v39, v5;
	[tilespmem:$0x101F0] =	vst v43  }
0xc7: {  	v56 =	vmul.f32 $3.906250000e-03, v20;
	v58 =	vmul.f32 v54, v54;
	v2 =	vadd.f32 v42, v2;
	[tilespmem:$0x10210] =	vst v8  }
0xc8: {  	[tilespmem:$0x100D0] =	vst v7;
	v57 =	vsub.f32 v51, v53;
	v4 =	vadd.f32 v47, v4;
	v5 =	vmul.f32 $3.906250000e-03, v5  }
0xc9: {  	v6 =	vadd.f32 v61, v6;
	[tilespmem:$0x10220] =	vst v52;
	v59 =	vsub.f32 v56, v58;
	v62 =	vmul.f32 $3.906250000e-03, v2  }
0xca: {  	v3 =	vadd.f32 v55, v3;
	[tilespmem:$0x10230] =	vst v57;
	v4 =	vmul.f32 $3.906250000e-03, v4;
	v61 =	vmul.f32 v5, v5  }
0xcb: {  	v6 =	vmul.f32 $3.906250000e-03, v6;
	v60 =	vmul.f32 v7, v7;
	[tilespmem:$0x10240] =	vst v59  }
.Ltmp6:
0xcc: {  	v3 =	vmul.f32 $3.906250000e-03, v3;
	v63 =	vmul.f32 v62, v62;
	[tilespmem:$0x100E0] =	vst v5;
	v2 =	vsub.f32 v4, v61;
	(pc) =	sbr.rel .LBB2_7-.Ltmp6, $4  }
0xcd: {  	v6 =	vsub.f32 v6, v60;
	[tilespmem:$0x100F0] =	vst v62  }
0xce: {  	[tilespmem:$0x10260] =	vst v2;
	v2 =	vsub.f32 v3, v63  }
0xcf: {  	s17 =	simm.s32 $0x0;
	[tilespmem:$0x10250] =	vst v6  }
0xd0: {  	s18 =	simm.s32 $0x0;
	[smem:$0x0] =	sst s17;
	[tilespmem:$0x10270] =	vst v2  }
.LBB2_9:
0xd1: {  	s17 =	sadd.s32 $0x40, s17  }
0xd2: {  	p0 =	sne.s32 s17, $0x400  }
.Ltmp7:
0xd3: {  	_ = 	snop;
	(pc) =	sbr.rel @!p0 .LBB2_10-.Ltmp7, $1  }
0xd4: {  	_ =	sdelay $0x3  }
.LBB2_7:
0xd5: {  	p0 =	sne.s32 s18, $0x0  }
.Ltmp8:
0xd6: {  	_ = 	snop;
	(pc) =	sbr.rel @p0 .LBB2_9-.Ltmp8, $2  }
0xd7: {  	_ =	sdelay $0x2  }
0xd8: {  	s18 =	simm.s32 $0x1  }
0xd9: {  	s18 =	sshra.s32 s17, $0x2;
	v16 =	vld [tilespmem:$0x10000]  }
0xda: {  	v20 =	vld [tilespmem:s18+$0x10000]  }
0xdb: {  	v21 =	vld [tilespmem:s18+$0x10180]  }
0xdc: {  	v14 =	vld [tilespmem:$0x10010]  }
0xdd: {  	v13 =	vld [tilespmem:$0x10020]  }
0xde: {  	v11 =	vld [tilespmem:$0x10030]  }
0xdf: {  	v10 =	vld [tilespmem:$0x10040]  }
0xe0: {  	v8 =	vld [tilespmem:$0x10050];
	v36 =	vbroadcast v20, $0x0;
	v37 =	vbroadcast v21, $0x0  }
0xe1: {  	v7 =	vld [tilespmem:$0x10060];
	v60 =	vbroadcast v20, $0x1;
	v61 =	vbroadcast v21, $0x1  }
0xe2: {  	v6 =	vld [tilespmem:$0x10070];
	v38 =	vbroadcast v20, $0x2;
	v39 =	vbroadcast v21, $0x2  }
0xe3: {  	v3 =	vld [tilespmem:$0x10080];
	v62 =	vbroadcast v20, $0x3;
	v63 =	vbroadcast v21, $0x3  }
0xe4: {  	v28 =	vld [tilespmem:$0x10180];
	v42 =	vbroadcast v20, $0x4;
	v43 =	vbroadcast v21, $0x4  }
0xe5: {  	v25 =	vld [tilespmem:$0x10190];
	v44 =	vbroadcast v20, $0x5;
	v45 =	vbroadcast v21, $0x5  }
0xe6: {  	v18 =	vld [tilespmem:$0x101A0];
	v46 =	vbroadcast v20, $0x6;
	v47 =	vbroadcast v21, $0x6  }
0xe7: {  	v4 =	vld [tilespmem:$0x10090];
	v48 =	vbroadcast v20, $0x7;
	v49 =	vbroadcast v21, $0x7  }
0xe8: {  	v22 =	vld [tilespmem:$0x101B0];
	v50 =	vbroadcast v20, $0x8;
	v51 =	vbroadcast v21, $0x8  }
0xe9: {  	v15 =	vld [tilespmem:$0x101C0];
	v52 =	vbroadcast v20, $0x9;
	v53 =	vbroadcast v21, $0x9  }
0xea: {  	v5 =	vld [tilespmem:$0x100A0];
	v54 =	vbroadcast v20, $0xA;
	v55 =	vbroadcast v21, $0xA  }
0xeb: {  	v23 =	vld [tilespmem:$0x101D0];
	v56 =	vbroadcast v20, $0xB;
	v57 =	vbroadcast v21, $0xB  }
0xec: {  	v17 =	vld [tilespmem:$0x100D0];
	v58 =	vbroadcast v20, $0xC;
	v59 =	vbroadcast v21, $0xC  }
0xed: {  	v19 =	vld [tilespmem:$0x101E0];
	vm0 =	vgt.f32 v16, v36;
	vm1 =	vlt.f32 v28, v37;
	vm9 =	vgt.f32 v14, v36  }
0xee: {  	v24 =	vld [tilespmem:$0x10200];
	vm2 =	vlt.f32 v25, v37;
	vm10 =	vgt.f32 v13, v36;
	vm3 =	vlt.f32 v18, v37  }
0xef: {  	v26 =	vld [tilespmem:$0x101F0];
	vm12 =	vgt.f32 v11, v36;
	vm13 =	vlt.f32 v22, v37;
	vm14 =	vgt.f32 v10, v36  }
0xf0: {  	v31 =	vld [tilespmem:$0x10240];
	vm15 =	vlt.f32 v15, v37;
	vm7 =	vgt.f32 v8, v36;
	vm8 =	vlt.f32 v23, v37  }
0xf1: {  	v29 =	vld [tilespmem:$0x10220];
	vm4 =	vgt.f32 v17, v36;
	vm0 =	vmand vm0, vm1;
	vm1 =	vmand vm9, vm2  }
0xf2: {  	v30 =	vld [tilespmem:$0x10210];
	vm11 =	vmand vm10, vm3;
	vm6 =	vmand vm14, vm15;
	vm9 =	vgt.f32 v7, v36  }
0xf3: {  	v12 =	vld [tilespmem:$0x100C0];
	vm10 =	vlt.f32 v19, v37;
	vm14 =	vgt.f32 v3, v36;
	vm15 =	vlt.f32 v24, v37  }
0xf4: {  	v34 =	vld [tilespmem:$0x100F0];
	vm0 =	vmor vm0, vm1;
	vm1 =	vmand vm12, vm13;
	vm12 =	vgt.f32 v6, v36  }
0xf5: {  	v32 =	vld [tilespmem:$0x10230];
	vm13 =	vlt.f32 v26, v37;
	vm5 =	vmand vm14, vm15;
	vm14 =	vlt.f32 v31, v37  }
0xf6: {  	v9 =	vld [tilespmem:$0x100B0];
	vm0 =	vmor vm0, vm11;
	vm11 =	vmand vm9, vm10;
	vm9 =	vlt.f32 v29, v37  }
0xf7: {  	v27 =	vld [tilespmem:$0x100E0];
	vm0 =	vmor vm0, vm1;
	vm1 =	vmand vm7, vm8;
	vm7 =	vlt.f32 v30, v37  }
0xf8: {  	v33 =	vld [tilespmem:$0x10260];
	vm8 =	vgt.f32 v5, v36;
	vm0 =	vmor vm0, vm6;
	vm6 =	vgt.f32 v4, v36  }
0xf9: {  	v35 =	vld [tilespmem:$0x10250];
	vm10 =	vmand vm8, vm9;
	vm9 =	vgt.f32 v34, v36;
	vm0 =	vmor vm0, vm1  }
0xfa: {  	vm1 =	vmand vm12, vm13;
	vm12 =	vlt.f32 v32, v37;
	vm13 =	vgt.f32 v12, v36  }
0xfb: {  	vm0 =	vmor vm0, vm11;
	vm11 =	vgt.f32 v9, v36;
	vm15 =	vmand vm13, vm14  }
0xfc: {  	vm13 =	vlt.f32 v28, v61;
	vm14 =	vgt.f32 v14, v60;
	vm0 =	vmor vm0, vm1  }
0xfd: {  	vm1 =	vmand vm6, vm7;
	vm6 =	vgt.f32 v27, v36;
	vm7 =	vlt.f32 v33, v37  }
0xfe: {  	vm0 =	vmor vm0, vm5;
	vm5 =	vlt.f32 v35, v37;
	vm8 =	vmand vm6, vm7  }
0xff: {  	vm7 =	vgt.f32 v13, v60;
	vm0 =	vmor vm0, vm1;
	vm1 =	vmand vm11, vm12  }
0x100: {  	vm12 =	vgt.f32 v16, v60;
	vm0 =	vmor vm0, vm10;
	vm10 =	vlt.f32 v2, v37  }
0x101: {  	vm0 =	vmor vm0, vm1;
	vm1 =	vmand vm4, vm5;
	vm11 =	vmand vm10, vm9  }
0x102: {  	vm9 =	vgt.f32 v11, v60;
	vm10 =	vlt.f32 v22, v61;
	vm0 =	vmor vm0, vm15  }
0x103: {  	vm5 =	vgt.f32 v27, v60;
	vm15 =	vlt.f32 v25, v61;
	vm0 =	vmor vm0, vm1  }
0x104: {  	vm1 =	vmand vm12, vm13;
	vm6 =	vmand vm14, vm15;
	vm12 =	vgt.f32 v10, v60  }
0x105: {  	vm13 =	vlt.f32 v15, v61;
	vm14 =	vgt.f32 v8, v60;
	vm0 =	vmor vm0, vm8  }
0x106: {  	vm15 =	vlt.f32 v23, v61;
	vm8 =	vlt.f32 v18, v61;
	vm0 =	vmor vm11, vm0  }
0x107: {  	vm11 =	vmand vm9, vm10;
	vm9 =	vgt.f32 v6, v60;
	vm10 =	vlt.f32 v26, v61  }
0x108: {  	vm0 =	vmor vm1, vm0;
	vm1 =	vmand vm7, vm8;
	vm7 =	vgt.f32 v7, v60  }
0x109: {  	vm8 =	vlt.f32 v19, v61;
	vm0 =	vmor vm6, vm0;
	vm6 =	vmand vm14, vm15  }
0x10a: {  	vm14 =	vgt.f32 v4, v60;
	vm15 =	vlt.f32 v30, v61;
	vm0 =	vmor vm1, vm0  }
0x10b: {  	vm1 =	vmand vm12, vm13;
	vm12 =	vgt.f32 v3, v60;
	vm13 =	vlt.f32 v24, v61  }
0x10c: {  	vm0 =	vmor vm11, vm0;
	vm11 =	vmand vm9, vm10;
	vm9 =	vgt.f32 v9, v60  }
0x10d: {  	vm10 =	vlt.f32 v32, v61;
	vm0 =	vmor vm1, vm0;
	vm1 =	vmand vm7, vm8  }
0x10e: {  	vm7 =	vgt.f32 v5, v60;
	vm8 =	vlt.f32 v29, v61;
	vm0 =	vmor vm6, vm0  }
0x10f: {  	vm6 =	vmand vm14, vm15;
	vm14 =	vgt.f32 v17, v60;
	vm15 =	vlt.f32 v35, v61  }
0x110: {  	vm0 =	vmor vm1, vm0;
	vm1 =	vmand vm12, vm13;
	vm12 =	vgt.f32 v12, v60  }
0x111: {  	vm13 =	vlt.f32 v31, v61;
	vm4 =	vmand vm14, vm15;
	vm14 =	vgt.f32 v13, v38  }
0x112: {  	vm15 =	vlt.f32 v18, v39;
	vm0 =	vmor vm11, vm0;
	vm11 =	vmand vm9, vm10  }
0x113: {  	vm9 =	vgt.f32 v16, v38;
	vm10 =	vlt.f32 v28, v39;
	vm0 =	vmor vm1, vm0  }
0x114: {  	vm1 =	vmand vm7, vm8;
	vm7 =	vgt.f32 v34, v60;
	vm8 =	vlt.f32 v2, v61  }
0x115: {  	v60 =	vbroadcast v20, $0xD;
	vm0 =	vmor vm6, vm0;
	vm6 =	vlt.f32 v33, v61  }
0x116: {  	v61 =	vbroadcast v21, $0xD;
	vm0 =	vmor vm1, vm0;
	vm1 =	vmand vm12, vm13  }
0x117: {  	vm12 =	vgt.f32 v14, v38;
	vm13 =	vlt.f32 v25, v39;
	vm0 =	vmor vm11, vm0  }
0x118: {  	vm11 =	vmand vm9, vm10;
	vm9 =	vgt.f32 v10, v38;
	vm10 =	vlt.f32 v15, v39  }
0x119: {  	vm0 =	vmor vm1, vm0;
	vm1 =	vmand vm5, vm6;
	vm6 =	vmand vm14, vm15  }
0x11a: {  	vm14 =	vgt.f32 v7, v38;
	vm15 =	vlt.f32 v19, v39;
	vm0 =	vmor vm4, vm0  }
0x11b: {  	vm5 =	vmand vm14, vm15;
	vm14 =	vlt.f32 v29, v39;
	vm4 =	vgt.f32 v9, v38  }
0x11c: {  	vm0 =	vmor vm1, vm0;
	vm1 =	vmand vm8, vm7;
	vm7 =	vgt.f32 v11, v38  }
0x11d: {  	vm8 =	vlt.f32 v22, v39;
	vm0 =	vmor vm1, vm0;
	vm1 =	vmand vm12, vm13  }
0x11e: {  	vm12 =	vgt.f32 v8, v38;
	vm13 =	vlt.f32 v23, v39;
	vm0 =	vmor vm11, vm0  }
0x11f: {  	vm11 =	vmand vm9, vm10;
	vm9 =	vlt.f32 v24, v39;
	vm0 =	vmor vm1, vm0  }
0x120: {  	vm1 =	vmand vm7, vm8;
	vm7 =	vlt.f32 v26, v39;
	vm8 =	vgt.f32 v3, v38  }
0x121: {  	vm0 =	vmor vm6, vm0;
	vm6 =	vgt.f32 v6, v38;
	vm10 =	vmand vm8, vm9  }
0x122: {  	vm9 =	vgt.f32 v17, v38;
	vm0 =	vmor vm1, vm0;
	vm1 =	vmand vm12, vm13  }
0x123: {  	vm12 =	vlt.f32 v30, v39;
	vm13 =	vgt.f32 v5, v38;
	vm0 =	vmor vm11, vm0  }
0x124: {  	vm11 =	vgt.f32 v4, v38;
	vm15 =	vmand vm13, vm14;
	vm14 =	vgt.f32 v34, v38  }
0x125: {  	vm0 =	vmor vm1, vm0;
	vm1 =	vmand vm6, vm7;
	vm6 =	vgt.f32 v12, v38  }
0x126: {  	vm7 =	vlt.f32 v31, v39;
	vm0 =	vmor vm5, vm0;
	vm5 =	vlt.f32 v32, v39  }
0x127: {  	vm8 =	vmand vm6, vm7;
	vm7 =	vgt.f32 v16, v62;
	vm0 =	vmor vm1, vm0  }
0x128: {  	vm1 =	vmand vm11, vm12;
	vm11 =	vgt.f32 v27, v38;
	vm12 =	vlt.f32 v33, v39  }
0x129: {  	vm0 =	vmor vm10, vm0;
	vm10 =	vlt.f32 v35, v39;
	vm13 =	vmand vm11, vm12  }
0x12a: {  	vm12 =	vgt.f32 v13, v62;
	vm0 =	vmor vm1, vm0;
	vm1 =	vmand vm4, vm5  }
0x12b: {  	vm5 =	vgt.f32 v12, v62;
	vm0 =	vmor vm15, vm0;
	vm15 =	vlt.f32 v2, v39  }
0x12c: {  	vm0 =	vmor vm1, vm0;
	vm1 =	vmand vm9, vm10;
	vm6 =	vmand vm15, vm14  }
0x12d: {  	vm9 =	vgt.f32 v14, v62;
	vm10 =	vlt.f32 v25, v63;
	vm14 =	vgt.f32 v11, v62  }
0x12e: {  	vm15 =	vlt.f32 v22, v63;
	vm0 =	vmor vm8, vm0;
	vm8 =	vlt.f32 v28, v63  }
0x12f: {  	vm11 =	vmand vm9, vm10;
	vm9 =	vgt.f32 v8, v62;
	vm10 =	vlt.f32 v23, v63  }
0x130: {  	vm0 =	vmor vm1, vm0;
	vm1 =	vmand vm7, vm8;
	vm7 =	vgt.f32 v10, v62  }
0x131: {  	vm8 =	vlt.f32 v15, v63;
	vm0 =	vmor vm13, vm0;
	vm13 =	vlt.f32 v18, v63  }
0x132: {  	vm0 =	vmor vm6, vm0;
	vm6 =	vmand vm14, vm15;
	vm14 =	vgt.f32 v6, v62  }
0x133: {  	vm15 =	vlt.f32 v26, v63;
	vm0 =	vmor vm1, vm0;
	vm1 =	vmand vm12, vm13  }
0x134: {  	vm12 =	vgt.f32 v7, v62;
	vm13 =	vlt.f32 v19, v63;
	vm0 =	vmor vm11, vm0  }
0x135: {  	vm11 =	vmand vm9, vm10;
	vm9 =	vgt.f32 v4, v62;
	vm10 =	vlt.f32 v30, v63  }
0x136: {  	vm0 =	vmor vm1, vm0;
	vm1 =	vmand vm7, vm8;
	vm7 =	vgt.f32 v3, v62  }
0x137: {  	vm8 =	vlt.f32 v24, v63;
	vm0 =	vmor vm6, vm0;
	vm6 =	vmand vm14, vm15  }
0x138: {  	vm14 =	vgt.f32 v9, v62;
	vm15 =	vlt.f32 v32, v63;
	vm0 =	vmor vm1, vm0  }
0x139: {  	vm1 =	vmand vm12, vm13;
	vm12 =	vgt.f32 v5, v62;
	vm13 =	vlt.f32 v29, v63  }
0x13a: {  	vm4 =	vmand vm14, vm15;
	vm14 =	vgt.f32 v16, v42;
	vm15 =	vlt.f32 v28, v43  }
0x13b: {  	vm0 =	vmor vm11, vm0;
	vm11 =	vmand vm9, vm10;
	vm10 =	vgt.f32 v27, v62  }
0x13c: {  	vm0 =	vmor vm1, vm0;
	vm1 =	vmand vm7, vm8;
	vm7 =	vgt.f32 v17, v62  }
0x13d: {  	vm8 =	vlt.f32 v35, v63;
	vm0 =	vmor vm6, vm0;
	vm6 =	vlt.f32 v31, v63  }
0x13e: {  	vm9 =	vmand vm7, vm8;
	vm7 =	vgt.f32 v14, v42;
	vm8 =	vlt.f32 v25, v43  }
0x13f: {  	vm0 =	vmor vm1, vm0;
	vm1 =	vmand vm12, vm13;
	vm12 =	vgt.f32 v34, v62  }
0x140: {  	vm13 =	vlt.f32 v2, v63;
	v62 =	vbroadcast v20, $0xE;
	v20 =	vbroadcast v20, $0xF  }
0x141: {  	vm0 =	vmor vm11, vm0;
	vm11 =	vlt.f32 v33, v63;
	v63 =	vbroadcast v21, $0xE  }
0x142: {  	v21 =	vbroadcast v21, $0xF;
	vm0 =	vmor vm1, vm0;
	vm1 =	vmand vm5, vm6  }
0x143: {  	vm6 =	vmand vm14, vm15;
	vm14 =	vgt.f32 v10, v42;
	vm0 =	vmor vm4, vm0  }
0x144: {  	vm15 =	vlt.f32 v15, v43;
	vm4 =	vgt.f32 v17, v42;
	vm0 =	vmor vm1, vm0  }
0x145: {  	vm1 =	vmand vm10, vm11;
	vm10 =	vlt.f32 v18, v43;
	vm0 =	vmor vm9, vm0  }
0x146: {  	vm9 =	vgt.f32 v13, v42;
	vm0 =	vmor vm1, vm0;
	vm1 =	vmand vm13, vm12  }
0x147: {  	vm11 =	vmand vm9, vm10;
	vm12 =	vgt.f32 v11, v42;
	vm13 =	vlt.f32 v22, v43  }
0x148: {  	vm9 =	vgt.f32 v7, v42;
	vm10 =	vlt.f32 v19, v43;
	vm0 =	vmor vm1, vm0  }
0x149: {  	vm1 =	vmand vm7, vm8;
	vm7 =	vgt.f32 v8, v42;
	vm8 =	vlt.f32 v23, v43  }
0x14a: {  	vm0 =	vmor vm6, vm0;
	vm6 =	vmand vm14, vm15;
	vm14 =	vgt.f32 v3, v42  }
0x14b: {  	vm15 =	vlt.f32 v24, v43;
	vm0 =	vmor vm1, vm0;
	vm1 =	vmand vm12, vm13  }
0x14c: {  	vm12 =	vgt.f32 v6, v42;
	vm13 =	vlt.f32 v26, v43;
	vm5 =	vmand vm14, vm15  }
0x14d: {  	vm14 =	vlt.f32 v31, v43;
	vm0 =	vmor vm11, vm0;
	vm11 =	vmand vm9, vm10  }
0x14e: {  	vm9 =	vlt.f32 v29, v43;
	vm0 =	vmor vm1, vm0;
	vm1 =	vmand vm7, vm8  }
0x14f: {  	vm7 =	vlt.f32 v30, v43;
	vm8 =	vgt.f32 v5, v42;
	vm0 =	vmor vm6, vm0  }
0x150: {  	vm6 =	vgt.f32 v4, v42;
	vm10 =	vmand vm8, vm9;
	vm9 =	vgt.f32 v34, v42  }
0x151: {  	vm0 =	vmor vm1, vm0;
	vm1 =	vmand vm12, vm13;
	vm12 =	vlt.f32 v32, v43  }
0x152: {  	vm13 =	vgt.f32 v12, v42;
	vm0 =	vmor vm11, vm0;
	vm11 =	vgt.f32 v9, v42  }
0x153: {  	vm15 =	vmand vm13, vm14;
	vm13 =	vlt.f32 v28, v45;
	vm14 =	vgt.f32 v14, v44  }
0x154: {  	vm0 =	vmor vm1, vm0;
	vm1 =	vmand vm6, vm7;
	vm6 =	vgt.f32 v27, v42  }
0x155: {  	vm7 =	vlt.f32 v33, v43;
	vm0 =	vmor vm5, vm0;
	vm5 =	vlt.f32 v35, v43  }
0x156: {  	vm8 =	vmand vm6, vm7;
	vm7 =	vgt.f32 v13, v44;
	vm0 =	vmor vm1, vm0  }
0x157: {  	vm1 =	vmand vm11, vm12;
	vm12 =	vgt.f32 v16, v44;
	vm0 =	vmor vm10, vm0  }
0x158: {  	vm10 =	vlt.f32 v2, v43;
	vm0 =	vmor vm1, vm0;
	vm1 =	vmand vm4, vm5  }
0x159: {  	vm11 =	vmand vm10, vm9;
	vm9 =	vgt.f32 v11, v44;
	vm10 =	vlt.f32 v22, v45  }
0x15a: {  	vm5 =	vgt.f32 v27, v44;
	vm0 =	vmor vm15, vm0;
	vm15 =	vlt.f32 v25, v45  }
0x15b: {  	vm0 =	vmor vm1, vm0;
	vm1 =	vmand vm12, vm13;
	vm6 =	vmand vm14, vm15  }
0x15c: {  	vm12 =	vgt.f32 v10, v44;
	vm13 =	vlt.f32 v15, v45;
	vm14 =	vgt.f32 v8, v44  }
0x15d: {  	vm15 =	vlt.f32 v23, v45;
	vm0 =	vmor vm8, vm0;
	vm8 =	vlt.f32 v18, v45  }
0x15e: {  	vm0 =	vmor vm11, vm0;
	vm11 =	vmand vm9, vm10;
	vm9 =	vgt.f32 v6, v44  }
0x15f: {  	vm10 =	vlt.f32 v26, v45;
	vm0 =	vmor vm1, vm0;
	vm1 =	vmand vm7, vm8  }
0x160: {  	vm7 =	vgt.f32 v7, v44;
	vm8 =	vlt.f32 v19, v45;
	vm0 =	vmor vm6, vm0  }
0x161: {  	vm6 =	vmand vm14, vm15;
	vm14 =	vgt.f32 v4, v44;
	vm15 =	vlt.f32 v30, v45  }
0x162: {  	vm0 =	vmor vm1, vm0;
	vm1 =	vmand vm12, vm13;
	vm12 =	vgt.f32 v3, v44  }
0x163: {  	vm13 =	vlt.f32 v24, v45;
	vm0 =	vmor vm11, vm0;
	vm11 =	vmand vm9, vm10  }
0x164: {  	vm9 =	vgt.f32 v9, v44;
	vm10 =	vlt.f32 v32, v45;
	vm0 =	vmor vm1, vm0  }
0x165: {  	vm1 =	vmand vm7, vm8;
	vm7 =	vgt.f32 v5, v44;
	vm8 =	vlt.f32 v29, v45  }
0x166: {  	vm0 =	vmor vm6, vm0;
	vm6 =	vmand vm14, vm15;
	vm14 =	vgt.f32 v17, v44  }
0x167: {  	vm15 =	vlt.f32 v35, v45;
	vm0 =	vmor vm1, vm0;
	vm1 =	vmand vm12, vm13  }
0x168: {  	vm12 =	vgt.f32 v12, v44;
	vm13 =	vlt.f32 v31, v45;
	vm4 =	vmand vm14, vm15  }
0x169: {  	vm14 =	vgt.f32 v13, v46;
	vm15 =	vlt.f32 v18, v47;
	vm0 =	vmor vm11, vm0  }
0x16a: {  	vm11 =	vmand vm9, vm10;
	vm9 =	vgt.f32 v16, v46;
	vm10 =	vlt.f32 v28, v47  }
0x16b: {  	vm0 =	vmor vm1, vm0;
	vm1 =	vmand vm7, vm8;
	vm7 =	vgt.f32 v34, v44  }
0x16c: {  	vm8 =	vlt.f32 v2, v45;
	vm0 =	vmor vm6, vm0;
	vm6 =	vlt.f32 v33, v45  }
0x16d: {  	vm0 =	vmor vm1, vm0;
	vm1 =	vmand vm12, vm13;
	vm12 =	vgt.f32 v14, v46  }
0x16e: {  	vm13 =	vlt.f32 v25, v47;
	vm0 =	vmor vm11, vm0;
	vm11 =	vmand vm9, vm10  }
0x16f: {  	vm9 =	vgt.f32 v10, v46;
	vm0 =	vmor vm1, vm0;
	vm1 =	vmand vm5, vm6  }
0x170: {  	vm6 =	vmand vm14, vm15;
	vm14 =	vgt.f32 v7, v46;
	vm15 =	vlt.f32 v19, v47  }
0x171: {  	vm10 =	vlt.f32 v15, v47;
	vm0 =	vmor vm4, vm0;
	vm5 =	vmand vm14, vm15  }
0x172: {  	vm14 =	vlt.f32 v29, v47;
	vm4 =	vgt.f32 v9, v46;
	vm0 =	vmor vm1, vm0  }
0x173: {  	vm1 =	vmand vm8, vm7;
	vm7 =	vgt.f32 v11, v46;
	vm8 =	vlt.f32 v22, v47  }
0x174: {  	vm0 =	vmor vm1, vm0;
	vm1 =	vmand vm12, vm13;
	vm12 =	vgt.f32 v8, v46  }
0x175: {  	vm13 =	vlt.f32 v23, v47;
	vm0 =	vmor vm11, vm0;
	vm11 =	vmand vm9, vm10  }
0x176: {  	vm9 =	vlt.f32 v24, v47;
	vm0 =	vmor vm1, vm0;
	vm1 =	vmand vm7, vm8  }
0x177: {  	vm7 =	vlt.f32 v26, v47;
	vm8 =	vgt.f32 v3, v46;
	vm0 =	vmor vm6, vm0  }
0x178: {  	vm6 =	vgt.f32 v6, v46;
	vm10 =	vmand vm8, vm9;
	vm9 =	vgt.f32 v17, v46  }
0x179: {  	vm0 =	vmor vm1, vm0;
	vm1 =	vmand vm12, vm13;
	vm12 =	vlt.f32 v30, v47  }
0x17a: {  	vm13 =	vgt.f32 v5, v46;
	vm0 =	vmor vm11, vm0;
	vm11 =	vgt.f32 v4, v46  }
0x17b: {  	vm15 =	vmand vm13, vm14;
	vm14 =	vgt.f32 v34, v46;
	vm0 =	vmor vm1, vm0  }
0x17c: {  	vm1 =	vmand vm6, vm7;
	vm6 =	vgt.f32 v12, v46;
	vm7 =	vlt.f32 v31, v47  }
0x17d: {  	vm0 =	vmor vm5, vm0;
	vm5 =	vlt.f32 v32, v47;
	vm8 =	vmand vm6, vm7  }
0x17e: {  	vm7 =	vgt.f32 v16, v48;
	vm0 =	vmor vm1, vm0;
	vm1 =	vmand vm11, vm12  }
0x17f: {  	vm11 =	vgt.f32 v27, v46;
	vm12 =	vlt.f32 v33, v47;
	vm0 =	vmor vm10, vm0  }
0x180: {  	vm10 =	vlt.f32 v35, v47;
	vm13 =	vmand vm11, vm12;
	vm0 =	vmor vm1, vm0  }
0x181: {  	vm12 =	vgt.f32 v13, v48;
	vm1 =	vmand vm4, vm5;
	vm0 =	vmor vm15, vm0  }
0x182: {  	vm5 =	vgt.f32 v12, v48;
	vm15 =	vlt.f32 v2, v47;
	vm0 =	vmor vm1, vm0  }
0x183: {  	vm1 =	vmand vm9, vm10;
	vm6 =	vmand vm15, vm14;
	vm9 =	vgt.f32 v14, v48  }
0x184: {  	vm10 =	vlt.f32 v25, v49;
	vm14 =	vgt.f32 v11, v48;
	vm15 =	vlt.f32 v22, v49  }
0x185: {  	vm0 =	vmor vm8, vm0;
	vm8 =	vlt.f32 v28, v49;
	vm11 =	vmand vm9, vm10  }
0x186: {  	vm9 =	vgt.f32 v8, v48;
	vm10 =	vlt.f32 v23, v49;
	vm0 =	vmor vm1, vm0  }
0x187: {  	vm1 =	vmand vm7, vm8;
	vm7 =	vgt.f32 v10, v48;
	vm0 =	vmor vm13, vm0  }
0x188: {  	vm8 =	vlt.f32 v15, v49;
	vm13 =	vlt.f32 v18, v49;
	vm0 =	vmor vm6, vm0  }
0x189: {  	vm6 =	vmand vm14, vm15;
	vm14 =	vgt.f32 v6, v48;
	vm15 =	vlt.f32 v26, v49  }
0x18a: {  	vm0 =	vmor vm1, vm0;
	vm1 =	vmand vm12, vm13;
	vm12 =	vgt.f32 v7, v48  }
0x18b: {  	vm13 =	vlt.f32 v19, v49;
	vm0 =	vmor vm11, vm0;
	vm11 =	vmand vm9, vm10  }
0x18c: {  	vm9 =	vgt.f32 v4, v48;
	vm10 =	vlt.f32 v30, v49;
	vm0 =	vmor vm1, vm0  }
0x18d: {  	vm1 =	vmand vm7, vm8;
	vm7 =	vgt.f32 v3, v48;
	vm8 =	vlt.f32 v24, v49  }
0x18e: {  	vm0 =	vmor vm6, vm0;
	vm6 =	vmand vm14, vm15;
	vm14 =	vgt.f32 v9, v48  }
0x18f: {  	vm15 =	vlt.f32 v32, v49;
	vm0 =	vmor vm1, vm0;
	vm1 =	vmand vm12, vm13  }
0x190: {  	vm12 =	vgt.f32 v5, v48;
	vm13 =	vlt.f32 v29, v49;
	vm4 =	vmand vm14, vm15  }
0x191: {  	vm14 =	vgt.f32 v16, v50;
	vm15 =	vlt.f32 v28, v51;
	vm0 =	vmor vm11, vm0  }
0x192: {  	vm11 =	vmand vm9, vm10;
	vm10 =	vgt.f32 v27, v48;
	vm0 =	vmor vm1, vm0  }
0x193: {  	vm1 =	vmand vm7, vm8;
	vm7 =	vgt.f32 v17, v48;
	vm8 =	vlt.f32 v35, v49  }
0x194: {  	vm0 =	vmor vm6, vm0;
	vm6 =	vlt.f32 v31, v49;
	vm9 =	vmand vm7, vm8  }
0x195: {  	vm7 =	vgt.f32 v14, v50;
	vm8 =	vlt.f32 v25, v51;
	vm0 =	vmor vm1, vm0  }
0x196: {  	vm1 =	vmand vm12, vm13;
	vm12 =	vgt.f32 v34, v48;
	vm0 =	vmor vm11, vm0  }
0x197: {  	vm13 =	vlt.f32 v2, v49;
	vm11 =	vlt.f32 v33, v49;
	vm0 =	vmor vm1, vm0  }
0x198: {  	vm1 =	vmand vm5, vm6;
	vm6 =	vmand vm14, vm15;
	vm0 =	vmor vm4, vm0  }
0x199: {  	vm14 =	vgt.f32 v10, v50;
	vm15 =	vlt.f32 v15, v51;
	vm0 =	vmor vm1, vm0  }
0x19a: {  	vm4 =	vgt.f32 v17, v50;
	vm1 =	vmand vm10, vm11;
	vm0 =	vmor vm9, vm0  }
0x19b: {  	vm10 =	vlt.f32 v18, v51;
	vm9 =	vgt.f32 v13, v50;
	vm0 =	vmor vm1, vm0  }
0x19c: {  	vm1 =	vmand vm13, vm12;
	vm11 =	vmand vm9, vm10;
	vm12 =	vgt.f32 v11, v50  }
0x19d: {  	vm13 =	vlt.f32 v22, v51;
	vm9 =	vgt.f32 v7, v50;
	vm10 =	vlt.f32 v19, v51  }
0x19e: {  	vm0 =	vmor vm1, vm0;
	vm1 =	vmand vm7, vm8;
	vm7 =	vgt.f32 v8, v50  }
0x19f: {  	vm8 =	vlt.f32 v23, v51;
	vm0 =	vmor vm6, vm0;
	vm6 =	vmand vm14, vm15  }
0x1a0: {  	vm14 =	vgt.f32 v3, v50;
	vm15 =	vlt.f32 v24, v51;
	vm0 =	vmor vm1, vm0  }
0x1a1: {  	vm1 =	vmand vm12, vm13;
	vm12 =	vgt.f32 v6, v50;
	vm13 =	vlt.f32 v26, v51  }
0x1a2: {  	vm5 =	vmand vm14, vm15;
	vm14 =	vlt.f32 v31, v51;
	vm0 =	vmor vm11, vm0  }
0x1a3: {  	vm11 =	vmand vm9, vm10;
	vm9 =	vlt.f32 v29, v51;
	vm0 =	vmor vm1, vm0  }
0x1a4: {  	vm1 =	vmand vm7, vm8;
	vm7 =	vlt.f32 v30, v51;
	vm8 =	vgt.f32 v5, v50  }
0x1a5: {  	vm0 =	vmor vm6, vm0;
	vm6 =	vgt.f32 v4, v50;
	vm10 =	vmand vm8, vm9  }
0x1a6: {  	vm9 =	vgt.f32 v34, v50;
	vm0 =	vmor vm1, vm0;
	vm1 =	vmand vm12, vm13  }
0x1a7: {  	vm12 =	vlt.f32 v32, v51;
	vm13 =	vgt.f32 v12, v50;
	vm0 =	vmor vm11, vm0  }
0x1a8: {  	vm11 =	vgt.f32 v9, v50;
	vm15 =	vmand vm13, vm14;
	vm13 =	vlt.f32 v28, v53  }
0x1a9: {  	vm14 =	vgt.f32 v14, v52;
	vm0 =	vmor vm1, vm0;
	vm1 =	vmand vm6, vm7  }
0x1aa: {  	vm6 =	vgt.f32 v27, v50;
	vm7 =	vlt.f32 v33, v51;
	vm0 =	vmor vm5, vm0  }
0x1ab: {  	vm5 =	vlt.f32 v35, v51;
	vm8 =	vmand vm6, vm7;
	vm0 =	vmor vm1, vm0  }
0x1ac: {  	vm7 =	vgt.f32 v13, v52;
	vm1 =	vmand vm11, vm12;
	vm0 =	vmor vm10, vm0  }
0x1ad: {  	vm12 =	vgt.f32 v16, v52;
	vm10 =	vlt.f32 v2, v51;
	vm0 =	vmor vm1, vm0  }
0x1ae: {  	vm1 =	vmand vm4, vm5;
	vm11 =	vmand vm10, vm9;
	vm9 =	vgt.f32 v11, v52  }
0x1af: {  	vm10 =	vlt.f32 v22, v53;
	vm5 =	vgt.f32 v27, v52;
	vm0 =	vmor vm15, vm0  }
0x1b0: {  	vm15 =	vlt.f32 v25, v53;
	vm0 =	vmor vm1, vm0;
	vm1 =	vmand vm12, vm13  }
0x1b1: {  	vm6 =	vmand vm14, vm15;
	vm12 =	vgt.f32 v10, v52;
	vm13 =	vlt.f32 v15, v53  }
0x1b2: {  	vm14 =	vgt.f32 v8, v52;
	vm15 =	vlt.f32 v23, v53;
	vm0 =	vmor vm8, vm0  }
0x1b3: {  	vm8 =	vlt.f32 v18, v53;
	vm0 =	vmor vm11, vm0;
	vm11 =	vmand vm9, vm10  }
0x1b4: {  	vm9 =	vgt.f32 v6, v52;
	vm10 =	vlt.f32 v26, v53;
	vm0 =	vmor vm1, vm0  }
0x1b5: {  	vm1 =	vmand vm7, vm8;
	vm7 =	vgt.f32 v7, v52;
	vm8 =	vlt.f32 v19, v53  }
0x1b6: {  	vm0 =	vmor vm6, vm0;
	vm6 =	vmand vm14, vm15;
	vm14 =	vgt.f32 v4, v52  }
0x1b7: {  	vm15 =	vlt.f32 v30, v53;
	vm0 =	vmor vm1, vm0;
	vm1 =	vmand vm12, vm13  }
0x1b8: {  	vm12 =	vgt.f32 v3, v52;
	vm13 =	vlt.f32 v24, v53;
	vm0 =	vmor vm11, vm0  }
0x1b9: {  	vm11 =	vmand vm9, vm10;
	vm9 =	vgt.f32 v9, v52;
	vm10 =	vlt.f32 v32, v53  }
0x1ba: {  	vm0 =	vmor vm1, vm0;
	vm1 =	vmand vm7, vm8;
	vm7 =	vgt.f32 v5, v52  }
0x1bb: {  	vm8 =	vlt.f32 v29, v53;
	vm0 =	vmor vm6, vm0;
	vm6 =	vmand vm14, vm15  }
0x1bc: {  	vm14 =	vgt.f32 v17, v52;
	vm15 =	vlt.f32 v35, v53;
	vm0 =	vmor vm1, vm0  }
0x1bd: {  	vm1 =	vmand vm12, vm13;
	vm12 =	vgt.f32 v12, v52;
	vm13 =	vlt.f32 v31, v53  }
0x1be: {  	vm4 =	vmand vm14, vm15;
	vm14 =	vgt.f32 v13, v54;
	vm15 =	vlt.f32 v18, v55  }
0x1bf: {  	vm0 =	vmor vm11, vm0;
	vm11 =	vmand vm9, vm10;
	vm9 =	vgt.f32 v16, v54  }
0x1c0: {  	vm10 =	vlt.f32 v28, v55;
	vm0 =	vmor vm1, vm0;
	vm1 =	vmand vm7, vm8  }
0x1c1: {  	vm7 =	vgt.f32 v34, v52;
	vm8 =	vlt.f32 v2, v53;
	vm0 =	vmor vm6, vm0  }
0x1c2: {  	vm6 =	vlt.f32 v33, v53;
	vm0 =	vmor vm1, vm0;
	vm1 =	vmand vm12, vm13  }
0x1c3: {  	vm12 =	vgt.f32 v14, v54;
	vm13 =	vlt.f32 v25, v55;
	vm0 =	vmor vm11, vm0  }
0x1c4: {  	vm11 =	vmand vm9, vm10;
	vm9 =	vgt.f32 v10, v54;
	vm10 =	vlt.f32 v15, v55  }
0x1c5: {  	vm0 =	vmor vm1, vm0;
	vm1 =	vmand vm5, vm6;
	vm6 =	vmand vm14, vm15  }
0x1c6: {  	vm14 =	vgt.f32 v7, v54;
	vm15 =	vlt.f32 v19, v55;
	vm0 =	vmor vm4, vm0  }
0x1c7: {  	vm5 =	vmand vm14, vm15;
	vm14 =	vlt.f32 v29, v55;
	vm4 =	vgt.f32 v9, v54  }
0x1c8: {  	vm0 =	vmor vm1, vm0;
	vm1 =	vmand vm8, vm7;
	vm7 =	vgt.f32 v11, v54  }
0x1c9: {  	vm8 =	vlt.f32 v22, v55;
	vm0 =	vmor vm1, vm0;
	vm1 =	vmand vm12, vm13  }
0x1ca: {  	vm12 =	vgt.f32 v8, v54;
	vm13 =	vlt.f32 v23, v55;
	vm0 =	vmor vm11, vm0  }
0x1cb: {  	vm11 =	vmand vm9, vm10;
	vm9 =	vlt.f32 v24, v55;
	vm0 =	vmor vm1, vm0  }
0x1cc: {  	vm1 =	vmand vm7, vm8;
	vm7 =	vlt.f32 v26, v55;
	vm8 =	vgt.f32 v3, v54  }
0x1cd: {  	vm0 =	vmor vm6, vm0;
	vm6 =	vgt.f32 v6, v54;
	vm10 =	vmand vm8, vm9  }
0x1ce: {  	vm9 =	vgt.f32 v17, v54;
	vm0 =	vmor vm1, vm0;
	vm1 =	vmand vm12, vm13  }
0x1cf: {  	vm12 =	vlt.f32 v30, v55;
	vm13 =	vgt.f32 v5, v54;
	vm0 =	vmor vm11, vm0  }
0x1d0: {  	vm11 =	vgt.f32 v4, v54;
	vm15 =	vmand vm13, vm14;
	vm14 =	vgt.f32 v34, v54  }
0x1d1: {  	vm0 =	vmor vm1, vm0;
	vm1 =	vmand vm6, vm7;
	vm6 =	vgt.f32 v12, v54  }
0x1d2: {  	vm7 =	vlt.f32 v31, v55;
	vm0 =	vmor vm5, vm0;
	vm5 =	vlt.f32 v32, v55  }
0x1d3: {  	vm8 =	vmand vm6, vm7;
	vm7 =	vgt.f32 v16, v56;
	vm0 =	vmor vm1, vm0  }
0x1d4: {  	vm1 =	vmand vm11, vm12;
	vm11 =	vgt.f32 v27, v54;
	vm12 =	vlt.f32 v33, v55  }
0x1d5: {  	vm0 =	vmor vm10, vm0;
	vm10 =	vlt.f32 v35, v55;
	vm13 =	vmand vm11, vm12  }
0x1d6: {  	vm12 =	vgt.f32 v13, v56;
	vm0 =	vmor vm1, vm0;
	vm1 =	vmand vm4, vm5  }
0x1d7: {  	vm5 =	vgt.f32 v12, v56;
	vm0 =	vmor vm15, vm0;
	vm15 =	vlt.f32 v2, v55  }
0x1d8: {  	vm0 =	vmor vm1, vm0;
	vm1 =	vmand vm9, vm10;
	vm6 =	vmand vm15, vm14  }
0x1d9: {  	vm9 =	vgt.f32 v14, v56;
	vm10 =	vlt.f32 v25, v57;
	vm14 =	vgt.f32 v11, v56  }
0x1da: {  	vm15 =	vlt.f32 v22, v57;
	vm0 =	vmor vm8, vm0;
	vm8 =	vlt.f32 v28, v57  }
0x1db: {  	vm11 =	vmand vm9, vm10;
	vm9 =	vgt.f32 v8, v56;
	vm10 =	vlt.f32 v23, v57  }
0x1dc: {  	vm0 =	vmor vm1, vm0;
	vm1 =	vmand vm7, vm8;
	vm7 =	vgt.f32 v10, v56  }
0x1dd: {  	vm8 =	vlt.f32 v15, v57;
	vm0 =	vmor vm13, vm0;
	vm13 =	vlt.f32 v18, v57  }
0x1de: {  	vm0 =	vmor vm6, vm0;
	vm6 =	vmand vm14, vm15;
	vm14 =	vgt.f32 v6, v56  }
0x1df: {  	vm15 =	vlt.f32 v26, v57;
	vm0 =	vmor vm1, vm0;
	vm1 =	vmand vm12, vm13  }
0x1e0: {  	vm12 =	vgt.f32 v7, v56;
	vm13 =	vlt.f32 v19, v57;
	vm0 =	vmor vm11, vm0  }
0x1e1: {  	vm11 =	vmand vm9, vm10;
	vm9 =	vgt.f32 v4, v56;
	vm10 =	vlt.f32 v30, v57  }
0x1e2: {  	vm0 =	vmor vm1, vm0;
	vm1 =	vmand vm7, vm8;
	vm7 =	vgt.f32 v3, v56  }
0x1e3: {  	vm8 =	vlt.f32 v24, v57;
	vm0 =	vmor vm6, vm0;
	vm6 =	vmand vm14, vm15  }
0x1e4: {  	vm14 =	vgt.f32 v9, v56;
	vm15 =	vlt.f32 v32, v57;
	vm0 =	vmor vm1, vm0  }
0x1e5: {  	vm1 =	vmand vm12, vm13;
	vm12 =	vgt.f32 v5, v56;
	vm13 =	vlt.f32 v29, v57  }
0x1e6: {  	vm4 =	vmand vm14, vm15;
	vm14 =	vgt.f32 v16, v58;
	vm15 =	vlt.f32 v28, v59  }
0x1e7: {  	vm0 =	vmor vm11, vm0;
	vm11 =	vmand vm9, vm10;
	vm10 =	vgt.f32 v27, v56  }
0x1e8: {  	vm0 =	vmor vm1, vm0;
	vm1 =	vmand vm7, vm8;
	vm7 =	vgt.f32 v17, v56  }
0x1e9: {  	vm8 =	vlt.f32 v35, v57;
	vm0 =	vmor vm6, vm0;
	vm6 =	vlt.f32 v31, v57  }
0x1ea: {  	vm9 =	vmand vm7, vm8;
	vm7 =	vgt.f32 v14, v58;
	vm8 =	vlt.f32 v25, v59  }
0x1eb: {  	vm0 =	vmor vm1, vm0;
	vm1 =	vmand vm12, vm13;
	vm12 =	vgt.f32 v34, v56  }
0x1ec: {  	vm13 =	vlt.f32 v2, v57;
	vm0 =	vmor vm11, vm0;
	vm11 =	vlt.f32 v33, v57  }
0x1ed: {  	vm0 =	vmor vm1, vm0;
	vm1 =	vmand vm5, vm6;
	vm6 =	vmand vm14, vm15  }
0x1ee: {  	vm14 =	vgt.f32 v10, v58;
	vm15 =	vlt.f32 v15, v59;
	vm0 =	vmor vm4, vm0  }
0x1ef: {  	vm4 =	vgt.f32 v17, v58;
	vm0 =	vmor vm1, vm0;
	vm1 =	vmand vm10, vm11  }
0x1f0: {  	vm10 =	vlt.f32 v18, v59;
	vm0 =	vmor vm9, vm0;
	vm9 =	vgt.f32 v13, v58  }
0x1f1: {  	vm0 =	vmor vm1, vm0;
	vm1 =	vmand vm13, vm12;
	vm11 =	vmand vm9, vm10  }
0x1f2: {  	vm12 =	vgt.f32 v11, v58;
	vm13 =	vlt.f32 v22, v59;
	vm9 =	vgt.f32 v7, v58  }
0x1f3: {  	vm10 =	vlt.f32 v19, v59;
	vm0 =	vmor vm1, vm0;
	vm1 =	vmand vm7, vm8  }
0x1f4: {  	vm7 =	vgt.f32 v8, v58;
	vm8 =	vlt.f32 v23, v59;
	vm0 =	vmor vm6, vm0  }
0x1f5: {  	vm6 =	vmand vm14, vm15;
	vm14 =	vgt.f32 v3, v58;
	vm15 =	vlt.f32 v24, v59  }
0x1f6: {  	vm0 =	vmor vm1, vm0;
	vm1 =	vmand vm12, vm13;
	vm12 =	vgt.f32 v6, v58  }
0x1f7: {  	vm13 =	vlt.f32 v26, v59;
	vm5 =	vmand vm14, vm15;
	vm14 =	vlt.f32 v31, v59  }
0x1f8: {  	vm0 =	vmor vm11, vm0;
	vm11 =	vmand vm9, vm10;
	vm9 =	vlt.f32 v29, v59  }
0x1f9: {  	vm0 =	vmor vm1, vm0;
	vm1 =	vmand vm7, vm8;
	vm7 =	vlt.f32 v30, v59  }
0x1fa: {  	vm8 =	vgt.f32 v5, v58;
	vm0 =	vmor vm6, vm0;
	vm6 =	vgt.f32 v4, v58  }
0x1fb: {  	vm10 =	vmand vm8, vm9;
	vm9 =	vgt.f32 v34, v58;
	vm0 =	vmor vm1, vm0  }
0x1fc: {  	vm1 =	vmand vm12, vm13;
	vm12 =	vlt.f32 v32, v59;
	vm13 =	vgt.f32 v12, v58  }
0x1fd: {  	vm0 =	vmor vm11, vm0;
	vm11 =	vgt.f32 v9, v58;
	vm15 =	vmand vm13, vm14  }
0x1fe: {  	vm13 =	vlt.f32 v28, v61;
	vm14 =	vgt.f32 v14, v60;
	vm0 =	vmor vm1, vm0  }
0x1ff: {  	vm1 =	vmand vm6, vm7;
	vm6 =	vgt.f32 v27, v58;
	vm7 =	vlt.f32 v33, v59  }
0x200: {  	vm0 =	vmor vm5, vm0;
	vm5 =	vlt.f32 v35, v59;
	vm8 =	vmand vm6, vm7  }
0x201: {  	vm7 =	vgt.f32 v13, v60;
	vm0 =	vmor vm1, vm0;
	vm1 =	vmand vm11, vm12  }
0x202: {  	vm12 =	vgt.f32 v16, v60;
	vm0 =	vmor vm10, vm0;
	vm10 =	vlt.f32 v2, v59  }
0x203: {  	vm0 =	vmor vm1, vm0;
	vm1 =	vmand vm4, vm5;
	vm11 =	vmand vm10, vm9  }
0x204: {  	vm9 =	vgt.f32 v11, v60;
	vm10 =	vlt.f32 v22, v61;
	vm0 =	vmor vm15, vm0  }
0x205: {  	vm4 =	vgt.f32 v27, v60;
	vm15 =	vlt.f32 v25, v61;
	vm0 =	vmor vm1, vm0  }
0x206: {  	vm1 =	vmand vm12, vm13;
	vm6 =	vmand vm14, vm15;
	vm12 =	vgt.f32 v10, v60  }
0x207: {  	vm13 =	vlt.f32 v15, v61;
	vm14 =	vgt.f32 v8, v60;
	vm0 =	vmor vm8, vm0  }
0x208: {  	vm15 =	vlt.f32 v23, v61;
	vm8 =	vlt.f32 v18, v61;
	vm0 =	vmor vm11, vm0  }
0x209: {  	vm11 =	vmand vm9, vm10;
	vm9 =	vgt.f32 v6, v60;
	vm10 =	vlt.f32 v26, v61  }
0x20a: {  	vm0 =	vmor vm1, vm0;
	vm1 =	vmand vm7, vm8;
	vm7 =	vgt.f32 v7, v60  }
0x20b: {  	vm8 =	vlt.f32 v19, v61;
	vm0 =	vmor vm6, vm0;
	vm6 =	vmand vm14, vm15  }
0x20c: {  	vm14 =	vgt.f32 v4, v60;
	vm15 =	vlt.f32 v30, v61;
	vm0 =	vmor vm1, vm0  }
0x20d: {  	vm1 =	vmand vm12, vm13;
	vm12 =	vgt.f32 v3, v60;
	vm13 =	vlt.f32 v24, v61  }
0x20e: {  	vm5 =	vmand vm14, vm15;
	vm14 =	vlt.f32 v35, v61;
	vm0 =	vmor vm11, vm0  }
0x20f: {  	vm11 =	vmand vm9, vm10;
	vm9 =	vlt.f32 v32, v61;
	vm0 =	vmor vm1, vm0  }
0x210: {  	vm1 =	vmand vm7, vm8;
	vm7 =	vlt.f32 v29, v61;
	vm8 =	vgt.f32 v9, v60  }
0x211: {  	vm0 =	vmor vm6, vm0;
	vm6 =	vgt.f32 v5, v60;
	vm10 =	vmand vm8, vm9  }
0x212: {  	vm9 =	vgt.f32 v16, v62;
	vm0 =	vmor vm1, vm0;
	vm1 =	vmand vm12, vm13  }
0x213: {  	vm12 =	vlt.f32 v31, v61;
	vm13 =	vgt.f32 v17, v60;
	vm0 =	vmor vm11, vm0  }
0x214: {  	vm11 =	vgt.f32 v12, v60;
	vm15 =	vmand vm13, vm14;
	vm13 =	vlt.f32 v25, v63  }
0x215: {  	vm14 =	vgt.f32 v13, v62;
	vm0 =	vmor vm1, vm0;
	vm1 =	vmand vm6, vm7  }
0x216: {  	vm6 =	vgt.f32 v34, v60;
	vm7 =	vlt.f32 v2, v61;
	vm0 =	vmor vm5, vm0  }
0x217: {  	vm5 =	vlt.f32 v33, v61;
	vm8 =	vmand vm7, vm6;
	vm0 =	vmor vm1, vm0  }
0x218: {  	vm7 =	vgt.f32 v11, v62;
	vm1 =	vmand vm11, vm12;
	vm0 =	vmor vm10, vm0  }
0x219: {  	vm12 =	vgt.f32 v14, v62;
	vm10 =	vlt.f32 v28, v63;
	vm0 =	vmor vm1, vm0  }
0x21a: {  	vm1 =	vmand vm4, vm5;
	vm11 =	vmand vm9, vm10;
	vm9 =	vgt.f32 v10, v62  }
0x21b: {  	vm10 =	vlt.f32 v15, v63;
	vm4 =	vgt.f32 v9, v62;
	vm0 =	vmor vm15, vm0  }
0x21c: {  	vm15 =	vlt.f32 v18, v63;
	vm0 =	vmor vm1, vm0;
	vm1 =	vmand vm12, vm13  }
0x21d: {  	vm6 =	vmand vm14, vm15;
	vm12 =	vgt.f32 v8, v62;
	vm13 =	vlt.f32 v23, v63  }
0x21e: {  	vm14 =	vgt.f32 v7, v62;
	vm15 =	vlt.f32 v19, v63;
	vm0 =	vmor vm8, vm0  }
0x21f: {  	vm8 =	vlt.f32 v22, v63;
	vm5 =	vmand vm14, vm15;
	vm14 =	vlt.f32 v29, v63  }
0x220: {  	vm0 =	vmor vm11, vm0;
	vm11 =	vmand vm9, vm10;
	vm9 =	vlt.f32 v24, v63  }
0x221: {  	vm0 =	vmor vm1, vm0;
	vm1 =	vmand vm7, vm8;
	vm7 =	vlt.f32 v26, v63  }
0x222: {  	vm8 =	vgt.f32 v3, v62;
	vm0 =	vmor vm6, vm0;
	vm6 =	vgt.f32 v6, v62  }
0x223: {  	vm10 =	vmand vm8, vm9;
	vm9 =	vgt.f32 v17, v62;
	vm0 =	vmor vm1, vm0  }
0x224: {  	vm1 =	vmand vm12, vm13;
	vm12 =	vlt.f32 v30, v63;
	vm13 =	vgt.f32 v5, v62  }
0x225: {  	vm0 =	vmor vm11, vm0;
	vm11 =	vgt.f32 v4, v62;
	vm15 =	vmand vm13, vm14  }
0x226: {  	vm14 =	vgt.f32 v34, v62;
	vm0 =	vmor vm1, vm0;
	vm1 =	vmand vm6, vm7  }
0x227: {  	vm6 =	vgt.f32 v12, v62;
	vm7 =	vlt.f32 v31, v63;
	vm0 =	vmor vm5, vm0  }
0x228: {  	vm5 =	vlt.f32 v32, v63;
	vm8 =	vmand vm6, vm7;
	vm7 =	vgt.f32 v16, v20  }
0x229: {  	vm0 =	vmor vm1, vm0;
	vm1 =	vmand vm11, vm12;
	vm11 =	vgt.f32 v27, v62  }
0x22a: {  	vm12 =	vlt.f32 v33, v63;
	vm0 =	vmor vm10, vm0;
	vm10 =	vlt.f32 v35, v63  }
0x22b: {  	vm13 =	vmand vm11, vm12;
	vm12 =	vgt.f32 v13, v20;
	vm0 =	vmor vm1, vm0  }
0x22c: {  	vm1 =	vmand vm4, vm5;
	vm0 =	vmor vm15, vm0;
	vm15 =	vlt.f32 v2, v63  }
0x22d: {  	vm0 =	vmor vm1, vm0;
	vm1 =	vmand vm9, vm10;
	vm6 =	vmand vm15, vm14  }
0x22e: {  	vm9 =	vgt.f32 v14, v20;
	vm10 =	vlt.f32 v25, v21;
	vm14 =	vgt.f32 v11, v20  }
0x22f: {  	vm15 =	vlt.f32 v22, v21;
	vm0 =	vmor vm8, vm0;
	vm8 =	vlt.f32 v28, v21  }
0x230: {  	vm11 =	vmand vm9, vm10;
	vm9 =	vgt.f32 v8, v20;
	vm10 =	vlt.f32 v23, v21  }
0x231: {  	vm0 =	vmor vm1, vm0;
	vm1 =	vmand vm7, vm8;
	vm7 =	vgt.f32 v10, v20  }
0x232: {  	vm8 =	vlt.f32 v15, v21;
	vm0 =	vmor vm13, vm0;
	vm13 =	vlt.f32 v18, v21  }
0x233: {  	vm0 =	vmor vm6, vm0;
	vm6 =	vmand vm14, vm15;
	vm14 =	vgt.f32 v6, v20  }
0x234: {  	vm15 =	vlt.f32 v26, v21;
	vm0 =	vmor vm1, vm0;
	vm1 =	vmand vm12, vm13  }
0x235: {  	vm12 =	vgt.f32 v7, v20;
	vm13 =	vlt.f32 v19, v21;
	vm0 =	vmor vm11, vm0  }
0x236: {  	vm11 =	vmand vm9, vm10;
	vm9 =	vgt.f32 v4, v20;
	vm10 =	vlt.f32 v30, v21  }
0x237: {  	vm0 =	vmor vm1, vm0;
	vm1 =	vmand vm7, vm8;
	vm7 =	vgt.f32 v3, v20  }
0x238: {  	vm8 =	vlt.f32 v24, v21;
	vm0 =	vmor vm6, vm0;
	vm6 =	vmand vm14, vm15  }
0x239: {  	vm14 =	vgt.f32 v9, v20;
	vm15 =	vlt.f32 v32, v21;
	vm0 =	vmor vm1, vm0  }
0x23a: {  	vm1 =	vmand vm12, vm13;
	vm12 =	vgt.f32 v5, v20;
	vm0 =	vmor vm11, vm0  }
0x23b: {  	vm13 =	vlt.f32 v29, v21;
	vm5 =	vmand vm14, vm15;
	vm0 =	vmor vm1, vm0  }
0x23c: {  	vm14 =	vlt.f32 v2, v21;
	vm1 =	vmand vm7, vm8;
	vm0 =	vmor vm6, vm0  }
0x23d: {  	vm11 =	vmand vm9, vm10;
	vm9 =	vlt.f32 v35, v21;
	vm0 =	vmor vm1, vm0  }
0x23e: {  	vm7 =	vlt.f32 v31, v21;
	vm1 =	vmand vm12, vm13;
	vm0 =	vmor vm11, vm0  }
0x23f: {  	vm8 =	vgt.f32 v17, v20;
	vm6 =	vgt.f32 v12, v20;
	vm0 =	vmor vm1, vm0  }
0x240: {  	vm10 =	vmand vm8, vm9;
	vm1 =	vmand vm6, vm7;
	vm0 =	vmor vm5, vm0  }
0x241: {  	vm12 =	vlt.f32 v33, v21;
	vm11 =	vgt.f32 v27, v20;
	vm0 =	vmor vm1, vm0  }
0x242: {  	vm13 =	vgt.f32 v34, v20;
	vm1 =	vmand vm11, vm12;
	vm0 =	vmor vm10, vm0  }
0x243: {  	vm15 =	vmand vm14, vm13;
	vm0 =	vmor vm1, vm0  }
0x244: {  	vm0 =	vmor vm15, vm0  }
0x245: {  	v3 =	vsel vm0, $0x3F800000, v0  }
0x246: {  	(v2sf) =	vpush v3, $0x0  }
0x247: {  	(v2sf) =	vpush v3, $0x1;
	_ =	sdelay $0x1  }
0x248: {  	(v2sf) =	vpush v3, $0x2;
	_ =	sdelay $0x1  }
0x249: {  	(v2sf) =	vpush v3, $0x3;
	_ =	sdelay $0x1  }
0x24a: {  	(v2sf) =	vpush v3, $0x4;
	_ =	sdelay $0x1  }
0x24b: {  	(v2sf) =	vpush v3, $0x5;
	_ =	sdelay $0x1  }
0x24c: {  	(v2sf) =	vpush v3, $0x6;
	_ =	sdelay $0x1  }
0x24d: {  	(v2sf) =	vpush v3, $0x7;
	_ =	sdelay $0x1  }
0x24e: {  	s28 =	spop (v2sf);
	(v2sf) =	vpush v3, $0x8  }
0x24f: {  	s19 =	spop (v2sf)  }
0x250: {  	(v2sf) =	vpush v3, $0x9;
	s18 =	sadd.f32 s19, s28  }
0x251: {  	s29 =	spop (v2sf)  }
0x252: {  	(v2sf) =	vpush v3, $0xA;
	s18 =	sadd.f32 s18, s29  }
0x253: {  	s30 =	spop (v2sf)  }
0x254: {  	(v2sf) =	vpush v3, $0xB;
	s18 =	sadd.f32 s18, s30  }
0x255: {  	s31 =	spop (v2sf)  }
0x256: {  	(v2sf) =	vpush v3, $0xC;
	s18 =	sadd.f32 s18, s31  }
0x257: {  	s20 =	spop (v2sf)  }
0x258: {  	(v2sf) =	vpush v3, $0xD;
	s18 =	sadd.f32 s18, s20  }
0x259: {  	s21 =	spop (v2sf)  }
0x25a: {  	(v2sf) =	vpush v3, $0xE;
	s18 =	sadd.f32 s18, s21  }
0x25b: {  	s22 =	spop (v2sf)  }
0x25c: {  	(v2sf) =	vpush v3, $0xF;
	s18 =	sadd.f32 s18, s22  }
0x25d: {  	s23 =	spop (v2sf)  }
0x25e: {  	s18 =	sadd.f32 s18, s23  }
0x25f: {  	s24 =	spop (v2sf)  }
0x260: {  	s18 =	sadd.f32 s18, s24  }
0x261: {  	s25 =	spop (v2sf)  }
0x262: {  	s18 =	sadd.f32 s18, s25  }
0x263: {  	s26 =	spop (v2sf)  }
0x264: {  	s18 =	sadd.f32 s18, s26  }
0x265: {  	s28 =	spop (v2sf)  }
0x266: {  	s18 =	sadd.f32 s18, s28  }
0x267: {  	s29 =	spop (v2sf)  }
0x268: {  	s18 =	sadd.f32 s18, s29  }
0x269: {  	s30 =	spop (v2sf)  }
0x26a: {  	s18 =	sadd.f32 s18, s30  }
0x26b: {  	s31 =	spop (v2sf)  }
0x26c: {  	s18 =	sadd.f32 s18, s31  }
.Ltmp9:
0x26d: {  	_ = 	snop;
	(pc) =	sbr.rel .LBB2_9-.Ltmp9, $4  }
0x26e: {  	p0 =	sgt.f32 s18, $0.0e+00  }
0x26f: {  	s18 =	simm.s32 $0x1  }
0x270: {  	s18 =	simm.s32 @!p0 $0x0  }
0x271: {  	[smem:$0x0] =	sst s18  }
.LBB2_12:
0x272: {  	_ =	sfence.sel $0x180000  }
0x273: {  	[bflag:$0x0] =	sbarrier.arrive $0xFFFF  }
0x274: {  	p0 =	sne.s32 s1, $0x0;
	_ =	strace $0x90000047  }
0x275: {  	s0 =	sadd.s32 @!p0 $0x100000, s0;
	[bflag:$0x2] =	sbarrier.arrive $0xFFFF  }
0x276: {  	[sflag:s0] =	ssyncadd.tile.s32 @!p0 $0x1;
	_ =	shalt  }
.Lfunc_end2:
_tile_overlayer_lowered:
.L_overlay_start_2:
0x277: {  	(tag) =	ssettag $0x2  }
0x278: {  	s0 =	rddreg [dreg:$0x0];
	s2 =	stileid.u32  }
0x279: {  	s1 =	rddreg [dreg:$0x1];
	p0 =	sne.s32 s2, $0x0  }
0x27a: {  	s3 =	rddreg [dreg:$0x2];
	[bflag:$0x3] =	sbarrier.arrive $0xFFFF;
	s2 =	simm.s32 @!p0 $0x1C03  }
0x27b: {  	[timem:s3], [sflag:s2] =	dma.local @!p0 [hbm:s0], s1  }
0x27c: {  	s0 =	simm.s32 @!p0 $0x3  }
0x27d: {  	_ =	swait.ge @!p0 [sflag:s0], s1  }
0x27e: {  	s1 =	ssub.s32 @!p0 $0x0, s1;
	[sflag:s0] =	ssyncset.done @!p0 $0x0  }
0x27f: {  	[sflag:s0] =	ssyncadd.s32 @!p0 s1  }
0x280: {  	[bflag:$0x3] =	sbarrier.arrive $0xFFFF  }
0x281: {  	_ =	shalt  }

</sc_bundles>
